<compile_context>
chip_gen: v7x
topology: tpu7x:2x2x1
jax: 0.10.2.dev20260603
libtpu: 0.0.44.dev20260713+nightly
codegen_flags: <defaults>
</compile_context>

<pallas_src>
import functools

import jax
import jax.numpy as jnp
from jax import lax
from jax.experimental import pallas as pl
from jax.experimental.pallas import tpu as pltpu
from jax.experimental.pallas import tpu_sc as plsc

HMR = 3
BETA = 1.0


def _phase1_body(conf_ref, pbt_ref, dbt_ref, gt_ref, lab_ref, key_ref,
                 log_ref, sums_ref):
    nb = pl.program_id(1)

    conf = conf_ref[0]
    rmax = jnp.max(conf, axis=1)[None, :]

    lab = lab_ref[0]
    cc = jax.lax.dot_general(lab, conf, (((1,), (1,)), ((), ())),
                             preferred_element_type=jnp.float32)

    gt = gt_ref[0]
    gx0, gy0, gx1, gy1 = (gt[:, c:c + 1] for c in range(4))
    db = dbt_ref[nb]
    dx0, dy0, dx1, dy1 = (db[c:c + 1] for c in range(4))

    area_a = (dx1 - dx0) * (dy1 - dy0)
    area_g = (gx1 - gx0) * (gy1 - gy0)
    wx = jnp.clip(jnp.minimum(dx1, gx1) - jnp.maximum(dx0, gx0), 0.0, None)
    wy = jnp.clip(jnp.minimum(dy1, gy1) - jnp.maximum(dy0, gy0), 0.0, None)
    inter = wx * wy
    denom = area_a + area_g - inter + 1e-9
    matches = jnp.logical_and(inter >= 0.5 * denom, denom > 0.0)
    box_m = jnp.any(matches, axis=0, keepdims=True)

    pb = pbt_ref[0, nb]
    ssl1 = 0.0
    for c in range(4):
        d = pb[c:c + 1] - gt[:, c:c + 1]
        ad = jnp.abs(d)
        ssl1 = ssl1 + jnp.where(ad < BETA, 0.5 * d * d / BETA,
                                ad - 0.5 * BETA)
    ll = jnp.sum(jnp.where(matches, ssl1, 0.0))
    ml = jnp.sum(jnp.where(matches, jnp.log(cc), 0.0))

    negv = jnp.where(box_m, -1.0, rmax)
    key_ref[0, 0] = jax.lax.bitcast_convert_type(negv, jnp.int32)
    log_ref[0, 0] = jnp.where(box_m, 0.0, jnp.log(1.0 + rmax))

    lane = jax.lax.broadcasted_iota(jnp.int32, (1, 128), 1)
    contrib = (jnp.where(lane == 1, ll, 0.0)
               + jnp.where(lane == 2, ml, 0.0))

    @pl.when(nb == 0)
    def _():
        sums_ref[0] = contrib

    @pl.when(nb != 0)
    def _():
        sums_ref[0] = sums_ref[0] + contrib


def _sc_phase2_body(n, npad, keys_hbm, logs_hbm, out_hbm, keys_v, logs_v,
                    hist_v, row_v):
    wid = lax.axis_index("s") * 2 + lax.axis_index("c")
    nv = npad // 16

    @pl.when(wid < keys_hbm.shape[0])
    def _():
        pltpu.sync_copy(keys_hbm.at[wid], keys_v)
        pltpu.sync_copy(logs_hbm.at[wid], logs_v)
        ones = jnp.ones((16,), jnp.float32)
        unroll = 8

        def hist_fill(shift, lo, hi, count_negs):
            for i2 in range(1024 // 16):
                hist_v[pl.ds(i2 * 16, 16)] = jnp.zeros((16,), jnp.float32)

            def hbody(ii, acc):
                for u in range(unroll):
                    k = keys_v[pl.ds((ii * unroll + u) * 16, 16)]
                    ok = jnp.logical_and(k >= lo, k < hi)
                    b_ = jnp.bitwise_and(
                        jax.lax.shift_right_logical(k, shift), 1023)
                    plsc.addupdate_scatter(hist_v, [b_], ones, mask=ok)
                    if count_negs:
                        acc = acc + jnp.sum(jnp.where(k < 0, 1.0, 0.0))
                return acc

            return lax.fori_loop(0, nv // unroll, hbody, 0.0)

        def select(shift, lo, rem):
            def sbody(i, c):
                cnt_above, jstar, sexcl_sel = c
                v = 63 - i
                h = hist_v[pl.ds(v * 16, 16)]
                sincl = lax.rev(plsc.cumsum(lax.rev(h, (0,))), (0,))
                sincl = sincl + cnt_above
                sexcl = sincl - h
                m = jnp.logical_and(sexcl < rem, sincl >= rem)
                ids = (lax.iota(jnp.int32, 16) + v * 16).astype(jnp.float32)
                jstar = jstar + jnp.sum(jnp.where(m, ids, 0.0))
                sexcl_sel = sexcl_sel + jnp.sum(jnp.where(m, sexcl, 0.0))
                cnt_above = cnt_above + jnp.sum(h)
                return (cnt_above, jstar, sexcl_sel)

            _, jstar_f, sexcl_sel = lax.fori_loop(0, 64, sbody,
                                                  (0.0, 0.0, 0.0))
            jstar = jstar_f.astype(jnp.int32)
            return lo + jax.lax.shift_left(jstar, shift), rem - sexcl_sel

        lo = jnp.int32(0)
        negs = hist_fill(20, lo, jnp.int32(1 << 30), True)
        tm = negs - float(npad - n)
        div = jnp.where(tm > 0.0, tm, 1000.0)
        kk = jnp.minimum(HMR * div, float(n) - tm)

        lo, rem = select(20, lo, kk)
        hist_fill(10, lo, lo + (1024 << 10), False)
        lo, rem = select(10, lo, rem)
        hist_fill(0, lo, lo + 1024, False)
        t, _ = select(0, lo, rem)

        def fbody(ii, c):
            cgt, sgt, ceq, seq = c
            for u in range(unroll):
                k = keys_v[pl.ds((ii * unroll + u) * 16, 16)]
                lg = logs_v[pl.ds((ii * unroll + u) * 16, 16)]
                mgt = k > t
                meq = k == t
                cgt = cgt + jnp.sum(jnp.where(mgt, 1.0, 0.0))
                sgt = sgt + jnp.sum(jnp.where(mgt, lg, 0.0))
                ceq = ceq + jnp.sum(jnp.where(meq, 1.0, 0.0))
                seq = seq + jnp.sum(jnp.where(meq, lg, 0.0))
            return (cgt, sgt, ceq, seq)

        cgt, sgt, ceq, seq = lax.fori_loop(0, nv // unroll, fbody,
                                           (0.0, 0.0, 0.0, 0.0))
        lane = lax.iota(jnp.int32, 16)
        row_v[...] = (jnp.where(lane == 0, sgt, 0.0)
                      + jnp.where(lane == 1, tm, 0.0)
                      + jnp.where(lane == 2, cgt, 0.0)
                      + jnp.where(lane == 3, ceq, 0.0)
                      + jnp.where(lane == 4, seq, 0.0)
                      + jnp.where(lane == 5, kk, 0.0))
        pltpu.sync_copy(row_v, out_hbm.at[wid])


def kernel(pred_boxes, pred_confidences, gt_boxes, gt_labels, default_boxes):
    b, n, c = pred_confidences.shape
    g = gt_boxes.shape[1]
    bn = 4000
    nblk = n // bn

    pb_t = (jnp.transpose(pred_boxes, (0, 2, 1))
            .reshape(b, 4, nblk, bn).transpose(0, 2, 1, 3))
    db_t = (jnp.transpose(default_boxes, (1, 0))
            .reshape(4, nblk, bn).transpose(1, 0, 2))
    lab_f = gt_labels.astype(jnp.float32)

    keys, logs, sums = pl.pallas_call(
        _phase1_body,
        grid=(b, nblk),
        in_specs=[
            pl.BlockSpec((1, bn, c), lambda i, j: (i, j, 0)),
            pl.BlockSpec((1, nblk, 4, bn), lambda i, j: (i, 0, 0, 0)),
            pl.BlockSpec((nblk, 4, bn), lambda i, j: (0, 0, 0)),
            pl.BlockSpec((1, g, 4), lambda i, j: (i, 0, 0)),
            pl.BlockSpec((1, g, c), lambda i, j: (i, 0, 0)),
        ],
        out_specs=[
            pl.BlockSpec((1, 1, 1, bn), lambda i, j: (i, j, 0, 0)),
            pl.BlockSpec((1, 1, 1, bn), lambda i, j: (i, j, 0, 0)),
            pl.BlockSpec((1, 1, 128), lambda i, j: (i, 0, 0)),
        ],
        out_shape=[
            jax.ShapeDtypeStruct((b, nblk, 1, bn), jnp.int32),
            jax.ShapeDtypeStruct((b, nblk, 1, bn), jnp.float32),
            jax.ShapeDtypeStruct((b, 1, 128), jnp.float32),
        ],
    )(pred_confidences, pb_t, db_t, gt_boxes, lab_f)

    npad = ((n + 127) // 128) * 128
    keys2 = jnp.pad(keys.reshape(b, n), ((0, 0), (0, npad - n)),
                    constant_values=-1)
    logs2 = jnp.pad(logs.reshape(b, n), ((0, 0), (0, npad - n)),
                    constant_values=0.0)

    mesh = plsc.VectorSubcoreMesh(core_axis_name="c", subcore_axis_name="s")
    sc2 = functools.partial(
        pl.kernel,
        out_type=jax.ShapeDtypeStruct((b, 16), jnp.float32),
        mesh=mesh,
        compiler_params=pltpu.CompilerParams(needs_layout_passes=False),
        scratch_types=[
            pltpu.VMEM((npad,), jnp.int32),
            pltpu.VMEM((npad,), jnp.float32),
            pltpu.VMEM((1024,), jnp.float32),
            pltpu.VMEM((16,), jnp.float32),
        ],
    )(functools.partial(_sc_phase2_body, n, npad))
    scout = sc2(keys2, logs2)

    sgt, tm, cgt, ceq, seq, kk = (scout[:, i] for i in range(6))
    logt = jnp.where(ceq > 0.0, seq / jnp.maximum(ceq, 1.0), 0.0)
    nm = jnp.where(kk > 0.0, sgt + (kk - cgt) * logt, 0.0)
    ll = sums[:, 0, 1]
    ml = sums[:, 0, 2]
    div = jnp.where(tm > 0.0, tm, 1000.0)
    return jnp.sum((-ml + nm + ll) / div)

# --- scband reference (transcript-rebuilt; emitter-appended) ---
"""Pipeline reference for scband-ssdloss-73409581023611 (READ-ONLY COPY).

The authoritative reference and input builder live on the scoring server;
editing this copy changes nothing except your own understanding.
"""

import jax, jax.numpy as jnp
import numpy as np

B, N, G, C = 16, 20000, 32, 81
HMR = 3
BETA = 1.0

def _iou(a, b):
    area_a = (a[:, 2] - a[:, 0]) * (a[:, 3] - a[:, 1])
    area_b = (b[:, 2] - b[:, 0]) * (b[:, 3] - b[:, 1])
    lt = jnp.maximum(a[:, None, :2], b[None, :, :2])
    rb = jnp.minimum(a[:, None, 2:], b[None, :, 2:])
    wh = jnp.clip(rb - lt, 0.0, None)
    inter = wh[..., 0] * wh[..., 1]
    return inter / (area_a[:, None] + area_b[None, :] - inter + 1e-9)

def setup_inputs(seed: int = 0):
    key = jax.random.key(seed)
    k1, k2, k3, k4, k5, k6, k7 = jax.random.split(key, 7)
    centers = jax.random.uniform(k1, (N, 2), minval=0.2, maxval=0.8)
    sizes = jax.random.uniform(k2, (N, 2), minval=0.05, maxval=0.3)
    default_boxes = jnp.concatenate([centers - sizes / 2.0, centers + sizes / 2.0], axis=1)
    sel = jax.random.randint(k3, (B, G), 0, N)
    gt_boxes = default_boxes[sel] + 0.005 * jax.random.normal(k4, (B, G, 4))
    pred_boxes = default_boxes[None, :, :] + 0.05 * jax.random.normal(k5, (B, N, 4))
    pred_confidences = jax.nn.softmax(jax.random.normal(k6, (B, N, C)), axis=-1)
    cls = jax.random.randint(k7, (B, G), 0, C)
    gt_labels = jax.nn.one_hot(cls, C, dtype=jnp.int32)
    return {"pred_boxes": pred_boxes, "pred_confidences": pred_confidences, "gt_boxes": gt_boxes, "gt_labels": gt_labels, "default_boxes": default_boxes}

def reference(pred_boxes, pred_confidences, gt_boxes, gt_labels, default_boxes):
    loss = 0.0
    n = default_boxes.shape[0]
    for b in range(pred_boxes.shape[0]):
        matches = _iou(default_boxes, gt_boxes[b]) >= 0.5
        box_matches = jnp.any(matches, axis=1)
        total_matches = jnp.sum(box_matches)
        conf = pred_confidences[b]
        has_matches = total_matches > 0
        d = pred_boxes[b][:, None, :] - gt_boxes[b][None, :, :]
        ad = jnp.abs(d)
        sl1 = jnp.where(ad < BETA, 0.5 * d * d / BETA, ad - 0.5 * BETA)
        loc_loss_val = jnp.sum(jnp.where(matches[..., None], sl1, 0.0))
        cls_per_gt = jnp.argmax(gt_labels[b], axis=1)
        conf_cls = conf[:, cls_per_gt]
        matches_loss_val = jnp.sum(jnp.where(matches, jnp.log(conf_cls), 0.0))
        loc_loss = jnp.where(has_matches, loc_loss_val, 0.0)
        matches_loss = jnp.where(has_matches, matches_loss_val, 0.0)
        div = jnp.where(has_matches, total_matches, 1000)
        row_max = jnp.max(conf, axis=1)
        neg_vals = jnp.where(box_matches, -1.0, row_max)
        sorted_neg = jnp.sort(neg_vals)[::-1]
        ranks = jnp.arange(n)
        num_neg = n - total_matches
        valid = jnp.logical_and(ranks < HMR * div, ranks < num_neg)
        nomatch_loss = jnp.sum(jnp.where(valid, jnp.log(1.0 + sorted_neg), 0.0))
        loss = loss + (-matches_loss + nomatch_loss + loc_loss) / div
    return loss

if __name__ == "__main__":
    import jax
    _d = setup_inputs()
    print(jax.jit(kernel)(*tuple(_d.values())))

</pallas_src>

<mosaic_0001>
#map = affine_map<(d0, d1) -> (0, 0)>
module attributes {stable_mosaic.version = 14 : i64} {
  func.func @_sc_phase2_body(%arg0: i32, %arg1: i32, %arg2: memref<16x20096xi32, #tpu.memory_space<hbm>>, %arg3: memref<16x20096xf32, #tpu.memory_space<hbm>>, %arg4: memref<16x16xf32, #tpu.memory_space<hbm>>, %arg5: memref<20096xi32, #tpu.memory_space<vmem>>, %arg6: memref<20096xf32, #tpu.memory_space<vmem>>, %arg7: memref<1024xf32, #tpu.memory_space<vmem>>, %arg8: memref<16xf32, #tpu.memory_space<vmem>>) attributes {dimension_semantics = [#tpu.dimension_semantics<core_parallel>, #tpu.dimension_semantics<subcore_parallel>], iteration_bounds = array<i64: 2, 16>, scalar_prefetch = 0 : i64, scratch_operands = 4 : i64, tpu.core_type = #tpu.core_type<sc_vector_subcore>, window_params = [{transform_indices = #map}, {transform_indices = #map}, {transform_indices = #map}]} {
    %mul3A = arith.constant 2 : i32
    %mul3A_0 = arith.muli %arg1, %mul3A : i32
    %add3A = arith.addi %mul3A_0, %arg0 : i32
    %lt3A = arith.constant 16 : i32
    %lt3A_1 = arith.cmpi slt, %add3A, %lt3A : i32
    %convert_element_type3A = arith.extui %lt3A_1 : i1 to i32
    %cond3A = arith.constant 0 : i32
    %cond3A_2 = arith.cmpi ne, %convert_element_type3A, %cond3A : i32
    scf.if %cond3A_2 {
      "tpu.region"() ({
        %run_scoped3A = tpu.sem_alloc : memref<!tpu.dma_semaphore, #tpu.memory_space<semaphore_mem>>
        %dma_start3A = arith.constant 0 : i32
        %dma_start3A_901 = tpu.memref_slice %arg2[%add3A, %dma_start3A] : memref<16x20096xi32, #tpu.memory_space<hbm>> -> memref<1x20096xi32, #tpu.memory_space<hbm>>
        %dma_start3A_902 = tpu.memref_squeeze %dma_start3A_901 : memref<1x20096xi32, #tpu.memory_space<hbm>> -> memref<20096xi32, #tpu.memory_space<hbm>>
        %dma_start3A_903 = arith.constant 0 : i32
        %dma_start3A_904 = tpu.memref_slice %arg2[%add3A, %dma_start3A_903] : memref<16x20096xi32, #tpu.memory_space<hbm>> -> memref<1x20096xi32, #tpu.memory_space<hbm>>
        %dma_start3A_905 = tpu.memref_squeeze %dma_start3A_904 : memref<1x20096xi32, #tpu.memory_space<hbm>> -> memref<20096xi32, #tpu.memory_space<hbm>>
        tpu.enqueue_dma source(%dma_start3A_905 : memref<20096xi32, #tpu.memory_space<hbm>>) target(%arg5 : memref<20096xi32, #tpu.memory_space<vmem>>) target_semaphore(%run_scoped3A : memref<!tpu.dma_semaphore, #tpu.memory_space<semaphore_mem>>)
        %dma_wait3A = arith.constant 0 : i32
        %dma_wait3A_906 = tpu.memref_slice %arg2[%add3A, %dma_wait3A] : memref<16x20096xi32, #tpu.memory_space<hbm>> -> memref<1x20096xi32, #tpu.memory_space<hbm>>
        %dma_wait3A_907 = tpu.memref_squeeze %dma_wait3A_906 : memref<1x20096xi32, #tpu.memory_space<hbm>> -> memref<20096xi32, #tpu.memory_space<hbm>>
        %dma_wait3A_908 = arith.constant 0 : i32
        %dma_wait3A_909 = tpu.memref_slice %arg2[%add3A, %dma_wait3A_908] : memref<16x20096xi32, #tpu.memory_space<hbm>> -> memref<1x20096xi32, #tpu.memory_space<hbm>>
        %dma_wait3A_910 = tpu.memref_squeeze %dma_wait3A_909 : memref<1x20096xi32, #tpu.memory_space<hbm>> -> memref<20096xi32, #tpu.memory_space<hbm>>
        tpu.wait_dma2 semaphore(%run_scoped3A : memref<!tpu.dma_semaphore, #tpu.memory_space<semaphore_mem>>) src(%dma_wait3A_910 : memref<20096xi32, #tpu.memory_space<hbm>>) dst(%arg5 : memref<20096xi32, #tpu.memory_space<vmem>>)
        tpu.yield
      }) : () -> ()
      "tpu.region"() ({
        %run_scoped3A = tpu.sem_alloc : memref<!tpu.dma_semaphore, #tpu.memory_space<semaphore_mem>>
        %dma_start3A = arith.constant 0 : i32
        %dma_start3A_901 = tpu.memref_slice %arg3[%add3A, %dma_start3A] : memref<16x20096xf32, #tpu.memory_space<hbm>> -> memref<1x20096xf32, #tpu.memory_space<hbm>>
        %dma_start3A_902 = tpu.memref_squeeze %dma_start3A_901 : memref<1x20096xf32, #tpu.memory_space<hbm>> -> memref<20096xf32, #tpu.memory_space<hbm>>
        %dma_start3A_903 = arith.constant 0 : i32
        %dma_start3A_904 = tpu.memref_slice %arg3[%add3A, %dma_start3A_903] : memref<16x20096xf32, #tpu.memory_space<hbm>> -> memref<1x20096xf32, #tpu.memory_space<hbm>>
        %dma_start3A_905 = tpu.memref_squeeze %dma_start3A_904 : memref<1x20096xf32, #tpu.memory_space<hbm>> -> memref<20096xf32, #tpu.memory_space<hbm>>
        tpu.enqueue_dma source(%dma_start3A_905 : memref<20096xf32, #tpu.memory_space<hbm>>) target(%arg6 : memref<20096xf32, #tpu.memory_space<vmem>>) target_semaphore(%run_scoped3A : memref<!tpu.dma_semaphore, #tpu.memory_space<semaphore_mem>>)
        %dma_wait3A = arith.constant 0 : i32
        %dma_wait3A_906 = tpu.memref_slice %arg3[%add3A, %dma_wait3A] : memref<16x20096xf32, #tpu.memory_space<hbm>> -> memref<1x20096xf32, #tpu.memory_space<hbm>>
        %dma_wait3A_907 = tpu.memref_squeeze %dma_wait3A_906 : memref<1x20096xf32, #tpu.memory_space<hbm>> -> memref<20096xf32, #tpu.memory_space<hbm>>
        %dma_wait3A_908 = arith.constant 0 : i32
        %dma_wait3A_909 = tpu.memref_slice %arg3[%add3A, %dma_wait3A_908] : memref<16x20096xf32, #tpu.memory_space<hbm>> -> memref<1x20096xf32, #tpu.memory_space<hbm>>
        %dma_wait3A_910 = tpu.memref_squeeze %dma_wait3A_909 : memref<1x20096xf32, #tpu.memory_space<hbm>> -> memref<20096xf32, #tpu.memory_space<hbm>>
        tpu.wait_dma2 semaphore(%run_scoped3A : memref<!tpu.dma_semaphore, #tpu.memory_space<semaphore_mem>>) src(%dma_wait3A_910 : memref<20096xf32, #tpu.memory_space<hbm>>) dst(%arg6 : memref<20096xf32, #tpu.memory_space<vmem>>)
        tpu.yield
      }) : () -> ()
      %broadcast_in_dim3A = arith.constant 1.000000e+00 : f32
      %broadcast_in_dim3A_3 = vector.broadcast %broadcast_in_dim3A : f32 to vector<16xf32>
      %broadcast_in_dim3A_4 = arith.constant 0.000000e+00 : f32
      %broadcast_in_dim3A_5 = vector.broadcast %broadcast_in_dim3A_4 : f32 to vector<16xf32>
      %swap3A = arith.constant 0 : index
      %swap3A_6 = tpu.vector_load %arg7[%swap3A] {strides = array<i32>} : memref<1024xf32, #tpu.memory_space<vmem>>, vector<16xf32>,
      tpu.vector_store %arg7[%swap3A], %broadcast_in_dim3A_5 {strides = array<i32>} : memref<1024xf32, #tpu.memory_space<vmem>>, vector<16xf32>,
      %broadcast_in_dim3A_7 = arith.constant 0.000000e+00 : f32
      %broadcast_in_dim3A_8 = vector.broadcast %broadcast_in_dim3A_7 : f32 to vector<16xf32>
      %swap3A_9 = arith.constant 16 : index
      %swap3A_10 = tpu.vector_load %arg7[%swap3A_9] {strides = array<i32>} : memref<1024xf32, #tpu.memory_space<vmem>>, vector<16xf32>,
      tpu.vector_store %arg7[%swap3A_9], %broadcast_in_dim3A_8 {strides = array<i32>} : memref<1024xf32, #tpu.memory_space<vmem>>, vector<16xf32>,
      %broadcast_in_dim3A_11 = arith.constant 0.000000e+00 : f32
      %broadcast_in_dim3A_12 = vector.broadcast %broadcast_in_dim3A_11 : f32 to vector<16xf32>
      %swap3A_13 = arith.constant 32 : index
      %swap3A_14 = tpu.vector_load %arg7[%swap3A_13] {strides = array<i32>} : memref<1024xf32, #tpu.memory_space<vmem>>, vector<16xf32>,
      tpu.vector_store %arg7[%swap3A_13], %broadcast_in_dim3A_12 {strides = array<i32>} : memref<1024xf32, #tpu.memory_space<vmem>>, vector<16xf32>,
      %broadcast_in_dim3A_15 = arith.constant 0.000000e+00 : f32
      %broadcast_in_dim3A_16 = vector.broadcast %broadcast_in_dim3A_15 : f32 to vector<16xf32>
      %swap3A_17 = arith.constant 48 : index
      %swap3A_18 = tpu.vector_load %arg7[%swap3A_17] {strides = array<i32>} : memref<1024xf32, #tpu.memory_space<vmem>>, vector<16xf32>,
      tpu.vector_store %arg7[%swap3A_17], %broadcast_in_dim3A_16 {strides = array<i32>} : memref<1024xf32, #tpu.memory_space<vmem>>, vector<16xf32>,
      %broadcast_in_dim3A_19 = arith.constant 0.000000e+00 : f32
      %broadcast_in_dim3A_20 = vector.broadcast %broadcast_in_dim3A_19 : f32 to vector<16xf32>
      %swap3A_21 = arith.constant 64 : index
      %swap3A_22 = tpu.vector_load %arg7[%swap3A_21] {strides = array<i32>} : memref<1024xf32, #tpu.memory_space<vmem>>, vector<16xf32>,
      tpu.vector_store %arg7[%swap3A_21], %broadcast_in_dim3A_20 {strides = array<i32>} : memref<1024xf32, #tpu.memory_space<vmem>>, vector<16xf32>,
      %broadcast_in_dim3A_23 = arith.constant 0.000000e+00 : f32
      %broadcast_in_dim3A_24 = vector.broadcast %broadcast_in_dim3A_23 : f32 to vector<16xf32>
      %swap3A_25 = arith.constant 80 : index
      %swap3A_26 = tpu.vector_load %arg7[%swap3A_25] {strides = array<i32>} : memref<1024xf32, #tpu.memory_space<vmem>>, vector<16xf32>,
      tpu.vector_store %arg7[%swap3A_25], %broadcast_in_dim3A_24 {strides = array<i32>} : memref<1024xf32, #tpu.memory_space<vmem>>, vector<16xf32>,
      %broadcast_in_dim3A_27 = arith.constant 0.000000e+00 : f32
      %broadcast_in_dim3A_28 = vector.broadcast %broadcast_in_dim3A_27 : f32 to vector<16xf32>
      %swap3A_29 = arith.constant 96 : index
      %swap3A_30 = tpu.vector_load %arg7[%swap3A_29] {strides = array<i32>} : memref<1024xf32, #tpu.memory_space<vmem>>, vector<16xf32>,
      tpu.vector_store %arg7[%swap3A_29], %broadcast_in_dim3A_28 {strides = array<i32>} : memref<1024xf32, #tpu.memory_space<vmem>>, vector<16xf32>,
      %broadcast_in_dim3A_31 = arith.constant 0.000000e+00 : f32
      %broadcast_in_dim3A_32 = vector.broadcast %broadcast_in_dim3A_31 : f32 to vector<16xf32>
      %swap3A_33 = arith.constant 112 : index
      %swap3A_34 = tpu.vector_load %arg7[%swap3A_33] {strides = array<i32>} : memref<1024xf32, #tpu.memory_space<vmem>>, vector<16xf32>,
      tpu.vector_store %arg7[%swap3A_33], %broadcast_in_dim3A_32 {strides = array<i32>} : memref<1024xf32, #tpu.memory_space<vmem>>, vector<16xf32>,
      %broadcast_in_dim3A_35 = arith.constant 0.000000e+00 : f32
      %broadcast_in_dim3A_36 = vector.broadcast %broadcast_in_dim3A_35 : f32 to vector<16xf32>
      %swap3A_37 = arith.constant 128 : index
      %swap3A_38 = tpu.vector_load %arg7[%swap3A_37] {strides = array<i32>} : memref<1024xf32, #tpu.memory_space<vmem>>, vector<16xf32>,
      tpu.vector_store %arg7[%swap3A_37], %broadcast_in_dim3A_36 {strides = array<i32>} : memref<1024xf32, #tpu.memory_space<vmem>>, vector<16xf32>,
      %broadcast_in_dim3A_39 = arith.constant 0.000000e+00 : f32
      %broadcast_in_dim3A_40 = vector.broadcast %broadcast_in_dim3A_39 : f32 to vector<16xf32>
      %swap3A_41 = arith.constant 144 : index
      %swap3A_42 = tpu.vector_load %arg7[%swap3A_41] {strides = array<i32>} : memref<1024xf32, #tpu.memory_space<vmem>>, vector<16xf32>,
      tpu.vector_store %arg7[%swap3A_41], %broadcast_in_dim3A_40 {strides = array<i32>} : memref<1024xf32, #tpu.memory_space<vmem>>, vector<16xf32>,
      %broadcast_in_dim3A_43 = arith.constant 0.000000e+00 : f32
      %broadcast_in_dim3A_44 = vector.broadcast %broadcast_in_dim3A_43 : f32 to vector<16xf32>
      %swap3A_45 = arith.constant 160 : index
      %swap3A_46 = tpu.vector_load %arg7[%swap3A_45] {strides = array<i32>} : memref<1024xf32, #tpu.memory_space<vmem>>, vector<16xf32>,
      tpu.vector_store %arg7[%swap3A_45], %broadcast_in_dim3A_44 {strides = array<i32>} : memref<1024xf32, #tpu.memory_space<vmem>>, vector<16xf32>,
      %broadcast_in_dim3A_47 = arith.constant 0.000000e+00 : f32
      %broadcast_in_dim3A_48 = vector.broadcast %broadcast_in_dim3A_47 : f32 to vector<16xf32>
      %swap3A_49 = arith.constant 176 : index
      %swap3A_50 = tpu.vector_load %arg7[%swap3A_49] {strides = array<i32>} : memref<1024xf32, #tpu.memory_space<vmem>>, vector<16xf32>,
      tpu.vector_store %arg7[%swap3A_49], %broadcast_in_dim3A_48 {strides = array<i32>} : memref<1024xf32, #tpu.memory_space<vmem>>, vector<16xf32>,
      %broadcast_in_dim3A_51 = arith.constant 0.000000e+00 : f32
      %broadcast_in_dim3A_52 = vector.broadcast %broadcast_in_dim3A_51 : f32 to vector<16xf32>
      %swap3A_53 = arith.constant 192 : index
      %swap3A_54 = tpu.vector_load %arg7[%swap3A_53] {strides = array<i32>} : memref<1024xf32, #tpu.memory_space<vmem>>, vector<16xf32>,
      tpu.vector_store %arg7[%swap3A_53], %broadcast_in_dim3A_52 {strides = array<i32>} : memref<1024xf32, #tpu.memory_space<vmem>>, vector<16xf32>,
      %broadcast_in_dim3A_55 = arith.constant 0.000000e+00 : f32
      %broadcast_in_dim3A_56 = vector.broadcast %broadcast_in_dim3A_55 : f32 to vector<16xf32>
      %swap3A_57 = arith.constant 208 : index
      %swap3A_58 = tpu.vector_load %arg7[%swap3A_57] {strides = array<i32>} : memref<1024xf32, #tpu.memory_space<vmem>>, vector<16xf32>,
      tpu.vector_store %arg7[%swap3A_57], %broadcast_in_dim3A_56 {strides = array<i32>} : memref<1024xf32, #tpu.memory_space<vmem>>, vector<16xf32>,
      %broadcast_in_dim3A_59 = arith.constant 0.000000e+00 : f32
      %broadcast_in_dim3A_60 = vector.broadcast %broadcast_in_dim3A_59 : f32 to vector<16xf32>
      %swap3A_61 = arith.constant 224 : index
      %swap3A_62 = tpu.vector_load %arg7[%swap3A_61] {strides = array<i32>} : memref<1024xf32, #tpu.memory_space<vmem>>, vector<16xf32>,
      tpu.vector_store %arg7[%swap3A_61], %broadcast_in_dim3A_60 {strides = array<i32>} : memref<1024xf32, #tpu.memory_space<vmem>>, vector<16xf32>,
      %broadcast_in_dim3A_63 = arith.constant 0.000000e+00 : f32
      %broadcast_in_dim3A_64 = vector.broadcast %broadcast_in_dim3A_63 : f32 to vector<16xf32>
      %swap3A_65 = arith.constant 240 : index
      %swap3A_66 = tpu.vector_load %arg7[%swap3A_65] {strides = array<i32>} : memref<1024xf32, #tpu.memory_space<vmem>>, vector<16xf32>,
      tpu.vector_store %arg7[%swap3A_65], %broadcast_in_dim3A_64 {strides = array<i32>} : memref<1024xf32, #tpu.memory_space<vmem>>, vector<16xf32>,
      %broadcast_in_dim3A_67 = arith.constant 0.000000e+00 : f32
      %broadcast_in_dim3A_68 = vector.broadcast %broadcast_in_dim3A_67 : f32 to vector<16xf32>
      %swap3A_69 = arith.constant 256 : index
      %swap3A_70 = tpu.vector_load %arg7[%swap3A_69] {strides = array<i32>} : memref<1024xf32, #tpu.memory_space<vmem>>, vector<16xf32>,
      tpu.vector_store %arg7[%swap3A_69], %broadcast_in_dim3A_68 {strides = array<i32>} : memref<1024xf32, #tpu.memory_space<vmem>>, vector<16xf32>,
      %broadcast_in_dim3A_71 = arith.constant 0.000000e+00 : f32
      %broadcast_in_dim3A_72 = vector.broadcast %broadcast_in_dim3A_71 : f32 to vector<16xf32>
      %swap3A_73 = arith.constant 272 : index
      %swap3A_74 = tpu.vector_load %arg7[%swap3A_73] {strides = array<i32>} : memref<1024xf32, #tpu.memory_space<vmem>>, vector<16xf32>,
      tpu.vector_store %arg7[%swap3A_73], %broadcast_in_dim3A_72 {strides = array<i32>} : memref<1024xf32, #tpu.memory_space<vmem>>, vector<16xf32>,
      %broadcast_in_dim3A_75 = arith.constant 0.000000e+00 : f32
      %broadcast_in_dim3A_76 = vector.broadcast %broadcast_in_dim3A_75 : f32 to vector<16xf32>
      %swap3A_77 = arith.constant 288 : index
      %swap3A_78 = tpu.vector_load %arg7[%swap3A_77] {strides = array<i32>} : memref<1024xf32, #tpu.memory_space<vmem>>, vector<16xf32>,
      tpu.vector_store %arg7[%swap3A_77], %broadcast_in_dim3A_76 {strides = array<i32>} : memref<1024xf32, #tpu.memory_space<vmem>>, vector<16xf32>,
      %broadcast_in_dim3A_79 = arith.constant 0.000000e+00 : f32
      %broadcast_in_dim3A_80 = vector.broadcast %broadcast_in_dim3A_79 : f32 to vector<16xf32>
      %swap3A_81 = arith.constant 304 : index
      %swap3A_82 = tpu.vector_load %arg7[%swap3A_81] {strides = array<i32>} : memref<1024xf32, #tpu.memory_space<vmem>>, vector<16xf32>,
      tpu.vector_store %arg7[%swap3A_81], %broadcast_in_dim3A_80 {strides = array<i32>} : memref<1024xf32, #tpu.memory_space<vmem>>, vector<16xf32>,
      %broadcast_in_dim3A_83 = arith.constant 0.000000e+00 : f32
      %broadcast_in_dim3A_84 = vector.broadcast %broadcast_in_dim3A_83 : f32 to vector<16xf32>
      %swap3A_85 = arith.constant 320 : index
      %swap3A_86 = tpu.vector_load %arg7[%swap3A_85] {strides = array<i32>} : memref<1024xf32, #tpu.memory_space<vmem>>, vector<16xf32>,
      tpu.vector_store %arg7[%swap3A_85], %broadcast_in_dim3A_84 {strides = array<i32>} : memref<1024xf32, #tpu.memory_space<vmem>>, vector<16xf32>,
      %broadcast_in_dim3A_87 = arith.constant 0.000000e+00 : f32
      %broadcast_in_dim3A_88 = vector.broadcast %broadcast_in_dim3A_87 : f32 to vector<16xf32>
      %swap3A_89 = arith.constant 336 : index
      %swap3A_90 = tpu.vector_load %arg7[%swap3A_89] {strides = array<i32>} : memref<1024xf32, #tpu.memory_space<vmem>>, vector<16xf32>,
      tpu.vector_store %arg7[%swap3A_89], %broadcast_in_dim3A_88 {strides = array<i32>} : memref<1024xf32, #tpu.memory_space<vmem>>, vector<16xf32>,
      %broadcast_in_dim3A_91 = arith.constant 0.000000e+00 : f32
      %broadcast_in_dim3A_92 = vector.broadcast %broadcast_in_dim3A_91 : f32 to vector<16xf32>
      %swap3A_93 = arith.constant 352 : index
      %swap3A_94 = tpu.vector_load %arg7[%swap3A_93] {strides = array<i32>} : memref<1024xf32, #tpu.memory_space<vmem>>, vector<16xf32>,
      tpu.vector_store %arg7[%swap3A_93], %broadcast_in_dim3A_92 {strides = array<i32>} : memref<1024xf32, #tpu.memory_space<vmem>>, vector<16xf32>,
      %broadcast_in_dim3A_95 = arith.constant 0.000000e+00 : f32
      %broadcast_in_dim3A_96 = vector.broadcast %broadcast_in_dim3A_95 : f32 to vector<16xf32>
      %swap3A_97 = arith.constant 368 : index
      %swap3A_98 = tpu.vector_load %arg7[%swap3A_97] {strides = array<i32>} : memref<1024xf32, #tpu.memory_space<vmem>>, vector<16xf32>,
      tpu.vector_store %arg7[%swap3A_97], %broadcast_in_dim3A_96 {strides = array<i32>} : memref<1024xf32, #tpu.memory_space<vmem>>, vector<16xf32>,
      %broadcast_in_dim3A_99 = arith.constant 0.000000e+00 : f32
      %broadcast_in_dim3A_100 = vector.broadcast %broadcast_in_dim3A_99 : f32 to vector<16xf32>
      %swap3A_101 = arith.constant 384 : index
      %swap3A_102 = tpu.vector_load %arg7[%swap3A_101] {strides = array<i32>} : memref<1024xf32, #tpu.memory_space<vmem>>, vector<16xf32>,
      tpu.vector_store %arg7[%swap3A_101], %broadcast_in_dim3A_100 {strides = array<i32>} : memref<1024xf32, #tpu.memory_space<vmem>>, vector<16xf32>,
      %broadcast_in_dim3A_103 = arith.constant 0.000000e+00 : f32
      %broadcast_in_dim3A_104 = vector.broadcast %broadcast_in_dim3A_103 : f32 to vector<16xf32>
      %swap3A_105 = arith.constant 400 : index
      %swap3A_106 = tpu.vector_load %arg7[%swap3A_105] {strides = array<i32>} : memref<1024xf32, #tpu.memory_space<vmem>>, vector<16xf32>,
      tpu.vector_store %arg7[%swap3A_105], %broadcast_in_dim3A_104 {strides = array<i32>} : memref<1024xf32, #tpu.memory_space<vmem>>, vector<16xf32>,
      %broadcast_in_dim3A_107 = arith.constant 0.000000e+00 : f32
      %broadcast_in_dim3A_108 = vector.broadcast %broadcast_in_dim3A_107 : f32 to vector<16xf32>
      %swap3A_109 = arith.constant 416 : index
      %swap3A_110 = tpu.vector_load %arg7[%swap3A_109] {strides = array<i32>} : memref<1024xf32, #tpu.memory_space<vmem>>, vector<16xf32>,
      tpu.vector_store %arg7[%swap3A_109], %broadcast_in_dim3A_108 {strides = array<i32>} : memref<1024xf32, #tpu.memory_space<vmem>>, vector<16xf32>,
      %broadcast_in_dim3A_111 = arith.constant 0.000000e+00 : f32
      %broadcast_in_dim3A_112 = vector.broadcast %broadcast_in_dim3A_111 : f32 to vector<16xf32>
      %swap3A_113 = arith.constant 432 : index
      %swap3A_114 = tpu.vector_load %arg7[%swap3A_113] {strides = array<i32>} : memref<1024xf32, #tpu.memory_space<vmem>>, vector<16xf32>,
      tpu.vector_store %arg7[%swap3A_113], %broadcast_in_dim3A_112 {strides = array<i32>} : memref<1024xf32, #tpu.memory_space<vmem>>, vector<16xf32>,
      %broadcast_in_dim3A_115 = arith.constant 0.000000e+00 : f32
      %broadcast_in_dim3A_116 = vector.broadcast %broadcast_in_dim3A_115 : f32 to vector<16xf32>
      %swap3A_117 = arith.constant 448 : index
      %swap3A_118 = tpu.vector_load %arg7[%swap3A_117] {strides = array<i32>} : memref<1024xf32, #tpu.memory_space<vmem>>, vector<16xf32>,
      tpu.vector_store %arg7[%swap3A_117], %broadcast_in_dim3A_116 {strides = array<i32>} : memref<1024xf32, #tpu.memory_space<vmem>>, vector<16xf32>,
      %broadcast_in_dim3A_119 = arith.constant 0.000000e+00 : f32
      %broadcast_in_dim3A_120 = vector.broadcast %broadcast_in_dim3A_119 : f32 to vector<16xf32>
      %swap3A_121 = arith.constant 464 : index
      %swap3A_122 = tpu.vector_load %arg7[%swap3A_121] {strides = array<i32>} : memref<1024xf32, #tpu.memory_space<vmem>>, vector<16xf32>,
      tpu.vector_store %arg7[%swap3A_121], %broadcast_in_dim3A_120 {strides = array<i32>} : memref<1024xf32, #tpu.memory_space<vmem>>, vector<16xf32>,
      %broadcast_in_dim3A_123 = arith.constant 0.000000e+00 : f32
      %broadcast_in_dim3A_124 = vector.broadcast %broadcast_in_dim3A_123 : f32 to vector<16xf32>
      %swap3A_125 = arith.constant 480 : index
      %swap3A_126 = tpu.vector_load %arg7[%swap3A_125] {strides = array<i32>} : memref<1024xf32, #tpu.memory_space<vmem>>, vector<16xf32>,
      tpu.vector_store %arg7[%swap3A_125], %broadcast_in_dim3A_124 {strides = array<i32>} : memref<1024xf32, #tpu.memory_space<vmem>>, vector<16xf32>,
      %broadcast_in_dim3A_127 = arith.constant 0.000000e+00 : f32
      %broadcast_in_dim3A_128 = vector.broadcast %broadcast_in_dim3A_127 : f32 to vector<16xf32>
      %swap3A_129 = arith.constant 496 : index
      %swap3A_130 = tpu.vector_load %arg7[%swap3A_129] {strides = array<i32>} : memref<1024xf32, #tpu.memory_space<vmem>>, vector<16xf32>,
      tpu.vector_store %arg7[%swap3A_129], %broadcast_in_dim3A_128 {strides = array<i32>} : memref<1024xf32, #tpu.memory_space<vmem>>, vector<16xf32>,
      %broadcast_in_dim3A_131 = arith.constant 0.000000e+00 : f32
      %broadcast_in_dim3A_132 = vector.broadcast %broadcast_in_dim3A_131 : f32 to vector<16xf32>
      %swap3A_133 = arith.constant 512 : index
      %swap3A_134 = tpu.vector_load %arg7[%swap3A_133] {strides = array<i32>} : memref<1024xf32, #tpu.memory_space<vmem>>, vector<16xf32>,
      tpu.vector_store %arg7[%swap3A_133], %broadcast_in_dim3A_132 {strides = array<i32>} : memref<1024xf32, #tpu.memory_space<vmem>>, vector<16xf32>,
      %broadcast_in_dim3A_135 = arith.constant 0.000000e+00 : f32
      %broadcast_in_dim3A_136 = vector.broadcast %broadcast_in_dim3A_135 : f32 to vector<16xf32>
      %swap3A_137 = arith.constant 528 : index
      %swap3A_138 = tpu.vector_load %arg7[%swap3A_137] {strides = array<i32>} : memref<1024xf32, #tpu.memory_space<vmem>>, vector<16xf32>,
      tpu.vector_store %arg7[%swap3A_137], %broadcast_in_dim3A_136 {strides = array<i32>} : memref<1024xf32, #tpu.memory_space<vmem>>, vector<16xf32>,
      %broadcast_in_dim3A_139 = arith.constant 0.000000e+00 : f32
      %broadcast_in_dim3A_140 = vector.broadcast %broadcast_in_dim3A_139 : f32 to vector<16xf32>
      %swap3A_141 = arith.constant 544 : index
      %swap3A_142 = tpu.vector_load %arg7[%swap3A_141] {strides = array<i32>} : memref<1024xf32, #tpu.memory_space<vmem>>, vector<16xf32>,
      tpu.vector_store %arg7[%swap3A_141], %broadcast_in_dim3A_140 {strides = array<i32>} : memref<1024xf32, #tpu.memory_space<vmem>>, vector<16xf32>,
      %broadcast_in_dim3A_143 = arith.constant 0.000000e+00 : f32
      %broadcast_in_dim3A_144 = vector.broadcast %broadcast_in_dim3A_143 : f32 to vector<16xf32>
      %swap3A_145 = arith.constant 560 : index
      %swap3A_146 = tpu.vector_load %arg7[%swap3A_145] {strides = array<i32>} : memref<1024xf32, #tpu.memory_space<vmem>>, vector<16xf32>,
      tpu.vector_store %arg7[%swap3A_145], %broadcast_in_dim3A_144 {strides = array<i32>} : memref<1024xf32, #tpu.memory_space<vmem>>, vector<16xf32>,
      %broadcast_in_dim3A_147 = arith.constant 0.000000e+00 : f32
      %broadcast_in_dim3A_148 = vector.broadcast %broadcast_in_dim3A_147 : f32 to vector<16xf32>
      %swap3A_149 = arith.constant 576 : index
      %swap3A_150 = tpu.vector_load %arg7[%swap3A_149] {strides = array<i32>} : memref<1024xf32, #tpu.memory_space<vmem>>, vector<16xf32>,
      tpu.vector_store %arg7[%swap3A_149], %broadcast_in_dim3A_148 {strides = array<i32>} : memref<1024xf32, #tpu.memory_space<vmem>>, vector<16xf32>,
      %broadcast_in_dim3A_151 = arith.constant 0.000000e+00 : f32
      %broadcast_in_dim3A_152 = vector.broadcast %broadcast_in_dim3A_151 : f32 to vector<16xf32>
      %swap3A_153 = arith.constant 592 : index
      %swap3A_154 = tpu.vector_load %arg7[%swap3A_153] {strides = array<i32>} : memref<1024xf32, #tpu.memory_space<vmem>>, vector<16xf32>,
      tpu.vector_store %arg7[%swap3A_153], %broadcast_in_dim3A_152 {strides = array<i32>} : memref<1024xf32, #tpu.memory_space<vmem>>, vector<16xf32>,
      %broadcast_in_dim3A_155 = arith.constant 0.000000e+00 : f32
      %broadcast_in_dim3A_156 = vector.broadcast %broadcast_in_dim3A_155 : f32 to vector<16xf32>
      %swap3A_157 = arith.constant 608 : index
      %swap3A_158 = tpu.vector_load %arg7[%swap3A_157] {strides = array<i32>} : memref<1024xf32, #tpu.memory_space<vmem>>, vector<16xf32>,
      tpu.vector_store %arg7[%swap3A_157], %broadcast_in_dim3A_156 {strides = array<i32>} : memref<1024xf32, #tpu.memory_space<vmem>>, vector<16xf32>,
      %broadcast_in_dim3A_159 = arith.constant 0.000000e+00 : f32
      %broadcast_in_dim3A_160 = vector.broadcast %broadcast_in_dim3A_159 : f32 to vector<16xf32>
      %swap3A_161 = arith.constant 624 : index
      %swap3A_162 = tpu.vector_load %arg7[%swap3A_161] {strides = array<i32>} : memref<1024xf32, #tpu.memory_space<vmem>>, vector<16xf32>,
      tpu.vector_store %arg7[%swap3A_161], %broadcast_in_dim3A_160 {strides = array<i32>} : memref<1024xf32, #tpu.memory_space<vmem>>, vector<16xf32>,
      %broadcast_in_dim3A_163 = arith.constant 0.000000e+00 : f32
      %broadcast_in_dim3A_164 = vector.broadcast %broadcast_in_dim3A_163 : f32 to vector<16xf32>
      %swap3A_165 = arith.constant 640 : index
      %swap3A_166 = tpu.vector_load %arg7[%swap3A_165] {strides = array<i32>} : memref<1024xf32, #tpu.memory_space<vmem>>, vector<16xf32>,
      tpu.vector_store %arg7[%swap3A_165], %broadcast_in_dim3A_164 {strides = array<i32>} : memref<1024xf32, #tpu.memory_space<vmem>>, vector<16xf32>,
      %broadcast_in_dim3A_167 = arith.constant 0.000000e+00 : f32
      %broadcast_in_dim3A_168 = vector.broadcast %broadcast_in_dim3A_167 : f32 to vector<16xf32>
      %swap3A_169 = arith.constant 656 : index
      %swap3A_170 = tpu.vector_load %arg7[%swap3A_169] {strides = array<i32>} : memref<1024xf32, #tpu.memory_space<vmem>>, vector<16xf32>,
      tpu.vector_store %arg7[%swap3A_169], %broadcast_in_dim3A_168 {strides = array<i32>} : memref<1024xf32, #tpu.memory_space<vmem>>, vector<16xf32>,
      %broadcast_in_dim3A_171 = arith.constant 0.000000e+00 : f32
      %broadcast_in_dim3A_172 = vector.broadcast %broadcast_in_dim3A_171 : f32 to vector<16xf32>
      %swap3A_173 = arith.constant 672 : index
      %swap3A_174 = tpu.vector_load %arg7[%swap3A_173] {strides = array<i32>} : memref<1024xf32, #tpu.memory_space<vmem>>, vector<16xf32>,
      tpu.vector_store %arg7[%swap3A_173], %broadcast_in_dim3A_172 {strides = array<i32>} : memref<1024xf32, #tpu.memory_space<vmem>>, vector<16xf32>,
      %broadcast_in_dim3A_175 = arith.constant 0.000000e+00 : f32
      %broadcast_in_dim3A_176 = vector.broadcast %broadcast_in_dim3A_175 : f32 to vector<16xf32>
      %swap3A_177 = arith.constant 688 : index
      %swap3A_178 = tpu.vector_load %arg7[%swap3A_177] {strides = array<i32>} : memref<1024xf32, #tpu.memory_space<vmem>>, vector<16xf32>,
      tpu.vector_store %arg7[%swap3A_177], %broadcast_in_dim3A_176 {strides = array<i32>} : memref<1024xf32, #tpu.memory_space<vmem>>, vector<16xf32>,
      %broadcast_in_dim3A_179 = arith.constant 0.000000e+00 : f32
      %broadcast_in_dim3A_180 = vector.broadcast %broadcast_in_dim3A_179 : f32 to vector<16xf32>
      %swap3A_181 = arith.constant 704 : index
      %swap3A_182 = tpu.vector_load %arg7[%swap3A_181] {strides = array<i32>} : memref<1024xf32, #tpu.memory_space<vmem>>, vector<16xf32>,
      tpu.vector_store %arg7[%swap3A_181], %broadcast_in_dim3A_180 {strides = array<i32>} : memref<1024xf32, #tpu.memory_space<vmem>>, vector<16xf32>,
      %broadcast_in_dim3A_183 = arith.constant 0.000000e+00 : f32
      %broadcast_in_dim3A_184 = vector.broadcast %broadcast_in_dim3A_183 : f32 to vector<16xf32>
      %swap3A_185 = arith.constant 720 : index
      %swap3A_186 = tpu.vector_load %arg7[%swap3A_185] {strides = array<i32>} : memref<1024xf32, #tpu.memory_space<vmem>>, vector<16xf32>,
      tpu.vector_store %arg7[%swap3A_185], %broadcast_in_dim3A_184 {strides = array<i32>} : memref<1024xf32, #tpu.memory_space<vmem>>, vector<16xf32>,
      %broadcast_in_dim3A_187 = arith.constant 0.000000e+00 : f32
      %broadcast_in_dim3A_188 = vector.broadcast %broadcast_in_dim3A_187 : f32 to vector<16xf32>
      %swap3A_189 = arith.constant 736 : index
      %swap3A_190 = tpu.vector_load %arg7[%swap3A_189] {strides = array<i32>} : memref<1024xf32, #tpu.memory_space<vmem>>, vector<16xf32>,
      tpu.vector_store %arg7[%swap3A_189], %broadcast_in_dim3A_188 {strides = array<i32>} : memref<1024xf32, #tpu.memory_space<vmem>>, vector<16xf32>,
      %broadcast_in_dim3A_191 = arith.constant 0.000000e+00 : f32
      %broadcast_in_dim3A_192 = vector.broadcast %broadcast_in_dim3A_191 : f32 to vector<16xf32>
      %swap3A_193 = arith.constant 752 : index
      %swap3A_194 = tpu.vector_load %arg7[%swap3A_193] {strides = array<i32>} : memref<1024xf32, #tpu.memory_space<vmem>>, vector<16xf32>,
      tpu.vector_store %arg7[%swap3A_193], %broadcast_in_dim3A_192 {strides = array<i32>} : memref<1024xf32, #tpu.memory_space<vmem>>, vector<16xf32>,
      %broadcast_in_dim3A_195 = arith.constant 0.000000e+00 : f32
      %broadcast_in_dim3A_196 = vector.broadcast %broadcast_in_dim3A_195 : f32 to vector<16xf32>
      %swap3A_197 = arith.constant 768 : index
      %swap3A_198 = tpu.vector_load %arg7[%swap3A_197] {strides = array<i32>} : memref<1024xf32, #tpu.memory_space<vmem>>, vector<16xf32>,
      tpu.vector_store %arg7[%swap3A_197], %broadcast_in_dim3A_196 {strides = array<i32>} : memref<1024xf32, #tpu.memory_space<vmem>>, vector<16xf32>,
      %broadcast_in_dim3A_199 = arith.constant 0.000000e+00 : f32
      %broadcast_in_dim3A_200 = vector.broadcast %broadcast_in_dim3A_199 : f32 to vector<16xf32>
      %swap3A_201 = arith.constant 784 : index
      %swap3A_202 = tpu.vector_load %arg7[%swap3A_201] {strides = array<i32>} : memref<1024xf32, #tpu.memory_space<vmem>>, vector<16xf32>,
      tpu.vector_store %arg7[%swap3A_201], %broadcast_in_dim3A_200 {strides = array<i32>} : memref<1024xf32, #tpu.memory_space<vmem>>, vector<16xf32>,
      %broadcast_in_dim3A_203 = arith.constant 0.000000e+00 : f32
      %broadcast_in_dim3A_204 = vector.broadcast %broadcast_in_dim3A_203 : f32 to vector<16xf32>
      %swap3A_205 = arith.constant 800 : index
      %swap3A_206 = tpu.vector_load %arg7[%swap3A_205] {strides = array<i32>} : memref<1024xf32, #tpu.memory_space<vmem>>, vector<16xf32>,
      tpu.vector_store %arg7[%swap3A_205], %broadcast_in_dim3A_204 {strides = array<i32>} : memref<1024xf32, #tpu.memory_space<vmem>>, vector<16xf32>,
      %broadcast_in_dim3A_207 = arith.constant 0.000000e+00 : f32
      %broadcast_in_dim3A_208 = vector.broadcast %broadcast_in_dim3A_207 : f32 to vector<16xf32>
      %swap3A_209 = arith.constant 816 : index
      %swap3A_210 = tpu.vector_load %arg7[%swap3A_209] {strides = array<i32>} : memref<1024xf32, #tpu.memory_space<vmem>>, vector<16xf32>,
      tpu.vector_store %arg7[%swap3A_209], %broadcast_in_dim3A_208 {strides = array<i32>} : memref<1024xf32, #tpu.memory_space<vmem>>, vector<16xf32>,
      %broadcast_in_dim3A_211 = arith.constant 0.000000e+00 : f32
      %broadcast_in_dim3A_212 = vector.broadcast %broadcast_in_dim3A_211 : f32 to vector<16xf32>
      %swap3A_213 = arith.constant 832 : index
      %swap3A_214 = tpu.vector_load %arg7[%swap3A_213] {strides = array<i32>} : memref<1024xf32, #tpu.memory_space<vmem>>, vector<16xf32>,
      tpu.vector_store %arg7[%swap3A_213], %broadcast_in_dim3A_212 {strides = array<i32>} : memref<1024xf32, #tpu.memory_space<vmem>>, vector<16xf32>,
      %broadcast_in_dim3A_215 = arith.constant 0.000000e+00 : f32
      %broadcast_in_dim3A_216 = vector.broadcast %broadcast_in_dim3A_215 : f32 to vector<16xf32>
      %swap3A_217 = arith.constant 848 : index
      %swap3A_218 = tpu.vector_load %arg7[%swap3A_217] {strides = array<i32>} : memref<1024xf32, #tpu.memory_space<vmem>>, vector<16xf32>,
      tpu.vector_store %arg7[%swap3A_217], %broadcast_in_dim3A_216 {strides = array<i32>} : memref<1024xf32, #tpu.memory_space<vmem>>, vector<16xf32>,
      %broadcast_in_dim3A_219 = arith.constant 0.000000e+00 : f32
      %broadcast_in_dim3A_220 = vector.broadcast %broadcast_in_dim3A_219 : f32 to vector<16xf32>
      %swap3A_221 = arith.constant 864 : index
      %swap3A_222 = tpu.vector_load %arg7[%swap3A_221] {strides = array<i32>} : memref<1024xf32, #tpu.memory_space<vmem>>, vector<16xf32>,
      tpu.vector_store %arg7[%swap3A_221], %broadcast_in_dim3A_220 {strides = array<i32>} : memref<1024xf32, #tpu.memory_space<vmem>>, vector<16xf32>,
      %broadcast_in_dim3A_223 = arith.constant 0.000000e+00 : f32
      %broadcast_in_dim3A_224 = vector.broadcast %broadcast_in_dim3A_223 : f32 to vector<16xf32>
      %swap3A_225 = arith.constant 880 : index
      %swap3A_226 = tpu.vector_load %arg7[%swap3A_225] {strides = array<i32>} : memref<1024xf32, #tpu.memory_space<vmem>>, vector<16xf32>,
      tpu.vector_store %arg7[%swap3A_225], %broadcast_in_dim3A_224 {strides = array<i32>} : memref<1024xf32, #tpu.memory_space<vmem>>, vector<16xf32>,
      %broadcast_in_dim3A_227 = arith.constant 0.000000e+00 : f32
      %broadcast_in_dim3A_228 = vector.broadcast %broadcast_in_dim3A_227 : f32 to vector<16xf32>
      %swap3A_229 = arith.constant 896 : index
      %swap3A_230 = tpu.vector_load %arg7[%swap3A_229] {strides = array<i32>} : memref<1024xf32, #tpu.memory_space<vmem>>, vector<16xf32>,
      tpu.vector_store %arg7[%swap3A_229], %broadcast_in_dim3A_228 {strides = array<i32>} : memref<1024xf32, #tpu.memory_space<vmem>>, vector<16xf32>,
      %broadcast_in_dim3A_231 = arith.constant 0.000000e+00 : f32
      %broadcast_in_dim3A_232 = vector.broadcast %broadcast_in_dim3A_231 : f32 to vector<16xf32>
      %swap3A_233 = arith.constant 912 : index
      %swap3A_234 = tpu.vector_load %arg7[%swap3A_233] {strides = array<i32>} : memref<1024xf32, #tpu.memory_space<vmem>>, vector<16xf32>,
      tpu.vector_store %arg7[%swap3A_233], %broadcast_in_dim3A_232 {strides = array<i32>} : memref<1024xf32, #tpu.memory_space<vmem>>, vector<16xf32>,
      %broadcast_in_dim3A_235 = arith.constant 0.000000e+00 : f32
      %broadcast_in_dim3A_236 = vector.broadcast %broadcast_in_dim3A_235 : f32 to vector<16xf32>
      %swap3A_237 = arith.constant 928 : index
      %swap3A_238 = tpu.vector_load %arg7[%swap3A_237] {strides = array<i32>} : memref<1024xf32, #tpu.memory_space<vmem>>, vector<16xf32>,
      tpu.vector_store %arg7[%swap3A_237], %broadcast_in_dim3A_236 {strides = array<i32>} : memref<1024xf32, #tpu.memory_space<vmem>>, vector<16xf32>,
      %broadcast_in_dim3A_239 = arith.constant 0.000000e+00 : f32
      %broadcast_in_dim3A_240 = vector.broadcast %broadcast_in_dim3A_239 : f32 to vector<16xf32>
      %swap3A_241 = arith.constant 944 : index
      %swap3A_242 = tpu.vector_load %arg7[%swap3A_241] {strides = array<i32>} : memref<1024xf32, #tpu.memory_space<vmem>>, vector<16xf32>,
      tpu.vector_store %arg7[%swap3A_241], %broadcast_in_dim3A_240 {strides = array<i32>} : memref<1024xf32, #tpu.memory_space<vmem>>, vector<16xf32>,
      %broadcast_in_dim3A_243 = arith.constant 0.000000e+00 : f32
      %broadcast_in_dim3A_244 = vector.broadcast %broadcast_in_dim3A_243 : f32 to vector<16xf32>
      %swap3A_245 = arith.constant 960 : index
      %swap3A_246 = tpu.vector_load %arg7[%swap3A_245] {strides = array<i32>} : memref<1024xf32, #tpu.memory_space<vmem>>, vector<16xf32>,
      tpu.vector_store %arg7[%swap3A_245], %broadcast_in_dim3A_244 {strides = array<i32>} : memref<1024xf32, #tpu.memory_space<vmem>>, vector<16xf32>,
      %broadcast_in_dim3A_247 = arith.constant 0.000000e+00 : f32
      %broadcast_in_dim3A_248 = vector.broadcast %broadcast_in_dim3A_247 : f32 to vector<16xf32>
      %swap3A_249 = arith.constant 976 : index
      %swap3A_250 = tpu.vector_load %arg7[%swap3A_249] {strides = array<i32>} : memref<1024xf32, #tpu.memory_space<vmem>>, vector<16xf32>,
      tpu.vector_store %arg7[%swap3A_249], %broadcast_in_dim3A_248 {strides = array<i32>} : memref<1024xf32, #tpu.memory_space<vmem>>, vector<16xf32>,
      %broadcast_in_dim3A_251 = arith.constant 0.000000e+00 : f32
      %broadcast_in_dim3A_252 = vector.broadcast %broadcast_in_dim3A_251 : f32 to vector<16xf32>
      %swap3A_253 = arith.constant 992 : index
      %swap3A_254 = tpu.vector_load %arg7[%swap3A_253] {strides = array<i32>} : memref<1024xf32, #tpu.memory_space<vmem>>, vector<16xf32>,
      tpu.vector_store %arg7[%swap3A_253], %broadcast_in_dim3A_252 {strides = array<i32>} : memref<1024xf32, #tpu.memory_space<vmem>>, vector<16xf32>,
      %broadcast_in_dim3A_255 = arith.constant 0.000000e+00 : f32
      %broadcast_in_dim3A_256 = vector.broadcast %broadcast_in_dim3A_255 : f32 to vector<16xf32>
      %swap3A_257 = arith.constant 1008 : index
      %swap3A_258 = tpu.vector_load %arg7[%swap3A_257] {strides = array<i32>} : memref<1024xf32, #tpu.memory_space<vmem>>, vector<16xf32>,
      tpu.vector_store %arg7[%swap3A_257], %broadcast_in_dim3A_256 {strides = array<i32>} : memref<1024xf32, #tpu.memory_space<vmem>>, vector<16xf32>,
      %scan3A = arith.constant 0 : i32
      %scan3A_259 = arith.constant 1073741824 : i32
      %scan3A_260 = arith.constant 0.000000e+00 : f32
      %scan3A_261 = arith.constant 0 : i32
      %scan3A_262 = arith.constant 157 : i32
      %scan3A_263 = arith.addi %scan3A_261, %scan3A_262 : i32
      %scan3A_264 = arith.constant 1 : i32
      %scan3A_265 = scf.for %scan3A_901 = %scan3A_261 to %scan3A_263 step %scan3A_264 iter_args(%scan3A_902 = %scan3A_260) -> (f32)  : i32 {
        %mul3A_903 = arith.constant 8 : i32
        %mul3A_904 = arith.muli %scan3A_901, %mul3A_903 : i32
        %add3A_905 = arith.constant 0 : i32
        %add3A_906 = arith.addi %mul3A_904, %add3A_905 : i32
        %mul3A_907 = arith.constant 16 : i32
        %mul3A_908 = arith.muli %add3A_906, %mul3A_907 : i32
        %get3A = arith.index_cast %mul3A_908 : i32 to index
        %get3A_909 = tpu.vector_load %arg5[%get3A] {strides = array<i32>} : memref<20096xi32, #tpu.memory_space<vmem>>, vector<16xi32>,
        %ge3A = vector.broadcast %scan3A : i32 to vector<16xi32>
        %ge3A_910 = arith.cmpi sge, %get3A_909, %ge3A : vector<16xi32>
        %lt3A_911 = vector.broadcast %scan3A_259 : i32 to vector<16xi32>
        %lt3A_912 = arith.cmpi slt, %get3A_909, %lt3A_911 : vector<16xi32>
        %and3A = arith.andi %ge3A_910, %lt3A_912 : vector<16xi1>
        %shift_right_logical3A = arith.constant 20 : i32
        %shift_right_logical3A_913 = vector.broadcast %shift_right_logical3A : i32 to vector<16xi32>
        %shift_right_logical3A_914 = arith.shrui %get3A_909, %shift_right_logical3A_913 : vector<16xi32>
        %and3A_915 = arith.constant 1023 : i32
        %and3A_916 = vector.broadcast %and3A_915 : i32 to vector<16xi32>
        %and3A_917 = arith.andi %shift_right_logical3A_914, %and3A_916 : vector<16xi32>
        tpu.vector_store_idx %arg7[%and3A_917], %broadcast_in_dim3A_3 masked %and3A {add = true} : memref<1024xf32, #tpu.memory_space<vmem>>[vector<16xi32>], vector<16xf32>, vector<16xi1>
        %lt3A_918 = arith.constant 0 : i32
        %lt3A_919 = vector.broadcast %lt3A_918 : i32 to vector<16xi32>
        %lt3A_920 = arith.cmpi slt, %get3A_909, %lt3A_919 : vector<16xi32>
        %jit3A_921 = arith.constant 1.000000e+00 : f32
        %jit3A_922 = arith.constant 0.000000e+00 : f32
        %broadcast_in_dim3A_923 = vector.broadcast %jit3A_921 : f32 to vector<16xf32>
        %broadcast_in_dim3A_924 = vector.broadcast %jit3A_922 : f32 to vector<16xf32>
        %select_n3A_925 = arith.select %lt3A_920, %broadcast_in_dim3A_923, %broadcast_in_dim3A_924 : vector<16xi1>, vector<16xf32>
        %reduce_sum3A = arith.constant true
        %reduce_sum3A_926 = vector.broadcast %reduce_sum3A : i1 to vector<16xi1>
        %reduce_sum3A_927 = tpu.scan <sum>, %select_n3A_925 masked %reduce_sum3A_926 : vector<16xf32>, vector<16xi1> -> vector<16xf32>
        %reduce_sum3A_928 = vector.extract %reduce_sum3A_927[15] : f32 from vector<16xf32>
        %add3A_929 = arith.addf %scan3A_902, %reduce_sum3A_928 : f32
        %mul3A_930 = arith.constant 8 : i32
        %mul3A_931 = arith.muli %scan3A_901, %mul3A_930 : i32
        %add3A_932 = arith.constant 1 : i32
        %add3A_933 = arith.addi %mul3A_931, %add3A_932 : i32
        %mul3A_934 = arith.constant 16 : i32
        %mul3A_935 = arith.muli %add3A_933, %mul3A_934 : i32
        %get3A_936 = arith.index_cast %mul3A_935 : i32 to index
        %get3A_937 = tpu.vector_load %arg5[%get3A_936] {strides = array<i32>} : memref<20096xi32, #tpu.memory_space<vmem>>, vector<16xi32>,
        %ge3A_938 = vector.broadcast %scan3A : i32 to vector<16xi32>
        %ge3A_939 = arith.cmpi sge, %get3A_937, %ge3A_938 : vector<16xi32>
        %lt3A_940 = vector.broadcast %scan3A_259 : i32 to vector<16xi32>
        %lt3A_941 = arith.cmpi slt, %get3A_937, %lt3A_940 : vector<16xi32>
        %and3A_942 = arith.andi %ge3A_939, %lt3A_941 : vector<16xi1>
        %shift_right_logical3A_943 = arith.constant 20 : i32
        %shift_right_logical3A_944 = vector.broadcast %shift_right_logical3A_943 : i32 to vector<16xi32>
        %shift_right_logical3A_945 = arith.shrui %get3A_937, %shift_right_logical3A_944 : vector<16xi32>
        %and3A_946 = arith.constant 1023 : i32
        %and3A_947 = vector.broadcast %and3A_946 : i32 to vector<16xi32>
        %and3A_948 = arith.andi %shift_right_logical3A_945, %and3A_947 : vector<16xi32>
        tpu.vector_store_idx %arg7[%and3A_948], %broadcast_in_dim3A_3 masked %and3A_942 {add = true} : memref<1024xf32, #tpu.memory_space<vmem>>[vector<16xi32>], vector<16xf32>, vector<16xi1>
        %lt3A_949 = arith.constant 0 : i32
        %lt3A_950 = vector.broadcast %lt3A_949 : i32 to vector<16xi32>
        %lt3A_951 = arith.cmpi slt, %get3A_937, %lt3A_950 : vector<16xi32>
        %jit3A_952 = arith.constant 1.000000e+00 : f32
        %jit3A_953 = arith.constant 0.000000e+00 : f32
        %broadcast_in_dim3A_954 = vector.broadcast %jit3A_952 : f32 to vector<16xf32>
        %broadcast_in_dim3A_955 = vector.broadcast %jit3A_953 : f32 to vector<16xf32>
        %select_n3A_956 = arith.select %lt3A_951, %broadcast_in_dim3A_954, %broadcast_in_dim3A_955 : vector<16xi1>, vector<16xf32>
        %reduce_sum3A_957 = arith.constant true
        %reduce_sum3A_958 = vector.broadcast %reduce_sum3A_957 : i1 to vector<16xi1>
        %reduce_sum3A_959 = tpu.scan <sum>, %select_n3A_956 masked %reduce_sum3A_958 : vector<16xf32>, vector<16xi1> -> vector<16xf32>
        %reduce_sum3A_960 = vector.extract %reduce_sum3A_959[15] : f32 from vector<16xf32>
        %add3A_961 = arith.addf %add3A_929, %reduce_sum3A_960 : f32
        %mul3A_962 = arith.constant 8 : i32
        %mul3A_963 = arith.muli %scan3A_901, %mul3A_962 : i32
        %add3A_964 = arith.constant 2 : i32
        %add3A_965 = arith.addi %mul3A_963, %add3A_964 : i32
        %mul3A_966 = arith.constant 16 : i32
        %mul3A_967 = arith.muli %add3A_965, %mul3A_966 : i32
        %get3A_968 = arith.index_cast %mul3A_967 : i32 to index
        %get3A_969 = tpu.vector_load %arg5[%get3A_968] {strides = array<i32>} : memref<20096xi32, #tpu.memory_space<vmem>>, vector<16xi32>,
        %ge3A_970 = vector.broadcast %scan3A : i32 to vector<16xi32>
        %ge3A_971 = arith.cmpi sge, %get3A_969, %ge3A_970 : vector<16xi32>
        %lt3A_972 = vector.broadcast %scan3A_259 : i32 to vector<16xi32>
        %lt3A_973 = arith.cmpi slt, %get3A_969, %lt3A_972 : vector<16xi32>
        %and3A_974 = arith.andi %ge3A_971, %lt3A_973 : vector<16xi1>
        %shift_right_logical3A_975 = arith.constant 20 : i32
        %shift_right_logical3A_976 = vector.broadcast %shift_right_logical3A_975 : i32 to vector<16xi32>
        %shift_right_logical3A_977 = arith.shrui %get3A_969, %shift_right_logical3A_976 : vector<16xi32>
        %and3A_978 = arith.constant 1023 : i32
        %and3A_979 = vector.broadcast %and3A_978 : i32 to vector<16xi32>
        %and3A_980 = arith.andi %shift_right_logical3A_977, %and3A_979 : vector<16xi32>
        tpu.vector_store_idx %arg7[%and3A_980], %broadcast_in_dim3A_3 masked %and3A_974 {add = true} : memref<1024xf32, #tpu.memory_space<vmem>>[vector<16xi32>], vector<16xf32>, vector<16xi1>
        %lt3A_981 = arith.constant 0 : i32
        %lt3A_982 = vector.broadcast %lt3A_981 : i32 to vector<16xi32>
        %lt3A_983 = arith.cmpi slt, %get3A_969, %lt3A_982 : vector<16xi32>
        %jit3A_984 = arith.constant 1.000000e+00 : f32
        %jit3A_985 = arith.constant 0.000000e+00 : f32
        %broadcast_in_dim3A_986 = vector.broadcast %jit3A_984 : f32 to vector<16xf32>
        %broadcast_in_dim3A_987 = vector.broadcast %jit3A_985 : f32 to vector<16xf32>
        %select_n3A_988 = arith.select %lt3A_983, %broadcast_in_dim3A_986, %broadcast_in_dim3A_987 : vector<16xi1>, vector<16xf32>
        %reduce_sum3A_989 = arith.constant true
        %reduce_sum3A_990 = vector.broadcast %reduce_sum3A_989 : i1 to vector<16xi1>
        %reduce_sum3A_991 = tpu.scan <sum>, %select_n3A_988 masked %reduce_sum3A_990 : vector<16xf32>, vector<16xi1> -> vector<16xf32>
        %reduce_sum3A_992 = vector.extract %reduce_sum3A_991[15] : f32 from vector<16xf32>
        %add3A_993 = arith.addf %add3A_961, %reduce_sum3A_992 : f32
        %mul3A_994 = arith.constant 8 : i32
        %mul3A_995 = arith.muli %scan3A_901, %mul3A_994 : i32
        %add3A_996 = arith.constant 3 : i32
        %add3A_997 = arith.addi %mul3A_995, %add3A_996 : i32
        %mul3A_998 = arith.constant 16 : i32
        %mul3A_999 = arith.muli %add3A_997, %mul3A_998 : i32
        %get3A_1000 = arith.index_cast %mul3A_999 : i32 to index
        %get3A_1001 = tpu.vector_load %arg5[%get3A_1000] {strides = array<i32>} : memref<20096xi32, #tpu.memory_space<vmem>>, vector<16xi32>,
        %ge3A_1002 = vector.broadcast %scan3A : i32 to vector<16xi32>
        %ge3A_1003 = arith.cmpi sge, %get3A_1001, %ge3A_1002 : vector<16xi32>
        %lt3A_1004 = vector.broadcast %scan3A_259 : i32 to vector<16xi32>
        %lt3A_1005 = arith.cmpi slt, %get3A_1001, %lt3A_1004 : vector<16xi32>
        %and3A_1006 = arith.andi %ge3A_1003, %lt3A_1005 : vector<16xi1>
        %shift_right_logical3A_1007 = arith.constant 20 : i32
        %shift_right_logical3A_1008 = vector.broadcast %shift_right_logical3A_1007 : i32 to vector<16xi32>
        %shift_right_logical3A_1009 = arith.shrui %get3A_1001, %shift_right_logical3A_1008 : vector<16xi32>
        %and3A_1010 = arith.constant 1023 : i32
        %and3A_1011 = vector.broadcast %and3A_1010 : i32 to vector<16xi32>
        %and3A_1012 = arith.andi %shift_right_logical3A_1009, %and3A_1011 : vector<16xi32>
        tpu.vector_store_idx %arg7[%and3A_1012], %broadcast_in_dim3A_3 masked %and3A_1006 {add = true} : memref<1024xf32, #tpu.memory_space<vmem>>[vector<16xi32>], vector<16xf32>, vector<16xi1>
        %lt3A_1013 = arith.constant 0 : i32
        %lt3A_1014 = vector.broadcast %lt3A_1013 : i32 to vector<16xi32>
        %lt3A_1015 = arith.cmpi slt, %get3A_1001, %lt3A_1014 : vector<16xi32>
        %jit3A_1016 = arith.constant 1.000000e+00 : f32
        %jit3A_1017 = arith.constant 0.000000e+00 : f32
        %broadcast_in_dim3A_1018 = vector.broadcast %jit3A_1016 : f32 to vector<16xf32>
        %broadcast_in_dim3A_1019 = vector.broadcast %jit3A_1017 : f32 to vector<16xf32>
        %select_n3A_1020 = arith.select %lt3A_1015, %broadcast_in_dim3A_1018, %broadcast_in_dim3A_1019 : vector<16xi1>, vector<16xf32>
        %reduce_sum3A_1021 = arith.constant true
        %reduce_sum3A_1022 = vector.broadcast %reduce_sum3A_1021 : i1 to vector<16xi1>
        %reduce_sum3A_1023 = tpu.scan <sum>, %select_n3A_1020 masked %reduce_sum3A_1022 : vector<16xf32>, vector<16xi1> -> vector<16xf32>
        %reduce_sum3A_1024 = vector.extract %reduce_sum3A_1023[15] : f32 from vector<16xf32>
        %add3A_1025 = arith.addf %add3A_993, %reduce_sum3A_1024 : f32
        %mul3A_1026 = arith.constant 8 : i32
        %mul3A_1027 = arith.muli %scan3A_901, %mul3A_1026 : i32
        %add3A_1028 = arith.constant 4 : i32
        %add3A_1029 = arith.addi %mul3A_1027, %add3A_1028 : i32
        %mul3A_1030 = arith.constant 16 : i32
        %mul3A_1031 = arith.muli %add3A_1029, %mul3A_1030 : i32
        %get3A_1032 = arith.index_cast %mul3A_1031 : i32 to index
        %get3A_1033 = tpu.vector_load %arg5[%get3A_1032] {strides = array<i32>} : memref<20096xi32, #tpu.memory_space<vmem>>, vector<16xi32>,
        %ge3A_1034 = vector.broadcast %scan3A : i32 to vector<16xi32>
        %ge3A_1035 = arith.cmpi sge, %get3A_1033, %ge3A_1034 : vector<16xi32>
        %lt3A_1036 = vector.broadcast %scan3A_259 : i32 to vector<16xi32>
        %lt3A_1037 = arith.cmpi slt, %get3A_1033, %lt3A_1036 : vector<16xi32>
        %and3A_1038 = arith.andi %ge3A_1035, %lt3A_1037 : vector<16xi1>
        %shift_right_logical3A_1039 = arith.constant 20 : i32
        %shift_right_logical3A_1040 = vector.broadcast %shift_right_logical3A_1039 : i32 to vector<16xi32>
        %shift_right_logical3A_1041 = arith.shrui %get3A_1033, %shift_right_logical3A_1040 : vector<16xi32>
        %and3A_1042 = arith.constant 1023 : i32
        %and3A_1043 = vector.broadcast %and3A_1042 : i32 to vector<16xi32>
        %and3A_1044 = arith.andi %shift_right_logical3A_1041, %and3A_1043 : vector<16xi32>
        tpu.vector_store_idx %arg7[%and3A_1044], %broadcast_in_dim3A_3 masked %and3A_1038 {add = true} : memref<1024xf32, #tpu.memory_space<vmem>>[vector<16xi32>], vector<16xf32>, vector<16xi1>
        %lt3A_1045 = arith.constant 0 : i32
        %lt3A_1046 = vector.broadcast %lt3A_1045 : i32 to vector<16xi32>
        %lt3A_1047 = arith.cmpi slt, %get3A_1033, %lt3A_1046 : vector<16xi32>
        %jit3A_1048 = arith.constant 1.000000e+00 : f32
        %jit3A_1049 = arith.constant 0.000000e+00 : f32
        %broadcast_in_dim3A_1050 = vector.broadcast %jit3A_1048 : f32 to vector<16xf32>
        %broadcast_in_dim3A_1051 = vector.broadcast %jit3A_1049 : f32 to vector<16xf32>
        %select_n3A_1052 = arith.select %lt3A_1047, %broadcast_in_dim3A_1050, %broadcast_in_dim3A_1051 : vector<16xi1>, vector<16xf32>
        %reduce_sum3A_1053 = arith.constant true
        %reduce_sum3A_1054 = vector.broadcast %reduce_sum3A_1053 : i1 to vector<16xi1>
        %reduce_sum3A_1055 = tpu.scan <sum>, %select_n3A_1052 masked %reduce_sum3A_1054 : vector<16xf32>, vector<16xi1> -> vector<16xf32>
        %reduce_sum3A_1056 = vector.extract %reduce_sum3A_1055[15] : f32 from vector<16xf32>
        %add3A_1057 = arith.addf %add3A_1025, %reduce_sum3A_1056 : f32
        %mul3A_1058 = arith.constant 8 : i32
        %mul3A_1059 = arith.muli %scan3A_901, %mul3A_1058 : i32
        %add3A_1060 = arith.constant 5 : i32
        %add3A_1061 = arith.addi %mul3A_1059, %add3A_1060 : i32
        %mul3A_1062 = arith.constant 16 : i32
        %mul3A_1063 = arith.muli %add3A_1061, %mul3A_1062 : i32
        %get3A_1064 = arith.index_cast %mul3A_1063 : i32 to index
        %get3A_1065 = tpu.vector_load %arg5[%get3A_1064] {strides = array<i32>} : memref<20096xi32, #tpu.memory_space<vmem>>, vector<16xi32>,
        %ge3A_1066 = vector.broadcast %scan3A : i32 to vector<16xi32>
        %ge3A_1067 = arith.cmpi sge, %get3A_1065, %ge3A_1066 : vector<16xi32>
        %lt3A_1068 = vector.broadcast %scan3A_259 : i32 to vector<16xi32>
        %lt3A_1069 = arith.cmpi slt, %get3A_1065, %lt3A_1068 : vector<16xi32>
        %and3A_1070 = arith.andi %ge3A_1067, %lt3A_1069 : vector<16xi1>
        %shift_right_logical3A_1071 = arith.constant 20 : i32
        %shift_right_logical3A_1072 = vector.broadcast %shift_right_logical3A_1071 : i32 to vector<16xi32>
        %shift_right_logical3A_1073 = arith.shrui %get3A_1065, %shift_right_logical3A_1072 : vector<16xi32>
        %and3A_1074 = arith.constant 1023 : i32
        %and3A_1075 = vector.broadcast %and3A_1074 : i32 to vector<16xi32>
        %and3A_1076 = arith.andi %shift_right_logical3A_1073, %and3A_1075 : vector<16xi32>
        tpu.vector_store_idx %arg7[%and3A_1076], %broadcast_in_dim3A_3 masked %and3A_1070 {add = true} : memref<1024xf32, #tpu.memory_space<vmem>>[vector<16xi32>], vector<16xf32>, vector<16xi1>
        %lt3A_1077 = arith.constant 0 : i32
        %lt3A_1078 = vector.broadcast %lt3A_1077 : i32 to vector<16xi32>
        %lt3A_1079 = arith.cmpi slt, %get3A_1065, %lt3A_1078 : vector<16xi32>
        %jit3A_1080 = arith.constant 1.000000e+00 : f32
        %jit3A_1081 = arith.constant 0.000000e+00 : f32
        %broadcast_in_dim3A_1082 = vector.broadcast %jit3A_1080 : f32 to vector<16xf32>
        %broadcast_in_dim3A_1083 = vector.broadcast %jit3A_1081 : f32 to vector<16xf32>
        %select_n3A_1084 = arith.select %lt3A_1079, %broadcast_in_dim3A_1082, %broadcast_in_dim3A_1083 : vector<16xi1>, vector<16xf32>
        %reduce_sum3A_1085 = arith.constant true
        %reduce_sum3A_1086 = vector.broadcast %reduce_sum3A_1085 : i1 to vector<16xi1>
        %reduce_sum3A_1087 = tpu.scan <sum>, %select_n3A_1084 masked %reduce_sum3A_1086 : vector<16xf32>, vector<16xi1> -> vector<16xf32>
        %reduce_sum3A_1088 = vector.extract %reduce_sum3A_1087[15] : f32 from vector<16xf32>
        %add3A_1089 = arith.addf %add3A_1057, %reduce_sum3A_1088 : f32
        %mul3A_1090 = arith.constant 8 : i32
        %mul3A_1091 = arith.muli %scan3A_901, %mul3A_1090 : i32
        %add3A_1092 = arith.constant 6 : i32
        %add3A_1093 = arith.addi %mul3A_1091, %add3A_1092 : i32
        %mul3A_1094 = arith.constant 16 : i32
        %mul3A_1095 = arith.muli %add3A_1093, %mul3A_1094 : i32
        %get3A_1096 = arith.index_cast %mul3A_1095 : i32 to index
        %get3A_1097 = tpu.vector_load %arg5[%get3A_1096] {strides = array<i32>} : memref<20096xi32, #tpu.memory_space<vmem>>, vector<16xi32>,
        %ge3A_1098 = vector.broadcast %scan3A : i32 to vector<16xi32>
        %ge3A_1099 = arith.cmpi sge, %get3A_1097, %ge3A_1098 : vector<16xi32>
        %lt3A_1100 = vector.broadcast %scan3A_259 : i32 to vector<16xi32>
        %lt3A_1101 = arith.cmpi slt, %get3A_1097, %lt3A_1100 : vector<16xi32>
        %and3A_1102 = arith.andi %ge3A_1099, %lt3A_1101 : vector<16xi1>
        %shift_right_logical3A_1103 = arith.constant 20 : i32
        %shift_right_logical3A_1104 = vector.broadcast %shift_right_logical3A_1103 : i32 to vector<16xi32>
        %shift_right_logical3A_1105 = arith.shrui %get3A_1097, %shift_right_logical3A_1104 : vector<16xi32>
        %and3A_1106 = arith.constant 1023 : i32
        %and3A_1107 = vector.broadcast %and3A_1106 : i32 to vector<16xi32>
        %and3A_1108 = arith.andi %shift_right_logical3A_1105, %and3A_1107 : vector<16xi32>
        tpu.vector_store_idx %arg7[%and3A_1108], %broadcast_in_dim3A_3 masked %and3A_1102 {add = true} : memref<1024xf32, #tpu.memory_space<vmem>>[vector<16xi32>], vector<16xf32>, vector<16xi1>
        %lt3A_1109 = arith.constant 0 : i32
        %lt3A_1110 = vector.broadcast %lt3A_1109 : i32 to vector<16xi32>
        %lt3A_1111 = arith.cmpi slt, %get3A_1097, %lt3A_1110 : vector<16xi32>
        %jit3A_1112 = arith.constant 1.000000e+00 : f32
        %jit3A_1113 = arith.constant 0.000000e+00 : f32
        %broadcast_in_dim3A_1114 = vector.broadcast %jit3A_1112 : f32 to vector<16xf32>
        %broadcast_in_dim3A_1115 = vector.broadcast %jit3A_1113 : f32 to vector<16xf32>
        %select_n3A_1116 = arith.select %lt3A_1111, %broadcast_in_dim3A_1114, %broadcast_in_dim3A_1115 : vector<16xi1>, vector<16xf32>
        %reduce_sum3A_1117 = arith.constant true
        %reduce_sum3A_1118 = vector.broadcast %reduce_sum3A_1117 : i1 to vector<16xi1>
        %reduce_sum3A_1119 = tpu.scan <sum>, %select_n3A_1116 masked %reduce_sum3A_1118 : vector<16xf32>, vector<16xi1> -> vector<16xf32>
        %reduce_sum3A_1120 = vector.extract %reduce_sum3A_1119[15] : f32 from vector<16xf32>
        %add3A_1121 = arith.addf %add3A_1089, %reduce_sum3A_1120 : f32
        %mul3A_1122 = arith.constant 8 : i32
        %mul3A_1123 = arith.muli %scan3A_901, %mul3A_1122 : i32
        %add3A_1124 = arith.constant 7 : i32
        %add3A_1125 = arith.addi %mul3A_1123, %add3A_1124 : i32
        %mul3A_1126 = arith.constant 16 : i32
        %mul3A_1127 = arith.muli %add3A_1125, %mul3A_1126 : i32
        %get3A_1128 = arith.index_cast %mul3A_1127 : i32 to index
        %get3A_1129 = tpu.vector_load %arg5[%get3A_1128] {strides = array<i32>} : memref<20096xi32, #tpu.memory_space<vmem>>, vector<16xi32>,
        %ge3A_1130 = vector.broadcast %scan3A : i32 to vector<16xi32>
        %ge3A_1131 = arith.cmpi sge, %get3A_1129, %ge3A_1130 : vector<16xi32>
        %lt3A_1132 = vector.broadcast %scan3A_259 : i32 to vector<16xi32>
        %lt3A_1133 = arith.cmpi slt, %get3A_1129, %lt3A_1132 : vector<16xi32>
        %and3A_1134 = arith.andi %ge3A_1131, %lt3A_1133 : vector<16xi1>
        %shift_right_logical3A_1135 = arith.constant 20 : i32
        %shift_right_logical3A_1136 = vector.broadcast %shift_right_logical3A_1135 : i32 to vector<16xi32>
        %shift_right_logical3A_1137 = arith.shrui %get3A_1129, %shift_right_logical3A_1136 : vector<16xi32>
        %and3A_1138 = arith.constant 1023 : i32
        %and3A_1139 = vector.broadcast %and3A_1138 : i32 to vector<16xi32>
        %and3A_1140 = arith.andi %shift_right_logical3A_1137, %and3A_1139 : vector<16xi32>
        tpu.vector_store_idx %arg7[%and3A_1140], %broadcast_in_dim3A_3 masked %and3A_1134 {add = true} : memref<1024xf32, #tpu.memory_space<vmem>>[vector<16xi32>], vector<16xf32>, vector<16xi1>
        %lt3A_1141 = arith.constant 0 : i32
        %lt3A_1142 = vector.broadcast %lt3A_1141 : i32 to vector<16xi32>
        %lt3A_1143 = arith.cmpi slt, %get3A_1129, %lt3A_1142 : vector<16xi32>
        %jit3A_1144 = arith.constant 1.000000e+00 : f32
        %jit3A_1145 = arith.constant 0.000000e+00 : f32
        %broadcast_in_dim3A_1146 = vector.broadcast %jit3A_1144 : f32 to vector<16xf32>
        %broadcast_in_dim3A_1147 = vector.broadcast %jit3A_1145 : f32 to vector<16xf32>
        %select_n3A_1148 = arith.select %lt3A_1143, %broadcast_in_dim3A_1146, %broadcast_in_dim3A_1147 : vector<16xi1>, vector<16xf32>
        %reduce_sum3A_1149 = arith.constant true
        %reduce_sum3A_1150 = vector.broadcast %reduce_sum3A_1149 : i1 to vector<16xi1>
        %reduce_sum3A_1151 = tpu.scan <sum>, %select_n3A_1148 masked %reduce_sum3A_1150 : vector<16xf32>, vector<16xi1> -> vector<16xf32>
        %reduce_sum3A_1152 = vector.extract %reduce_sum3A_1151[15] : f32 from vector<16xf32>
        %add3A_1153 = arith.addf %add3A_1121, %reduce_sum3A_1152 : f32
        scf.yield %add3A_1153 : f32
      }
      %scan3A_266 = arith.constant 157 : i32
      %sub3A = arith.constant 9.600000e+01 : f32
      %sub3A_267 = arith.subf %scan3A_265, %sub3A : f32
      %gt3A = arith.constant 0.000000e+00 : f32
      %gt3A_268 = arith.cmpf ogt, %sub3A_267, %gt3A : f32
      %jit3A = arith.constant 1.000000e+03 : f32
      %select_n3A = arith.select %gt3A_268, %sub3A_267, %jit3A : f32
      %mul3A_269 = arith.constant 3.000000e+00 : f32
      %mul3A_270 = arith.mulf %mul3A_269, %select_n3A : f32
      %sub3A_271 = arith.constant 2.000000e+04 : f32
      %sub3A_272 = arith.subf %sub3A_271, %sub3A_267 : f32
      %min3A = arith.minimumf %mul3A_270, %sub3A_272 : f32
      %scan3A_273 = arith.constant 0.000000e+00 : f32
      %scan3A_274 = arith.constant 0.000000e+00 : f32
      %scan3A_275 = arith.constant 0.000000e+00 : f32
      %scan3A_276 = arith.constant 0 : i32
      %scan3A_277 = arith.constant 64 : i32
      %scan3A_278 = arith.addi %scan3A_276, %scan3A_277 : i32
      %scan3A_279 = arith.constant 1 : i32
      %scan3A_280:3 = scf.for %scan3A_901 = %scan3A_276 to %scan3A_278 step %scan3A_279 iter_args(%scan3A_902 = %scan3A_273, %scan3A_903 = %scan3A_274, %scan3A_904 = %scan3A_275) -> (f32, f32, f32)  : i32 {
        %sub3A_905 = arith.constant 63 : i32
        %sub3A_906 = arith.subi %sub3A_905, %scan3A_901 : i32
        %mul3A_907 = arith.constant 16 : i32
        %mul3A_908 = arith.muli %sub3A_906, %mul3A_907 : i32
        %get3A = arith.index_cast %mul3A_908 : i32 to index
        %get3A_909 = tpu.vector_load %arg7[%get3A] {strides = array<i32>} : memref<1024xf32, #tpu.memory_space<vmem>>, vector<16xf32>,
        %rev3A = arith.constant 15 : i32
        %rev3A_910 = vector.broadcast %rev3A : i32 to vector<16xi32>
        %rev3A_911 = tpu.iota {dimensions = array<i32: 0>} : vector<16xi32>
        %rev3A_912 = arith.subi %rev3A_910, %rev3A_911 : vector<16xi32>
        %rev3A_913 = tpu.dynamic_gather %get3A_909[%rev3A_912] in [0] : vector<16xf32>, vector<16xi32> -> vector<16xf32>
        %broadcast_in_dim3A_914 = arith.constant true
        %broadcast_in_dim3A_915 = vector.broadcast %broadcast_in_dim3A_914 : i1 to vector<16xi1>
        %masked_cumsum3A = tpu.scan <sum>, %rev3A_913 masked %broadcast_in_dim3A_915 : vector<16xf32>, vector<16xi1> -> vector<16xf32>
        %rev3A_916 = arith.constant 15 : i32
        %rev3A_917 = vector.broadcast %rev3A_916 : i32 to vector<16xi32>
        %rev3A_918 = tpu.iota {dimensions = array<i32: 0>} : vector<16xi32>
        %rev3A_919 = arith.subi %rev3A_917, %rev3A_918 : vector<16xi32>
        %rev3A_920 = tpu.dynamic_gather %masked_cumsum3A[%rev3A_919] in [0] : vector<16xf32>, vector<16xi32> -> vector<16xf32>
        %add3A_921 = vector.broadcast %scan3A_902 : f32 to vector<16xf32>
        %add3A_922 = arith.addf %rev3A_920, %add3A_921 : vector<16xf32>
        %sub3A_923 = arith.subf %add3A_922, %get3A_909 : vector<16xf32>
        %lt3A_924 = vector.broadcast %min3A : f32 to vector<16xf32>
        %lt3A_925 = arith.cmpf olt, %sub3A_923, %lt3A_924 : vector<16xf32>
        %ge3A = vector.broadcast %min3A : f32 to vector<16xf32>
        %ge3A_926 = arith.cmpf oge, %add3A_922, %ge3A : vector<16xf32>
        %and3A = arith.andi %lt3A_925, %ge3A_926 : vector<16xi1>
        %iota3A_927 = tpu.iota {dimensions = array<i32: 0>} : vector<16xi32>
        %mul3A_928 = arith.constant 16 : i32
        %mul3A_929 = arith.muli %sub3A_906, %mul3A_928 : i32
        %add3A_930 = vector.broadcast %mul3A_929 : i32 to vector<16xi32>
        %add3A_931 = arith.addi %iota3A_927, %add3A_930 : vector<16xi32>
        %convert_element_type3A_932 = arith.sitofp %add3A_931 : vector<16xi32> to vector<16xf32>
        %jit3A_933 = arith.constant 0.000000e+00 : f32
        %broadcast_in_dim3A_934 = vector.broadcast %jit3A_933 : f32 to vector<16xf32>
        %select_n3A_935 = arith.select %and3A, %convert_element_type3A_932, %broadcast_in_dim3A_934 : vector<16xi1>, vector<16xf32>
        %reduce_sum3A = arith.constant true
        %reduce_sum3A_936 = vector.broadcast %reduce_sum3A : i1 to vector<16xi1>
        %reduce_sum3A_937 = tpu.scan <sum>, %select_n3A_935 masked %reduce_sum3A_936 : vector<16xf32>, vector<16xi1> -> vector<16xf32>
        %reduce_sum3A_938 = vector.extract %reduce_sum3A_937[15] : f32 from vector<16xf32>
        %add3A_939 = arith.addf %scan3A_903, %reduce_sum3A_938 : f32
        %jit3A_940 = arith.constant 0.000000e+00 : f32
        %broadcast_in_dim3A_941 = vector.broadcast %jit3A_940 : f32 to vector<16xf32>
        %select_n3A_942 = arith.select %and3A, %sub3A_923, %broadcast_in_dim3A_941 : vector<16xi1>, vector<16xf32>
        %reduce_sum3A_943 = arith.constant true
        %reduce_sum3A_944 = vector.broadcast %reduce_sum3A_943 : i1 to vector<16xi1>
        %reduce_sum3A_945 = tpu.scan <sum>, %select_n3A_942 masked %reduce_sum3A_944 : vector<16xf32>, vector<16xi1> -> vector<16xf32>
        %reduce_sum3A_946 = vector.extract %reduce_sum3A_945[15] : f32 from vector<16xf32>
        %add3A_947 = arith.addf %scan3A_904, %reduce_sum3A_946 : f32
        %reduce_sum3A_948 = arith.constant true
        %reduce_sum3A_949 = vector.broadcast %reduce_sum3A_948 : i1 to vector<16xi1>
        %reduce_sum3A_950 = tpu.scan <sum>, %get3A_909 masked %reduce_sum3A_949 : vector<16xf32>, vector<16xi1> -> vector<16xf32>
        %reduce_sum3A_951 = vector.extract %reduce_sum3A_950[15] : f32 from vector<16xf32>
        %add3A_952 = arith.addf %scan3A_902, %reduce_sum3A_951 : f32
        scf.yield %add3A_952, %add3A_939, %add3A_947 : f32, f32, f32
      }
      %scan3A_281 = arith.constant 64 : i32
      %convert_element_type3A_282 = arith.fptosi %scan3A_280#1 : f32 to i32
      %shift_left3A = arith.constant 20 : i32
      %shift_left3A_283 = arith.shli %convert_element_type3A_282, %shift_left3A : i32
      %add3A_284 = arith.constant 0 : i32
      %add3A_285 = arith.addi %add3A_284, %shift_left3A_283 : i32
      %sub3A_286 = arith.subf %min3A, %scan3A_280#2 : f32
      %add3A_287 = arith.constant 1048576 : i32
      %add3A_288 = arith.addi %add3A_285, %add3A_287 : i32
      %broadcast_in_dim3A_289 = arith.constant 0.000000e+00 : f32
      %broadcast_in_dim3A_290 = vector.broadcast %broadcast_in_dim3A_289 : f32 to vector<16xf32>
      %swap3A_291 = arith.constant 0 : index
      %swap3A_292 = tpu.vector_load %arg7[%swap3A_291] {strides = array<i32>} : memref<1024xf32, #tpu.memory_space<vmem>>, vector<16xf32>,
      tpu.vector_store %arg7[%swap3A_291], %broadcast_in_dim3A_290 {strides = array<i32>} : memref<1024xf32, #tpu.memory_space<vmem>>, vector<16xf32>,
      %broadcast_in_dim3A_293 = arith.constant 0.000000e+00 : f32
      %broadcast_in_dim3A_294 = vector.broadcast %broadcast_in_dim3A_293 : f32 to vector<16xf32>
      %swap3A_295 = arith.constant 16 : index
      %swap3A_296 = tpu.vector_load %arg7[%swap3A_295] {strides = array<i32>} : memref<1024xf32, #tpu.memory_space<vmem>>, vector<16xf32>,
      tpu.vector_store %arg7[%swap3A_295], %broadcast_in_dim3A_294 {strides = array<i32>} : memref<1024xf32, #tpu.memory_space<vmem>>, vector<16xf32>,
      %broadcast_in_dim3A_297 = arith.constant 0.000000e+00 : f32
      %broadcast_in_dim3A_298 = vector.broadcast %broadcast_in_dim3A_297 : f32 to vector<16xf32>
      %swap3A_299 = arith.constant 32 : index
      %swap3A_300 = tpu.vector_load %arg7[%swap3A_299] {strides = array<i32>} : memref<1024xf32, #tpu.memory_space<vmem>>, vector<16xf32>,
      tpu.vector_store %arg7[%swap3A_299], %broadcast_in_dim3A_298 {strides = array<i32>} : memref<1024xf32, #tpu.memory_space<vmem>>, vector<16xf32>,
      %broadcast_in_dim3A_301 = arith.constant 0.000000e+00 : f32
      %broadcast_in_dim3A_302 = vector.broadcast %broadcast_in_dim3A_301 : f32 to vector<16xf32>
      %swap3A_303 = arith.constant 48 : index
      %swap3A_304 = tpu.vector_load %arg7[%swap3A_303] {strides = array<i32>} : memref<1024xf32, #tpu.memory_space<vmem>>, vector<16xf32>,
      tpu.vector_store %arg7[%swap3A_303], %broadcast_in_dim3A_302 {strides = array<i32>} : memref<1024xf32, #tpu.memory_space<vmem>>, vector<16xf32>,
      %broadcast_in_dim3A_305 = arith.constant 0.000000e+00 : f32
      %broadcast_in_dim3A_306 = vector.broadcast %broadcast_in_dim3A_305 : f32 to vector<16xf32>
      %swap3A_307 = arith.constant 64 : index
      %swap3A_308 = tpu.vector_load %arg7[%swap3A_307] {strides = array<i32>} : memref<1024xf32, #tpu.memory_space<vmem>>, vector<16xf32>,
      tpu.vector_store %arg7[%swap3A_307], %broadcast_in_dim3A_306 {strides = array<i32>} : memref<1024xf32, #tpu.memory_space<vmem>>, vector<16xf32>,
      %broadcast_in_dim3A_309 = arith.constant 0.000000e+00 : f32
      %broadcast_in_dim3A_310 = vector.broadcast %broadcast_in_dim3A_309 : f32 to vector<16xf32>
      %swap3A_311 = arith.constant 80 : index
      %swap3A_312 = tpu.vector_load %arg7[%swap3A_311] {strides = array<i32>} : memref<1024xf32, #tpu.memory_space<vmem>>, vector<16xf32>,
      tpu.vector_store %arg7[%swap3A_311], %broadcast_in_dim3A_310 {strides = array<i32>} : memref<1024xf32, #tpu.memory_space<vmem>>, vector<16xf32>,
      %broadcast_in_dim3A_313 = arith.constant 0.000000e+00 : f32
      %broadcast_in_dim3A_314 = vector.broadcast %broadcast_in_dim3A_313 : f32 to vector<16xf32>
      %swap3A_315 = arith.constant 96 : index
      %swap3A_316 = tpu.vector_load %arg7[%swap3A_315] {strides = array<i32>} : memref<1024xf32, #tpu.memory_space<vmem>>, vector<16xf32>,
      tpu.vector_store %arg7[%swap3A_315], %broadcast_in_dim3A_314 {strides = array<i32>} : memref<1024xf32, #tpu.memory_space<vmem>>, vector<16xf32>,
      %broadcast_in_dim3A_317 = arith.constant 0.000000e+00 : f32
      %broadcast_in_dim3A_318 = vector.broadcast %broadcast_in_dim3A_317 : f32 to vector<16xf32>
      %swap3A_319 = arith.constant 112 : index
      %swap3A_320 = tpu.vector_load %arg7[%swap3A_319] {strides = array<i32>} : memref<1024xf32, #tpu.memory_space<vmem>>, vector<16xf32>,
      tpu.vector_store %arg7[%swap3A_319], %broadcast_in_dim3A_318 {strides = array<i32>} : memref<1024xf32, #tpu.memory_space<vmem>>, vector<16xf32>,
      %broadcast_in_dim3A_321 = arith.constant 0.000000e+00 : f32
      %broadcast_in_dim3A_322 = vector.broadcast %broadcast_in_dim3A_321 : f32 to vector<16xf32>
      %swap3A_323 = arith.constant 128 : index
      %swap3A_324 = tpu.vector_load %arg7[%swap3A_323] {strides = array<i32>} : memref<1024xf32, #tpu.memory_space<vmem>>, vector<16xf32>,
      tpu.vector_store %arg7[%swap3A_323], %broadcast_in_dim3A_322 {strides = array<i32>} : memref<1024xf32, #tpu.memory_space<vmem>>, vector<16xf32>,
      %broadcast_in_dim3A_325 = arith.constant 0.000000e+00 : f32
      %broadcast_in_dim3A_326 = vector.broadcast %broadcast_in_dim3A_325 : f32 to vector<16xf32>
      %swap3A_327 = arith.constant 144 : index
      %swap3A_328 = tpu.vector_load %arg7[%swap3A_327] {strides = array<i32>} : memref<1024xf32, #tpu.memory_space<vmem>>, vector<16xf32>,
      tpu.vector_store %arg7[%swap3A_327], %broadcast_in_dim3A_326 {strides = array<i32>} : memref<1024xf32, #tpu.memory_space<vmem>>, vector<16xf32>,
      %broadcast_in_dim3A_329 = arith.constant 0.000000e+00 : f32
      %broadcast_in_dim3A_330 = vector.broadcast %broadcast_in_dim3A_329 : f32 to vector<16xf32>
      %swap3A_331 = arith.constant 160 : index
      %swap3A_332 = tpu.vector_load %arg7[%swap3A_331] {strides = array<i32>} : memref<1024xf32, #tpu.memory_space<vmem>>, vector<16xf32>,
      tpu.vector_store %arg7[%swap3A_331], %broadcast_in_dim3A_330 {strides = array<i32>} : memref<1024xf32, #tpu.memory_space<vmem>>, vector<16xf32>,
      %broadcast_in_dim3A_333 = arith.constant 0.000000e+00 : f32
      %broadcast_in_dim3A_334 = vector.broadcast %broadcast_in_dim3A_333 : f32 to vector<16xf32>
      %swap3A_335 = arith.constant 176 : index
      %swap3A_336 = tpu.vector_load %arg7[%swap3A_335] {strides = array<i32>} : memref<1024xf32, #tpu.memory_space<vmem>>, vector<16xf32>,
      tpu.vector_store %arg7[%swap3A_335], %broadcast_in_dim3A_334 {strides = array<i32>} : memref<1024xf32, #tpu.memory_space<vmem>>, vector<16xf32>,
      %broadcast_in_dim3A_337 = arith.constant 0.000000e+00 : f32
      %broadcast_in_dim3A_338 = vector.broadcast %broadcast_in_dim3A_337 : f32 to vector<16xf32>
      %swap3A_339 = arith.constant 192 : index
      %swap3A_340 = tpu.vector_load %arg7[%swap3A_339] {strides = array<i32>} : memref<1024xf32, #tpu.memory_space<vmem>>, vector<16xf32>,
      tpu.vector_store %arg7[%swap3A_339], %broadcast_in_dim3A_338 {strides = array<i32>} : memref<1024xf32, #tpu.memory_space<vmem>>, vector<16xf32>,
      %broadcast_in_dim3A_341 = arith.constant 0.000000e+00 : f32
      %broadcast_in_dim3A_342 = vector.broadcast %broadcast_in_dim3A_341 : f32 to vector<16xf32>
      %swap3A_343 = arith.constant 208 : index
      %swap3A_344 = tpu.vector_load %arg7[%swap3A_343] {strides = array<i32>} : memref<1024xf32, #tpu.memory_space<vmem>>, vector<16xf32>,
      tpu.vector_store %arg7[%swap3A_343], %broadcast_in_dim3A_342 {strides = array<i32>} : memref<1024xf32, #tpu.memory_space<vmem>>, vector<16xf32>,
      %broadcast_in_dim3A_345 = arith.constant 0.000000e+00 : f32
      %broadcast_in_dim3A_346 = vector.broadcast %broadcast_in_dim3A_345 : f32 to vector<16xf32>
      %swap3A_347 = arith.constant 224 : index
      %swap3A_348 = tpu.vector_load %arg7[%swap3A_347] {strides = array<i32>} : memref<1024xf32, #tpu.memory_space<vmem>>, vector<16xf32>,
      tpu.vector_store %arg7[%swap3A_347], %broadcast_in_dim3A_346 {strides = array<i32>} : memref<1024xf32, #tpu.memory_space<vmem>>, vector<16xf32>,
      %broadcast_in_dim3A_349 = arith.constant 0.000000e+00 : f32
      %broadcast_in_dim3A_350 = vector.broadcast %broadcast_in_dim3A_349 : f32 to vector<16xf32>
      %swap3A_351 = arith.constant 240 : index
      %swap3A_352 = tpu.vector_load %arg7[%swap3A_351] {strides = array<i32>} : memref<1024xf32, #tpu.memory_space<vmem>>, vector<16xf32>,
      tpu.vector_store %arg7[%swap3A_351], %broadcast_in_dim3A_350 {strides = array<i32>} : memref<1024xf32, #tpu.memory_space<vmem>>, vector<16xf32>,
      %broadcast_in_dim3A_353 = arith.constant 0.000000e+00 : f32
      %broadcast_in_dim3A_354 = vector.broadcast %broadcast_in_dim3A_353 : f32 to vector<16xf32>
      %swap3A_355 = arith.constant 256 : index
      %swap3A_356 = tpu.vector_load %arg7[%swap3A_355] {strides = array<i32>} : memref<1024xf32, #tpu.memory_space<vmem>>, vector<16xf32>,
      tpu.vector_store %arg7[%swap3A_355], %broadcast_in_dim3A_354 {strides = array<i32>} : memref<1024xf32, #tpu.memory_space<vmem>>, vector<16xf32>,
      %broadcast_in_dim3A_357 = arith.constant 0.000000e+00 : f32
      %broadcast_in_dim3A_358 = vector.broadcast %broadcast_in_dim3A_357 : f32 to vector<16xf32>
      %swap3A_359 = arith.constant 272 : index
      %swap3A_360 = tpu.vector_load %arg7[%swap3A_359] {strides = array<i32>} : memref<1024xf32, #tpu.memory_space<vmem>>, vector<16xf32>,
      tpu.vector_store %arg7[%swap3A_359], %broadcast_in_dim3A_358 {strides = array<i32>} : memref<1024xf32, #tpu.memory_space<vmem>>, vector<16xf32>,
      %broadcast_in_dim3A_361 = arith.constant 0.000000e+00 : f32
      %broadcast_in_dim3A_362 = vector.broadcast %broadcast_in_dim3A_361 : f32 to vector<16xf32>
      %swap3A_363 = arith.constant 288 : index
      %swap3A_364 = tpu.vector_load %arg7[%swap3A_363] {strides = array<i32>} : memref<1024xf32, #tpu.memory_space<vmem>>, vector<16xf32>,
      tpu.vector_store %arg7[%swap3A_363], %broadcast_in_dim3A_362 {strides = array<i32>} : memref<1024xf32, #tpu.memory_space<vmem>>, vector<16xf32>,
      %broadcast_in_dim3A_365 = arith.constant 0.000000e+00 : f32
      %broadcast_in_dim3A_366 = vector.broadcast %broadcast_in_dim3A_365 : f32 to vector<16xf32>
      %swap3A_367 = arith.constant 304 : index
      %swap3A_368 = tpu.vector_load %arg7[%swap3A_367] {strides = array<i32>} : memref<1024xf32, #tpu.memory_space<vmem>>, vector<16xf32>,
      tpu.vector_store %arg7[%swap3A_367], %broadcast_in_dim3A_366 {strides = array<i32>} : memref<1024xf32, #tpu.memory_space<vmem>>, vector<16xf32>,
      %broadcast_in_dim3A_369 = arith.constant 0.000000e+00 : f32
      %broadcast_in_dim3A_370 = vector.broadcast %broadcast_in_dim3A_369 : f32 to vector<16xf32>
      %swap3A_371 = arith.constant 320 : index
      %swap3A_372 = tpu.vector_load %arg7[%swap3A_371] {strides = array<i32>} : memref<1024xf32, #tpu.memory_space<vmem>>, vector<16xf32>,
      tpu.vector_store %arg7[%swap3A_371], %broadcast_in_dim3A_370 {strides = array<i32>} : memref<1024xf32, #tpu.memory_space<vmem>>, vector<16xf32>,
      %broadcast_in_dim3A_373 = arith.constant 0.000000e+00 : f32
      %broadcast_in_dim3A_374 = vector.broadcast %broadcast_in_dim3A_373 : f32 to vector<16xf32>
      %swap3A_375 = arith.constant 336 : index
      %swap3A_376 = tpu.vector_load %arg7[%swap3A_375] {strides = array<i32>} : memref<1024xf32, #tpu.memory_space<vmem>>, vector<16xf32>,
      tpu.vector_store %arg7[%swap3A_375], %broadcast_in_dim3A_374 {strides = array<i32>} : memref<1024xf32, #tpu.memory_space<vmem>>, vector<16xf32>,
      %broadcast_in_dim3A_377 = arith.constant 0.000000e+00 : f32
      %broadcast_in_dim3A_378 = vector.broadcast %broadcast_in_dim3A_377 : f32 to vector<16xf32>
      %swap3A_379 = arith.constant 352 : index
      %swap3A_380 = tpu.vector_load %arg7[%swap3A_379] {strides = array<i32>} : memref<1024xf32, #tpu.memory_space<vmem>>, vector<16xf32>,
      tpu.vector_store %arg7[%swap3A_379], %broadcast_in_dim3A_378 {strides = array<i32>} : memref<1024xf32, #tpu.memory_space<vmem>>, vector<16xf32>,
      %broadcast_in_dim3A_381 = arith.constant 0.000000e+00 : f32
      %broadcast_in_dim3A_382 = vector.broadcast %broadcast_in_dim3A_381 : f32 to vector<16xf32>
      %swap3A_383 = arith.constant 368 : index
      %swap3A_384 = tpu.vector_load %arg7[%swap3A_383] {strides = array<i32>} : memref<1024xf32, #tpu.memory_space<vmem>>, vector<16xf32>,
      tpu.vector_store %arg7[%swap3A_383], %broadcast_in_dim3A_382 {strides = array<i32>} : memref<1024xf32, #tpu.memory_space<vmem>>, vector<16xf32>,
      %broadcast_in_dim3A_385 = arith.constant 0.000000e+00 : f32
      %broadcast_in_dim3A_386 = vector.broadcast %broadcast_in_dim3A_385 : f32 to vector<16xf32>
      %swap3A_387 = arith.constant 384 : index
      %swap3A_388 = tpu.vector_load %arg7[%swap3A_387] {strides = array<i32>} : memref<1024xf32, #tpu.memory_space<vmem>>, vector<16xf32>,
      tpu.vector_store %arg7[%swap3A_387], %broadcast_in_dim3A_386 {strides = array<i32>} : memref<1024xf32, #tpu.memory_space<vmem>>, vector<16xf32>,
      %broadcast_in_dim3A_389 = arith.constant 0.000000e+00 : f32
      %broadcast_in_dim3A_390 = vector.broadcast %broadcast_in_dim3A_389 : f32 to vector<16xf32>
      %swap3A_391 = arith.constant 400 : index
      %swap3A_392 = tpu.vector_load %arg7[%swap3A_391] {strides = array<i32>} : memref<1024xf32, #tpu.memory_space<vmem>>, vector<16xf32>,
      tpu.vector_store %arg7[%swap3A_391], %broadcast_in_dim3A_390 {strides = array<i32>} : memref<1024xf32, #tpu.memory_space<vmem>>, vector<16xf32>,
      %broadcast_in_dim3A_393 = arith.constant 0.000000e+00 : f32
      %broadcast_in_dim3A_394 = vector.broadcast %broadcast_in_dim3A_393 : f32 to vector<16xf32>
      %swap3A_395 = arith.constant 416 : index
      %swap3A_396 = tpu.vector_load %arg7[%swap3A_395] {strides = array<i32>} : memref<1024xf32, #tpu.memory_space<vmem>>, vector<16xf32>,
      tpu.vector_store %arg7[%swap3A_395], %broadcast_in_dim3A_394 {strides = array<i32>} : memref<1024xf32, #tpu.memory_space<vmem>>, vector<16xf32>,
      %broadcast_in_dim3A_397 = arith.constant 0.000000e+00 : f32
      %broadcast_in_dim3A_398 = vector.broadcast %broadcast_in_dim3A_397 : f32 to vector<16xf32>
      %swap3A_399 = arith.constant 432 : index
      %swap3A_400 = tpu.vector_load %arg7[%swap3A_399] {strides = array<i32>} : memref<1024xf32, #tpu.memory_space<vmem>>, vector<16xf32>,
      tpu.vector_store %arg7[%swap3A_399], %broadcast_in_dim3A_398 {strides = array<i32>} : memref<1024xf32, #tpu.memory_space<vmem>>, vector<16xf32>,
      %broadcast_in_dim3A_401 = arith.constant 0.000000e+00 : f32
      %broadcast_in_dim3A_402 = vector.broadcast %broadcast_in_dim3A_401 : f32 to vector<16xf32>
      %swap3A_403 = arith.constant 448 : index
      %swap3A_404 = tpu.vector_load %arg7[%swap3A_403] {strides = array<i32>} : memref<1024xf32, #tpu.memory_space<vmem>>, vector<16xf32>,
      tpu.vector_store %arg7[%swap3A_403], %broadcast_in_dim3A_402 {strides = array<i32>} : memref<1024xf32, #tpu.memory_space<vmem>>, vector<16xf32>,
      %broadcast_in_dim3A_405 = arith.constant 0.000000e+00 : f32
      %broadcast_in_dim3A_406 = vector.broadcast %broadcast_in_dim3A_405 : f32 to vector<16xf32>
      %swap3A_407 = arith.constant 464 : index
      %swap3A_408 = tpu.vector_load %arg7[%swap3A_407] {strides = array<i32>} : memref<1024xf32, #tpu.memory_space<vmem>>, vector<16xf32>,
      tpu.vector_store %arg7[%swap3A_407], %broadcast_in_dim3A_406 {strides = array<i32>} : memref<1024xf32, #tpu.memory_space<vmem>>, vector<16xf32>,
      %broadcast_in_dim3A_409 = arith.constant 0.000000e+00 : f32
      %broadcast_in_dim3A_410 = vector.broadcast %broadcast_in_dim3A_409 : f32 to vector<16xf32>
      %swap3A_411 = arith.constant 480 : index
      %swap3A_412 = tpu.vector_load %arg7[%swap3A_411] {strides = array<i32>} : memref<1024xf32, #tpu.memory_space<vmem>>, vector<16xf32>,
      tpu.vector_store %arg7[%swap3A_411], %broadcast_in_dim3A_410 {strides = array<i32>} : memref<1024xf32, #tpu.memory_space<vmem>>, vector<16xf32>,
      %broadcast_in_dim3A_413 = arith.constant 0.000000e+00 : f32
      %broadcast_in_dim3A_414 = vector.broadcast %broadcast_in_dim3A_413 : f32 to vector<16xf32>
      %swap3A_415 = arith.constant 496 : index
      %swap3A_416 = tpu.vector_load %arg7[%swap3A_415] {strides = array<i32>} : memref<1024xf32, #tpu.memory_space<vmem>>, vector<16xf32>,
      tpu.vector_store %arg7[%swap3A_415], %broadcast_in_dim3A_414 {strides = array<i32>} : memref<1024xf32, #tpu.memory_space<vmem>>, vector<16xf32>,
      %broadcast_in_dim3A_417 = arith.constant 0.000000e+00 : f32
      %broadcast_in_dim3A_418 = vector.broadcast %broadcast_in_dim3A_417 : f32 to vector<16xf32>
      %swap3A_419 = arith.constant 512 : index
      %swap3A_420 = tpu.vector_load %arg7[%swap3A_419] {strides = array<i32>} : memref<1024xf32, #tpu.memory_space<vmem>>, vector<16xf32>,
      tpu.vector_store %arg7[%swap3A_419], %broadcast_in_dim3A_418 {strides = array<i32>} : memref<1024xf32, #tpu.memory_space<vmem>>, vector<16xf32>,
      %broadcast_in_dim3A_421 = arith.constant 0.000000e+00 : f32
      %broadcast_in_dim3A_422 = vector.broadcast %broadcast_in_dim3A_421 : f32 to vector<16xf32>
      %swap3A_423 = arith.constant 528 : index
      %swap3A_424 = tpu.vector_load %arg7[%swap3A_423] {strides = array<i32>} : memref<1024xf32, #tpu.memory_space<vmem>>, vector<16xf32>,
      tpu.vector_store %arg7[%swap3A_423], %broadcast_in_dim3A_422 {strides = array<i32>} : memref<1024xf32, #tpu.memory_space<vmem>>, vector<16xf32>,
      %broadcast_in_dim3A_425 = arith.constant 0.000000e+00 : f32
      %broadcast_in_dim3A_426 = vector.broadcast %broadcast_in_dim3A_425 : f32 to vector<16xf32>
      %swap3A_427 = arith.constant 544 : index
      %swap3A_428 = tpu.vector_load %arg7[%swap3A_427] {strides = array<i32>} : memref<1024xf32, #tpu.memory_space<vmem>>, vector<16xf32>,
      tpu.vector_store %arg7[%swap3A_427], %broadcast_in_dim3A_426 {strides = array<i32>} : memref<1024xf32, #tpu.memory_space<vmem>>, vector<16xf32>,
      %broadcast_in_dim3A_429 = arith.constant 0.000000e+00 : f32
      %broadcast_in_dim3A_430 = vector.broadcast %broadcast_in_dim3A_429 : f32 to vector<16xf32>
      %swap3A_431 = arith.constant 560 : index
      %swap3A_432 = tpu.vector_load %arg7[%swap3A_431] {strides = array<i32>} : memref<1024xf32, #tpu.memory_space<vmem>>, vector<16xf32>,
      tpu.vector_store %arg7[%swap3A_431], %broadcast_in_dim3A_430 {strides = array<i32>} : memref<1024xf32, #tpu.memory_space<vmem>>, vector<16xf32>,
      %broadcast_in_dim3A_433 = arith.constant 0.000000e+00 : f32
      %broadcast_in_dim3A_434 = vector.broadcast %broadcast_in_dim3A_433 : f32 to vector<16xf32>
      %swap3A_435 = arith.constant 576 : index
      %swap3A_436 = tpu.vector_load %arg7[%swap3A_435] {strides = array<i32>} : memref<1024xf32, #tpu.memory_space<vmem>>, vector<16xf32>,
      tpu.vector_store %arg7[%swap3A_435], %broadcast_in_dim3A_434 {strides = array<i32>} : memref<1024xf32, #tpu.memory_space<vmem>>, vector<16xf32>,
      %broadcast_in_dim3A_437 = arith.constant 0.000000e+00 : f32
      %broadcast_in_dim3A_438 = vector.broadcast %broadcast_in_dim3A_437 : f32 to vector<16xf32>
      %swap3A_439 = arith.constant 592 : index
      %swap3A_440 = tpu.vector_load %arg7[%swap3A_439] {strides = array<i32>} : memref<1024xf32, #tpu.memory_space<vmem>>, vector<16xf32>,
      tpu.vector_store %arg7[%swap3A_439], %broadcast_in_dim3A_438 {strides = array<i32>} : memref<1024xf32, #tpu.memory_space<vmem>>, vector<16xf32>,
      %broadcast_in_dim3A_441 = arith.constant 0.000000e+00 : f32
      %broadcast_in_dim3A_442 = vector.broadcast %broadcast_in_dim3A_441 : f32 to vector<16xf32>
      %swap3A_443 = arith.constant 608 : index
      %swap3A_444 = tpu.vector_load %arg7[%swap3A_443] {strides = array<i32>} : memref<1024xf32, #tpu.memory_space<vmem>>, vector<16xf32>,
      tpu.vector_store %arg7[%swap3A_443], %broadcast_in_dim3A_442 {strides = array<i32>} : memref<1024xf32, #tpu.memory_space<vmem>>, vector<16xf32>,
      %broadcast_in_dim3A_445 = arith.constant 0.000000e+00 : f32
      %broadcast_in_dim3A_446 = vector.broadcast %broadcast_in_dim3A_445 : f32 to vector<16xf32>
      %swap3A_447 = arith.constant 624 : index
      %swap3A_448 = tpu.vector_load %arg7[%swap3A_447] {strides = array<i32>} : memref<1024xf32, #tpu.memory_space<vmem>>, vector<16xf32>,
      tpu.vector_store %arg7[%swap3A_447], %broadcast_in_dim3A_446 {strides = array<i32>} : memref<1024xf32, #tpu.memory_space<vmem>>, vector<16xf32>,
      %broadcast_in_dim3A_449 = arith.constant 0.000000e+00 : f32
      %broadcast_in_dim3A_450 = vector.broadcast %broadcast_in_dim3A_449 : f32 to vector<16xf32>
      %swap3A_451 = arith.constant 640 : index
      %swap3A_452 = tpu.vector_load %arg7[%swap3A_451] {strides = array<i32>} : memref<1024xf32, #tpu.memory_space<vmem>>, vector<16xf32>,
      tpu.vector_store %arg7[%swap3A_451], %broadcast_in_dim3A_450 {strides = array<i32>} : memref<1024xf32, #tpu.memory_space<vmem>>, vector<16xf32>,
      %broadcast_in_dim3A_453 = arith.constant 0.000000e+00 : f32
      %broadcast_in_dim3A_454 = vector.broadcast %broadcast_in_dim3A_453 : f32 to vector<16xf32>
      %swap3A_455 = arith.constant 656 : index
      %swap3A_456 = tpu.vector_load %arg7[%swap3A_455] {strides = array<i32>} : memref<1024xf32, #tpu.memory_space<vmem>>, vector<16xf32>,
      tpu.vector_store %arg7[%swap3A_455], %broadcast_in_dim3A_454 {strides = array<i32>} : memref<1024xf32, #tpu.memory_space<vmem>>, vector<16xf32>,
      %broadcast_in_dim3A_457 = arith.constant 0.000000e+00 : f32
      %broadcast_in_dim3A_458 = vector.broadcast %broadcast_in_dim3A_457 : f32 to vector<16xf32>
      %swap3A_459 = arith.constant 672 : index
      %swap3A_460 = tpu.vector_load %arg7[%swap3A_459] {strides = array<i32>} : memref<1024xf32, #tpu.memory_space<vmem>>, vector<16xf32>,
      tpu.vector_store %arg7[%swap3A_459], %broadcast_in_dim3A_458 {strides = array<i32>} : memref<1024xf32, #tpu.memory_space<vmem>>, vector<16xf32>,
      %broadcast_in_dim3A_461 = arith.constant 0.000000e+00 : f32
      %broadcast_in_dim3A_462 = vector.broadcast %broadcast_in_dim3A_461 : f32 to vector<16xf32>
      %swap3A_463 = arith.constant 688 : index
      %swap3A_464 = tpu.vector_load %arg7[%swap3A_463] {strides = array<i32>} : memref<1024xf32, #tpu.memory_space<vmem>>, vector<16xf32>,
      tpu.vector_store %arg7[%swap3A_463], %broadcast_in_dim3A_462 {strides = array<i32>} : memref<1024xf32, #tpu.memory_space<vmem>>, vector<16xf32>,
      %broadcast_in_dim3A_465 = arith.constant 0.000000e+00 : f32
      %broadcast_in_dim3A_466 = vector.broadcast %broadcast_in_dim3A_465 : f32 to vector<16xf32>
      %swap3A_467 = arith.constant 704 : index
      %swap3A_468 = tpu.vector_load %arg7[%swap3A_467] {strides = array<i32>} : memref<1024xf32, #tpu.memory_space<vmem>>, vector<16xf32>,
      tpu.vector_store %arg7[%swap3A_467], %broadcast_in_dim3A_466 {strides = array<i32>} : memref<1024xf32, #tpu.memory_space<vmem>>, vector<16xf32>,
      %broadcast_in_dim3A_469 = arith.constant 0.000000e+00 : f32
      %broadcast_in_dim3A_470 = vector.broadcast %broadcast_in_dim3A_469 : f32 to vector<16xf32>
      %swap3A_471 = arith.constant 720 : index
      %swap3A_472 = tpu.vector_load %arg7[%swap3A_471] {strides = array<i32>} : memref<1024xf32, #tpu.memory_space<vmem>>, vector<16xf32>,
      tpu.vector_store %arg7[%swap3A_471], %broadcast_in_dim3A_470 {strides = array<i32>} : memref<1024xf32, #tpu.memory_space<vmem>>, vector<16xf32>,
      %broadcast_in_dim3A_473 = arith.constant 0.000000e+00 : f32
      %broadcast_in_dim3A_474 = vector.broadcast %broadcast_in_dim3A_473 : f32 to vector<16xf32>
      %swap3A_475 = arith.constant 736 : index
      %swap3A_476 = tpu.vector_load %arg7[%swap3A_475] {strides = array<i32>} : memref<1024xf32, #tpu.memory_space<vmem>>, vector<16xf32>,
      tpu.vector_store %arg7[%swap3A_475], %broadcast_in_dim3A_474 {strides = array<i32>} : memref<1024xf32, #tpu.memory_space<vmem>>, vector<16xf32>,
      %broadcast_in_dim3A_477 = arith.constant 0.000000e+00 : f32
      %broadcast_in_dim3A_478 = vector.broadcast %broadcast_in_dim3A_477 : f32 to vector<16xf32>
      %swap3A_479 = arith.constant 752 : index
      %swap3A_480 = tpu.vector_load %arg7[%swap3A_479] {strides = array<i32>} : memref<1024xf32, #tpu.memory_space<vmem>>, vector<16xf32>,
      tpu.vector_store %arg7[%swap3A_479], %broadcast_in_dim3A_478 {strides = array<i32>} : memref<1024xf32, #tpu.memory_space<vmem>>, vector<16xf32>,
      %broadcast_in_dim3A_481 = arith.constant 0.000000e+00 : f32
      %broadcast_in_dim3A_482 = vector.broadcast %broadcast_in_dim3A_481 : f32 to vector<16xf32>
      %swap3A_483 = arith.constant 768 : index
      %swap3A_484 = tpu.vector_load %arg7[%swap3A_483] {strides = array<i32>} : memref<1024xf32, #tpu.memory_space<vmem>>, vector<16xf32>,
      tpu.vector_store %arg7[%swap3A_483], %broadcast_in_dim3A_482 {strides = array<i32>} : memref<1024xf32, #tpu.memory_space<vmem>>, vector<16xf32>,
      %broadcast_in_dim3A_485 = arith.constant 0.000000e+00 : f32
      %broadcast_in_dim3A_486 = vector.broadcast %broadcast_in_dim3A_485 : f32 to vector<16xf32>
      %swap3A_487 = arith.constant 784 : index
      %swap3A_488 = tpu.vector_load %arg7[%swap3A_487] {strides = array<i32>} : memref<1024xf32, #tpu.memory_space<vmem>>, vector<16xf32>,
      tpu.vector_store %arg7[%swap3A_487], %broadcast_in_dim3A_486 {strides = array<i32>} : memref<1024xf32, #tpu.memory_space<vmem>>, vector<16xf32>,
      %broadcast_in_dim3A_489 = arith.constant 0.000000e+00 : f32
      %broadcast_in_dim3A_490 = vector.broadcast %broadcast_in_dim3A_489 : f32 to vector<16xf32>
      %swap3A_491 = arith.constant 800 : index
      %swap3A_492 = tpu.vector_load %arg7[%swap3A_491] {strides = array<i32>} : memref<1024xf32, #tpu.memory_space<vmem>>, vector<16xf32>,
      tpu.vector_store %arg7[%swap3A_491], %broadcast_in_dim3A_490 {strides = array<i32>} : memref<1024xf32, #tpu.memory_space<vmem>>, vector<16xf32>,
      %broadcast_in_dim3A_493 = arith.constant 0.000000e+00 : f32
      %broadcast_in_dim3A_494 = vector.broadcast %broadcast_in_dim3A_493 : f32 to vector<16xf32>
      %swap3A_495 = arith.constant 816 : index
      %swap3A_496 = tpu.vector_load %arg7[%swap3A_495] {strides = array<i32>} : memref<1024xf32, #tpu.memory_space<vmem>>, vector<16xf32>,
      tpu.vector_store %arg7[%swap3A_495], %broadcast_in_dim3A_494 {strides = array<i32>} : memref<1024xf32, #tpu.memory_space<vmem>>, vector<16xf32>,
      %broadcast_in_dim3A_497 = arith.constant 0.000000e+00 : f32
      %broadcast_in_dim3A_498 = vector.broadcast %broadcast_in_dim3A_497 : f32 to vector<16xf32>
      %swap3A_499 = arith.constant 832 : index
      %swap3A_500 = tpu.vector_load %arg7[%swap3A_499] {strides = array<i32>} : memref<1024xf32, #tpu.memory_space<vmem>>, vector<16xf32>,
      tpu.vector_store %arg7[%swap3A_499], %broadcast_in_dim3A_498 {strides = array<i32>} : memref<1024xf32, #tpu.memory_space<vmem>>, vector<16xf32>,
      %broadcast_in_dim3A_501 = arith.constant 0.000000e+00 : f32
      %broadcast_in_dim3A_502 = vector.broadcast %broadcast_in_dim3A_501 : f32 to vector<16xf32>
      %swap3A_503 = arith.constant 848 : index
      %swap3A_504 = tpu.vector_load %arg7[%swap3A_503] {strides = array<i32>} : memref<1024xf32, #tpu.memory_space<vmem>>, vector<16xf32>,
      tpu.vector_store %arg7[%swap3A_503], %broadcast_in_dim3A_502 {strides = array<i32>} : memref<1024xf32, #tpu.memory_space<vmem>>, vector<16xf32>,
      %broadcast_in_dim3A_505 = arith.constant 0.000000e+00 : f32
      %broadcast_in_dim3A_506 = vector.broadcast %broadcast_in_dim3A_505 : f32 to vector<16xf32>
      %swap3A_507 = arith.constant 864 : index
      %swap3A_508 = tpu.vector_load %arg7[%swap3A_507] {strides = array<i32>} : memref<1024xf32, #tpu.memory_space<vmem>>, vector<16xf32>,
      tpu.vector_store %arg7[%swap3A_507], %broadcast_in_dim3A_506 {strides = array<i32>} : memref<1024xf32, #tpu.memory_space<vmem>>, vector<16xf32>,
      %broadcast_in_dim3A_509 = arith.constant 0.000000e+00 : f32
      %broadcast_in_dim3A_510 = vector.broadcast %broadcast_in_dim3A_509 : f32 to vector<16xf32>
      %swap3A_511 = arith.constant 880 : index
      %swap3A_512 = tpu.vector_load %arg7[%swap3A_511] {strides = array<i32>} : memref<1024xf32, #tpu.memory_space<vmem>>, vector<16xf32>,
      tpu.vector_store %arg7[%swap3A_511], %broadcast_in_dim3A_510 {strides = array<i32>} : memref<1024xf32, #tpu.memory_space<vmem>>, vector<16xf32>,
      %broadcast_in_dim3A_513 = arith.constant 0.000000e+00 : f32
      %broadcast_in_dim3A_514 = vector.broadcast %broadcast_in_dim3A_513 : f32 to vector<16xf32>
      %swap3A_515 = arith.constant 896 : index
      %swap3A_516 = tpu.vector_load %arg7[%swap3A_515] {strides = array<i32>} : memref<1024xf32, #tpu.memory_space<vmem>>, vector<16xf32>,
      tpu.vector_store %arg7[%swap3A_515], %broadcast_in_dim3A_514 {strides = array<i32>} : memref<1024xf32, #tpu.memory_space<vmem>>, vector<16xf32>,
      %broadcast_in_dim3A_517 = arith.constant 0.000000e+00 : f32
      %broadcast_in_dim3A_518 = vector.broadcast %broadcast_in_dim3A_517 : f32 to vector<16xf32>
      %swap3A_519 = arith.constant 912 : index
      %swap3A_520 = tpu.vector_load %arg7[%swap3A_519] {strides = array<i32>} : memref<1024xf32, #tpu.memory_space<vmem>>, vector<16xf32>,
      tpu.vector_store %arg7[%swap3A_519], %broadcast_in_dim3A_518 {strides = array<i32>} : memref<1024xf32, #tpu.memory_space<vmem>>, vector<16xf32>,
      %broadcast_in_dim3A_521 = arith.constant 0.000000e+00 : f32
      %broadcast_in_dim3A_522 = vector.broadcast %broadcast_in_dim3A_521 : f32 to vector<16xf32>
      %swap3A_523 = arith.constant 928 : index
      %swap3A_524 = tpu.vector_load %arg7[%swap3A_523] {strides = array<i32>} : memref<1024xf32, #tpu.memory_space<vmem>>, vector<16xf32>,
      tpu.vector_store %arg7[%swap3A_523], %broadcast_in_dim3A_522 {strides = array<i32>} : memref<1024xf32, #tpu.memory_space<vmem>>, vector<16xf32>,
      %broadcast_in_dim3A_525 = arith.constant 0.000000e+00 : f32
      %broadcast_in_dim3A_526 = vector.broadcast %broadcast_in_dim3A_525 : f32 to vector<16xf32>
      %swap3A_527 = arith.constant 944 : index
      %swap3A_528 = tpu.vector_load %arg7[%swap3A_527] {strides = array<i32>} : memref<1024xf32, #tpu.memory_space<vmem>>, vector<16xf32>,
      tpu.vector_store %arg7[%swap3A_527], %broadcast_in_dim3A_526 {strides = array<i32>} : memref<1024xf32, #tpu.memory_space<vmem>>, vector<16xf32>,
      %broadcast_in_dim3A_529 = arith.constant 0.000000e+00 : f32
      %broadcast_in_dim3A_530 = vector.broadcast %broadcast_in_dim3A_529 : f32 to vector<16xf32>
      %swap3A_531 = arith.constant 960 : index
      %swap3A_532 = tpu.vector_load %arg7[%swap3A_531] {strides = array<i32>} : memref<1024xf32, #tpu.memory_space<vmem>>, vector<16xf32>,
      tpu.vector_store %arg7[%swap3A_531], %broadcast_in_dim3A_530 {strides = array<i32>} : memref<1024xf32, #tpu.memory_space<vmem>>, vector<16xf32>,
      %broadcast_in_dim3A_533 = arith.constant 0.000000e+00 : f32
      %broadcast_in_dim3A_534 = vector.broadcast %broadcast_in_dim3A_533 : f32 to vector<16xf32>
      %swap3A_535 = arith.constant 976 : index
      %swap3A_536 = tpu.vector_load %arg7[%swap3A_535] {strides = array<i32>} : memref<1024xf32, #tpu.memory_space<vmem>>, vector<16xf32>,
      tpu.vector_store %arg7[%swap3A_535], %broadcast_in_dim3A_534 {strides = array<i32>} : memref<1024xf32, #tpu.memory_space<vmem>>, vector<16xf32>,
      %broadcast_in_dim3A_537 = arith.constant 0.000000e+00 : f32
      %broadcast_in_dim3A_538 = vector.broadcast %broadcast_in_dim3A_537 : f32 to vector<16xf32>
      %swap3A_539 = arith.constant 992 : index
      %swap3A_540 = tpu.vector_load %arg7[%swap3A_539] {strides = array<i32>} : memref<1024xf32, #tpu.memory_space<vmem>>, vector<16xf32>,
      tpu.vector_store %arg7[%swap3A_539], %broadcast_in_dim3A_538 {strides = array<i32>} : memref<1024xf32, #tpu.memory_space<vmem>>, vector<16xf32>,
      %broadcast_in_dim3A_541 = arith.constant 0.000000e+00 : f32
      %broadcast_in_dim3A_542 = vector.broadcast %broadcast_in_dim3A_541 : f32 to vector<16xf32>
      %swap3A_543 = arith.constant 1008 : index
      %swap3A_544 = tpu.vector_load %arg7[%swap3A_543] {strides = array<i32>} : memref<1024xf32, #tpu.memory_space<vmem>>, vector<16xf32>,
      tpu.vector_store %arg7[%swap3A_543], %broadcast_in_dim3A_542 {strides = array<i32>} : memref<1024xf32, #tpu.memory_space<vmem>>, vector<16xf32>,
      %scan3A_545 = arith.constant 0.000000e+00 : f32
      %scan3A_546 = arith.constant 0 : i32
      %scan3A_547 = arith.constant 157 : i32
      %scan3A_548 = arith.addi %scan3A_546, %scan3A_547 : i32
      %scan3A_549 = arith.constant 1 : i32
      scf.for %scan3A_901 = %scan3A_546 to %scan3A_548 step %scan3A_549  : i32 {
        %mul3A_902 = arith.constant 8 : i32
        %mul3A_903 = arith.muli %scan3A_901, %mul3A_902 : i32
        %add3A_904 = arith.constant 0 : i32
        %add3A_905 = arith.addi %mul3A_903, %add3A_904 : i32
        %mul3A_906 = arith.constant 16 : i32
        %mul3A_907 = arith.muli %add3A_905, %mul3A_906 : i32
        %get3A = arith.index_cast %mul3A_907 : i32 to index
        %get3A_908 = tpu.vector_load %arg5[%get3A] {strides = array<i32>} : memref<20096xi32, #tpu.memory_space<vmem>>, vector<16xi32>,
        %ge3A = vector.broadcast %add3A_285 : i32 to vector<16xi32>
        %ge3A_909 = arith.cmpi sge, %get3A_908, %ge3A : vector<16xi32>
        %lt3A_910 = vector.broadcast %add3A_288 : i32 to vector<16xi32>
        %lt3A_911 = arith.cmpi slt, %get3A_908, %lt3A_910 : vector<16xi32>
        %and3A = arith.andi %ge3A_909, %lt3A_911 : vector<16xi1>
        %shift_right_logical3A = arith.constant 10 : i32
        %shift_right_logical3A_912 = vector.broadcast %shift_right_logical3A : i32 to vector<16xi32>
        %shift_right_logical3A_913 = arith.shrui %get3A_908, %shift_right_logical3A_912 : vector<16xi32>
        %and3A_914 = arith.constant 1023 : i32
        %and3A_915 = vector.broadcast %and3A_914 : i32 to vector<16xi32>
        %and3A_916 = arith.andi %shift_right_logical3A_913, %and3A_915 : vector<16xi32>
        tpu.vector_store_idx %arg7[%and3A_916], %broadcast_in_dim3A_3 masked %and3A {add = true} : memref<1024xf32, #tpu.memory_space<vmem>>[vector<16xi32>], vector<16xf32>, vector<16xi1>
        %mul3A_917 = arith.constant 8 : i32
        %mul3A_918 = arith.muli %scan3A_901, %mul3A_917 : i32
        %add3A_919 = arith.constant 1 : i32
        %add3A_920 = arith.addi %mul3A_918, %add3A_919 : i32
        %mul3A_921 = arith.constant 16 : i32
        %mul3A_922 = arith.muli %add3A_920, %mul3A_921 : i32
        %get3A_923 = arith.index_cast %mul3A_922 : i32 to index
        %get3A_924 = tpu.vector_load %arg5[%get3A_923] {strides = array<i32>} : memref<20096xi32, #tpu.memory_space<vmem>>, vector<16xi32>,
        %ge3A_925 = vector.broadcast %add3A_285 : i32 to vector<16xi32>
        %ge3A_926 = arith.cmpi sge, %get3A_924, %ge3A_925 : vector<16xi32>
        %lt3A_927 = vector.broadcast %add3A_288 : i32 to vector<16xi32>
        %lt3A_928 = arith.cmpi slt, %get3A_924, %lt3A_927 : vector<16xi32>
        %and3A_929 = arith.andi %ge3A_926, %lt3A_928 : vector<16xi1>
        %shift_right_logical3A_930 = arith.constant 10 : i32
        %shift_right_logical3A_931 = vector.broadcast %shift_right_logical3A_930 : i32 to vector<16xi32>
        %shift_right_logical3A_932 = arith.shrui %get3A_924, %shift_right_logical3A_931 : vector<16xi32>
        %and3A_933 = arith.constant 1023 : i32
        %and3A_934 = vector.broadcast %and3A_933 : i32 to vector<16xi32>
        %and3A_935 = arith.andi %shift_right_logical3A_932, %and3A_934 : vector<16xi32>
        tpu.vector_store_idx %arg7[%and3A_935], %broadcast_in_dim3A_3 masked %and3A_929 {add = true} : memref<1024xf32, #tpu.memory_space<vmem>>[vector<16xi32>], vector<16xf32>, vector<16xi1>
        %mul3A_936 = arith.constant 8 : i32
        %mul3A_937 = arith.muli %scan3A_901, %mul3A_936 : i32
        %add3A_938 = arith.constant 2 : i32
        %add3A_939 = arith.addi %mul3A_937, %add3A_938 : i32
        %mul3A_940 = arith.constant 16 : i32
        %mul3A_941 = arith.muli %add3A_939, %mul3A_940 : i32
        %get3A_942 = arith.index_cast %mul3A_941 : i32 to index
        %get3A_943 = tpu.vector_load %arg5[%get3A_942] {strides = array<i32>} : memref<20096xi32, #tpu.memory_space<vmem>>, vector<16xi32>,
        %ge3A_944 = vector.broadcast %add3A_285 : i32 to vector<16xi32>
        %ge3A_945 = arith.cmpi sge, %get3A_943, %ge3A_944 : vector<16xi32>
        %lt3A_946 = vector.broadcast %add3A_288 : i32 to vector<16xi32>
        %lt3A_947 = arith.cmpi slt, %get3A_943, %lt3A_946 : vector<16xi32>
        %and3A_948 = arith.andi %ge3A_945, %lt3A_947 : vector<16xi1>
        %shift_right_logical3A_949 = arith.constant 10 : i32
        %shift_right_logical3A_950 = vector.broadcast %shift_right_logical3A_949 : i32 to vector<16xi32>
        %shift_right_logical3A_951 = arith.shrui %get3A_943, %shift_right_logical3A_950 : vector<16xi32>
        %and3A_952 = arith.constant 1023 : i32
        %and3A_953 = vector.broadcast %and3A_952 : i32 to vector<16xi32>
        %and3A_954 = arith.andi %shift_right_logical3A_951, %and3A_953 : vector<16xi32>
        tpu.vector_store_idx %arg7[%and3A_954], %broadcast_in_dim3A_3 masked %and3A_948 {add = true} : memref<1024xf32, #tpu.memory_space<vmem>>[vector<16xi32>], vector<16xf32>, vector<16xi1>
        %mul3A_955 = arith.constant 8 : i32
        %mul3A_956 = arith.muli %scan3A_901, %mul3A_955 : i32
        %add3A_957 = arith.constant 3 : i32
        %add3A_958 = arith.addi %mul3A_956, %add3A_957 : i32
        %mul3A_959 = arith.constant 16 : i32
        %mul3A_960 = arith.muli %add3A_958, %mul3A_959 : i32
        %get3A_961 = arith.index_cast %mul3A_960 : i32 to index
        %get3A_962 = tpu.vector_load %arg5[%get3A_961] {strides = array<i32>} : memref<20096xi32, #tpu.memory_space<vmem>>, vector<16xi32>,
        %ge3A_963 = vector.broadcast %add3A_285 : i32 to vector<16xi32>
        %ge3A_964 = arith.cmpi sge, %get3A_962, %ge3A_963 : vector<16xi32>
        %lt3A_965 = vector.broadcast %add3A_288 : i32 to vector<16xi32>
        %lt3A_966 = arith.cmpi slt, %get3A_962, %lt3A_965 : vector<16xi32>
        %and3A_967 = arith.andi %ge3A_964, %lt3A_966 : vector<16xi1>
        %shift_right_logical3A_968 = arith.constant 10 : i32
        %shift_right_logical3A_969 = vector.broadcast %shift_right_logical3A_968 : i32 to vector<16xi32>
        %shift_right_logical3A_970 = arith.shrui %get3A_962, %shift_right_logical3A_969 : vector<16xi32>
        %and3A_971 = arith.constant 1023 : i32
        %and3A_972 = vector.broadcast %and3A_971 : i32 to vector<16xi32>
        %and3A_973 = arith.andi %shift_right_logical3A_970, %and3A_972 : vector<16xi32>
        tpu.vector_store_idx %arg7[%and3A_973], %broadcast_in_dim3A_3 masked %and3A_967 {add = true} : memref<1024xf32, #tpu.memory_space<vmem>>[vector<16xi32>], vector<16xf32>, vector<16xi1>
        %mul3A_974 = arith.constant 8 : i32
        %mul3A_975 = arith.muli %scan3A_901, %mul3A_974 : i32
        %add3A_976 = arith.constant 4 : i32
        %add3A_977 = arith.addi %mul3A_975, %add3A_976 : i32
        %mul3A_978 = arith.constant 16 : i32
        %mul3A_979 = arith.muli %add3A_977, %mul3A_978 : i32
        %get3A_980 = arith.index_cast %mul3A_979 : i32 to index
        %get3A_981 = tpu.vector_load %arg5[%get3A_980] {strides = array<i32>} : memref<20096xi32, #tpu.memory_space<vmem>>, vector<16xi32>,
        %ge3A_982 = vector.broadcast %add3A_285 : i32 to vector<16xi32>
        %ge3A_983 = arith.cmpi sge, %get3A_981, %ge3A_982 : vector<16xi32>
        %lt3A_984 = vector.broadcast %add3A_288 : i32 to vector<16xi32>
        %lt3A_985 = arith.cmpi slt, %get3A_981, %lt3A_984 : vector<16xi32>
        %and3A_986 = arith.andi %ge3A_983, %lt3A_985 : vector<16xi1>
        %shift_right_logical3A_987 = arith.constant 10 : i32
        %shift_right_logical3A_988 = vector.broadcast %shift_right_logical3A_987 : i32 to vector<16xi32>
        %shift_right_logical3A_989 = arith.shrui %get3A_981, %shift_right_logical3A_988 : vector<16xi32>
        %and3A_990 = arith.constant 1023 : i32
        %and3A_991 = vector.broadcast %and3A_990 : i32 to vector<16xi32>
        %and3A_992 = arith.andi %shift_right_logical3A_989, %and3A_991 : vector<16xi32>
        tpu.vector_store_idx %arg7[%and3A_992], %broadcast_in_dim3A_3 masked %and3A_986 {add = true} : memref<1024xf32, #tpu.memory_space<vmem>>[vector<16xi32>], vector<16xf32>, vector<16xi1>
        %mul3A_993 = arith.constant 8 : i32
        %mul3A_994 = arith.muli %scan3A_901, %mul3A_993 : i32
        %add3A_995 = arith.constant 5 : i32
        %add3A_996 = arith.addi %mul3A_994, %add3A_995 : i32
        %mul3A_997 = arith.constant 16 : i32
        %mul3A_998 = arith.muli %add3A_996, %mul3A_997 : i32
        %get3A_999 = arith.index_cast %mul3A_998 : i32 to index
        %get3A_1000 = tpu.vector_load %arg5[%get3A_999] {strides = array<i32>} : memref<20096xi32, #tpu.memory_space<vmem>>, vector<16xi32>,
        %ge3A_1001 = vector.broadcast %add3A_285 : i32 to vector<16xi32>
        %ge3A_1002 = arith.cmpi sge, %get3A_1000, %ge3A_1001 : vector<16xi32>
        %lt3A_1003 = vector.broadcast %add3A_288 : i32 to vector<16xi32>
        %lt3A_1004 = arith.cmpi slt, %get3A_1000, %lt3A_1003 : vector<16xi32>
        %and3A_1005 = arith.andi %ge3A_1002, %lt3A_1004 : vector<16xi1>
        %shift_right_logical3A_1006 = arith.constant 10 : i32
        %shift_right_logical3A_1007 = vector.broadcast %shift_right_logical3A_1006 : i32 to vector<16xi32>
        %shift_right_logical3A_1008 = arith.shrui %get3A_1000, %shift_right_logical3A_1007 : vector<16xi32>
        %and3A_1009 = arith.constant 1023 : i32
        %and3A_1010 = vector.broadcast %and3A_1009 : i32 to vector<16xi32>
        %and3A_1011 = arith.andi %shift_right_logical3A_1008, %and3A_1010 : vector<16xi32>
        tpu.vector_store_idx %arg7[%and3A_1011], %broadcast_in_dim3A_3 masked %and3A_1005 {add = true} : memref<1024xf32, #tpu.memory_space<vmem>>[vector<16xi32>], vector<16xf32>, vector<16xi1>
        %mul3A_1012 = arith.constant 8 : i32
        %mul3A_1013 = arith.muli %scan3A_901, %mul3A_1012 : i32
        %add3A_1014 = arith.constant 6 : i32
        %add3A_1015 = arith.addi %mul3A_1013, %add3A_1014 : i32
        %mul3A_1016 = arith.constant 16 : i32
        %mul3A_1017 = arith.muli %add3A_1015, %mul3A_1016 : i32
        %get3A_1018 = arith.index_cast %mul3A_1017 : i32 to index
        %get3A_1019 = tpu.vector_load %arg5[%get3A_1018] {strides = array<i32>} : memref<20096xi32, #tpu.memory_space<vmem>>, vector<16xi32>,
        %ge3A_1020 = vector.broadcast %add3A_285 : i32 to vector<16xi32>
        %ge3A_1021 = arith.cmpi sge, %get3A_1019, %ge3A_1020 : vector<16xi32>
        %lt3A_1022 = vector.broadcast %add3A_288 : i32 to vector<16xi32>
        %lt3A_1023 = arith.cmpi slt, %get3A_1019, %lt3A_1022 : vector<16xi32>
        %and3A_1024 = arith.andi %ge3A_1021, %lt3A_1023 : vector<16xi1>
        %shift_right_logical3A_1025 = arith.constant 10 : i32
        %shift_right_logical3A_1026 = vector.broadcast %shift_right_logical3A_1025 : i32 to vector<16xi32>
        %shift_right_logical3A_1027 = arith.shrui %get3A_1019, %shift_right_logical3A_1026 : vector<16xi32>
        %and3A_1028 = arith.constant 1023 : i32
        %and3A_1029 = vector.broadcast %and3A_1028 : i32 to vector<16xi32>
        %and3A_1030 = arith.andi %shift_right_logical3A_1027, %and3A_1029 : vector<16xi32>
        tpu.vector_store_idx %arg7[%and3A_1030], %broadcast_in_dim3A_3 masked %and3A_1024 {add = true} : memref<1024xf32, #tpu.memory_space<vmem>>[vector<16xi32>], vector<16xf32>, vector<16xi1>
        %mul3A_1031 = arith.constant 8 : i32
        %mul3A_1032 = arith.muli %scan3A_901, %mul3A_1031 : i32
        %add3A_1033 = arith.constant 7 : i32
        %add3A_1034 = arith.addi %mul3A_1032, %add3A_1033 : i32
        %mul3A_1035 = arith.constant 16 : i32
        %mul3A_1036 = arith.muli %add3A_1034, %mul3A_1035 : i32
        %get3A_1037 = arith.index_cast %mul3A_1036 : i32 to index
        %get3A_1038 = tpu.vector_load %arg5[%get3A_1037] {strides = array<i32>} : memref<20096xi32, #tpu.memory_space<vmem>>, vector<16xi32>,
        %ge3A_1039 = vector.broadcast %add3A_285 : i32 to vector<16xi32>
        %ge3A_1040 = arith.cmpi sge, %get3A_1038, %ge3A_1039 : vector<16xi32>
        %lt3A_1041 = vector.broadcast %add3A_288 : i32 to vector<16xi32>
        %lt3A_1042 = arith.cmpi slt, %get3A_1038, %lt3A_1041 : vector<16xi32>
        %and3A_1043 = arith.andi %ge3A_1040, %lt3A_1042 : vector<16xi1>
        %shift_right_logical3A_1044 = arith.constant 10 : i32
        %shift_right_logical3A_1045 = vector.broadcast %shift_right_logical3A_1044 : i32 to vector<16xi32>
        %shift_right_logical3A_1046 = arith.shrui %get3A_1038, %shift_right_logical3A_1045 : vector<16xi32>
        %and3A_1047 = arith.constant 1023 : i32
        %and3A_1048 = vector.broadcast %and3A_1047 : i32 to vector<16xi32>
        %and3A_1049 = arith.andi %shift_right_logical3A_1046, %and3A_1048 : vector<16xi32>
        tpu.vector_store_idx %arg7[%and3A_1049], %broadcast_in_dim3A_3 masked %and3A_1043 {add = true} : memref<1024xf32, #tpu.memory_space<vmem>>[vector<16xi32>], vector<16xf32>, vector<16xi1>
      }
      %scan3A_550 = arith.constant 157 : i32
      %scan3A_551 = arith.constant 0.000000e+00 : f32
      %scan3A_552 = arith.constant 0.000000e+00 : f32
      %scan3A_553 = arith.constant 0.000000e+00 : f32
      %scan3A_554 = arith.constant 0 : i32
      %scan3A_555 = arith.constant 64 : i32
      %scan3A_556 = arith.addi %scan3A_554, %scan3A_555 : i32
      %scan3A_557 = arith.constant 1 : i32
      %scan3A_558:3 = scf.for %scan3A_901 = %scan3A_554 to %scan3A_556 step %scan3A_557 iter_args(%scan3A_902 = %scan3A_551, %scan3A_903 = %scan3A_552, %scan3A_904 = %scan3A_553) -> (f32, f32, f32)  : i32 {
        %sub3A_905 = arith.constant 63 : i32
        %sub3A_906 = arith.subi %sub3A_905, %scan3A_901 : i32
        %mul3A_907 = arith.constant 16 : i32
        %mul3A_908 = arith.muli %sub3A_906, %mul3A_907 : i32
        %get3A = arith.index_cast %mul3A_908 : i32 to index
        %get3A_909 = tpu.vector_load %arg7[%get3A] {strides = array<i32>} : memref<1024xf32, #tpu.memory_space<vmem>>, vector<16xf32>,
        %rev3A = arith.constant 15 : i32
        %rev3A_910 = vector.broadcast %rev3A : i32 to vector<16xi32>
        %rev3A_911 = tpu.iota {dimensions = array<i32: 0>} : vector<16xi32>
        %rev3A_912 = arith.subi %rev3A_910, %rev3A_911 : vector<16xi32>
        %rev3A_913 = tpu.dynamic_gather %get3A_909[%rev3A_912] in [0] : vector<16xf32>, vector<16xi32> -> vector<16xf32>
        %broadcast_in_dim3A_914 = arith.constant true
        %broadcast_in_dim3A_915 = vector.broadcast %broadcast_in_dim3A_914 : i1 to vector<16xi1>
        %masked_cumsum3A = tpu.scan <sum>, %rev3A_913 masked %broadcast_in_dim3A_915 : vector<16xf32>, vector<16xi1> -> vector<16xf32>
        %rev3A_916 = arith.constant 15 : i32
        %rev3A_917 = vector.broadcast %rev3A_916 : i32 to vector<16xi32>
        %rev3A_918 = tpu.iota {dimensions = array<i32: 0>} : vector<16xi32>
        %rev3A_919 = arith.subi %rev3A_917, %rev3A_918 : vector<16xi32>
        %rev3A_920 = tpu.dynamic_gather %masked_cumsum3A[%rev3A_919] in [0] : vector<16xf32>, vector<16xi32> -> vector<16xf32>
        %add3A_921 = vector.broadcast %scan3A_902 : f32 to vector<16xf32>
        %add3A_922 = arith.addf %rev3A_920, %add3A_921 : vector<16xf32>
        %sub3A_923 = arith.subf %add3A_922, %get3A_909 : vector<16xf32>
        %lt3A_924 = vector.broadcast %sub3A_286 : f32 to vector<16xf32>
        %lt3A_925 = arith.cmpf olt, %sub3A_923, %lt3A_924 : vector<16xf32>
        %ge3A = vector.broadcast %sub3A_286 : f32 to vector<16xf32>
        %ge3A_926 = arith.cmpf oge, %add3A_922, %ge3A : vector<16xf32>
        %and3A = arith.andi %lt3A_925, %ge3A_926 : vector<16xi1>
        %iota3A_927 = tpu.iota {dimensions = array<i32: 0>} : vector<16xi32>
        %mul3A_928 = arith.constant 16 : i32
        %mul3A_929 = arith.muli %sub3A_906, %mul3A_928 : i32
        %add3A_930 = vector.broadcast %mul3A_929 : i32 to vector<16xi32>
        %add3A_931 = arith.addi %iota3A_927, %add3A_930 : vector<16xi32>
        %convert_element_type3A_932 = arith.sitofp %add3A_931 : vector<16xi32> to vector<16xf32>
        %jit3A_933 = arith.constant 0.000000e+00 : f32
        %broadcast_in_dim3A_934 = vector.broadcast %jit3A_933 : f32 to vector<16xf32>
        %select_n3A_935 = arith.select %and3A, %convert_element_type3A_932, %broadcast_in_dim3A_934 : vector<16xi1>, vector<16xf32>
        %reduce_sum3A = arith.constant true
        %reduce_sum3A_936 = vector.broadcast %reduce_sum3A : i1 to vector<16xi1>
        %reduce_sum3A_937 = tpu.scan <sum>, %select_n3A_935 masked %reduce_sum3A_936 : vector<16xf32>, vector<16xi1> -> vector<16xf32>
        %reduce_sum3A_938 = vector.extract %reduce_sum3A_937[15] : f32 from vector<16xf32>
        %add3A_939 = arith.addf %scan3A_903, %reduce_sum3A_938 : f32
        %jit3A_940 = arith.constant 0.000000e+00 : f32
        %broadcast_in_dim3A_941 = vector.broadcast %jit3A_940 : f32 to vector<16xf32>
        %select_n3A_942 = arith.select %and3A, %sub3A_923, %broadcast_in_dim3A_941 : vector<16xi1>, vector<16xf32>
        %reduce_sum3A_943 = arith.constant true
        %reduce_sum3A_944 = vector.broadcast %reduce_sum3A_943 : i1 to vector<16xi1>
        %reduce_sum3A_945 = tpu.scan <sum>, %select_n3A_942 masked %reduce_sum3A_944 : vector<16xf32>, vector<16xi1> -> vector<16xf32>
        %reduce_sum3A_946 = vector.extract %reduce_sum3A_945[15] : f32 from vector<16xf32>
        %add3A_947 = arith.addf %scan3A_904, %reduce_sum3A_946 : f32
        %reduce_sum3A_948 = arith.constant true
        %reduce_sum3A_949 = vector.broadcast %reduce_sum3A_948 : i1 to vector<16xi1>
        %reduce_sum3A_950 = tpu.scan <sum>, %get3A_909 masked %reduce_sum3A_949 : vector<16xf32>, vector<16xi1> -> vector<16xf32>
        %reduce_sum3A_951 = vector.extract %reduce_sum3A_950[15] : f32 from vector<16xf32>
        %add3A_952 = arith.addf %scan3A_902, %reduce_sum3A_951 : f32
        scf.yield %add3A_952, %add3A_939, %add3A_947 : f32, f32, f32
      }
      %scan3A_559 = arith.constant 64 : i32
      %convert_element_type3A_560 = arith.fptosi %scan3A_558#1 : f32 to i32
      %shift_left3A_561 = arith.constant 10 : i32
      %shift_left3A_562 = arith.shli %convert_element_type3A_560, %shift_left3A_561 : i32
      %add3A_563 = arith.addi %add3A_285, %shift_left3A_562 : i32
      %sub3A_564 = arith.subf %sub3A_286, %scan3A_558#2 : f32
      %add3A_565 = arith.constant 1024 : i32
      %add3A_566 = arith.addi %add3A_563, %add3A_565 : i32
      %broadcast_in_dim3A_567 = arith.constant 0.000000e+00 : f32
      %broadcast_in_dim3A_568 = vector.broadcast %broadcast_in_dim3A_567 : f32 to vector<16xf32>
      %swap3A_569 = arith.constant 0 : index
      %swap3A_570 = tpu.vector_load %arg7[%swap3A_569] {strides = array<i32>} : memref<1024xf32, #tpu.memory_space<vmem>>, vector<16xf32>,
      tpu.vector_store %arg7[%swap3A_569], %broadcast_in_dim3A_568 {strides = array<i32>} : memref<1024xf32, #tpu.memory_space<vmem>>, vector<16xf32>,
      %broadcast_in_dim3A_571 = arith.constant 0.000000e+00 : f32
      %broadcast_in_dim3A_572 = vector.broadcast %broadcast_in_dim3A_571 : f32 to vector<16xf32>
      %swap3A_573 = arith.constant 16 : index
      %swap3A_574 = tpu.vector_load %arg7[%swap3A_573] {strides = array<i32>} : memref<1024xf32, #tpu.memory_space<vmem>>, vector<16xf32>,
      tpu.vector_store %arg7[%swap3A_573], %broadcast_in_dim3A_572 {strides = array<i32>} : memref<1024xf32, #tpu.memory_space<vmem>>, vector<16xf32>,
      %broadcast_in_dim3A_575 = arith.constant 0.000000e+00 : f32
      %broadcast_in_dim3A_576 = vector.broadcast %broadcast_in_dim3A_575 : f32 to vector<16xf32>
      %swap3A_577 = arith.constant 32 : index
      %swap3A_578 = tpu.vector_load %arg7[%swap3A_577] {strides = array<i32>} : memref<1024xf32, #tpu.memory_space<vmem>>, vector<16xf32>,
      tpu.vector_store %arg7[%swap3A_577], %broadcast_in_dim3A_576 {strides = array<i32>} : memref<1024xf32, #tpu.memory_space<vmem>>, vector<16xf32>,
      %broadcast_in_dim3A_579 = arith.constant 0.000000e+00 : f32
      %broadcast_in_dim3A_580 = vector.broadcast %broadcast_in_dim3A_579 : f32 to vector<16xf32>
      %swap3A_581 = arith.constant 48 : index
      %swap3A_582 = tpu.vector_load %arg7[%swap3A_581] {strides = array<i32>} : memref<1024xf32, #tpu.memory_space<vmem>>, vector<16xf32>,
      tpu.vector_store %arg7[%swap3A_581], %broadcast_in_dim3A_580 {strides = array<i32>} : memref<1024xf32, #tpu.memory_space<vmem>>, vector<16xf32>,
      %broadcast_in_dim3A_583 = arith.constant 0.000000e+00 : f32
      %broadcast_in_dim3A_584 = vector.broadcast %broadcast_in_dim3A_583 : f32 to vector<16xf32>
      %swap3A_585 = arith.constant 64 : index
      %swap3A_586 = tpu.vector_load %arg7[%swap3A_585] {strides = array<i32>} : memref<1024xf32, #tpu.memory_space<vmem>>, vector<16xf32>,
      tpu.vector_store %arg7[%swap3A_585], %broadcast_in_dim3A_584 {strides = array<i32>} : memref<1024xf32, #tpu.memory_space<vmem>>, vector<16xf32>,
      %broadcast_in_dim3A_587 = arith.constant 0.000000e+00 : f32
      %broadcast_in_dim3A_588 = vector.broadcast %broadcast_in_dim3A_587 : f32 to vector<16xf32>
      %swap3A_589 = arith.constant 80 : index
      %swap3A_590 = tpu.vector_load %arg7[%swap3A_589] {strides = array<i32>} : memref<1024xf32, #tpu.memory_space<vmem>>, vector<16xf32>,
      tpu.vector_store %arg7[%swap3A_589], %broadcast_in_dim3A_588 {strides = array<i32>} : memref<1024xf32, #tpu.memory_space<vmem>>, vector<16xf32>,
      %broadcast_in_dim3A_591 = arith.constant 0.000000e+00 : f32
      %broadcast_in_dim3A_592 = vector.broadcast %broadcast_in_dim3A_591 : f32 to vector<16xf32>
      %swap3A_593 = arith.constant 96 : index
      %swap3A_594 = tpu.vector_load %arg7[%swap3A_593] {strides = array<i32>} : memref<1024xf32, #tpu.memory_space<vmem>>, vector<16xf32>,
      tpu.vector_store %arg7[%swap3A_593], %broadcast_in_dim3A_592 {strides = array<i32>} : memref<1024xf32, #tpu.memory_space<vmem>>, vector<16xf32>,
      %broadcast_in_dim3A_595 = arith.constant 0.000000e+00 : f32
      %broadcast_in_dim3A_596 = vector.broadcast %broadcast_in_dim3A_595 : f32 to vector<16xf32>
      %swap3A_597 = arith.constant 112 : index
      %swap3A_598 = tpu.vector_load %arg7[%swap3A_597] {strides = array<i32>} : memref<1024xf32, #tpu.memory_space<vmem>>, vector<16xf32>,
      tpu.vector_store %arg7[%swap3A_597], %broadcast_in_dim3A_596 {strides = array<i32>} : memref<1024xf32, #tpu.memory_space<vmem>>, vector<16xf32>,
      %broadcast_in_dim3A_599 = arith.constant 0.000000e+00 : f32
      %broadcast_in_dim3A_600 = vector.broadcast %broadcast_in_dim3A_599 : f32 to vector<16xf32>
      %swap3A_601 = arith.constant 128 : index
      %swap3A_602 = tpu.vector_load %arg7[%swap3A_601] {strides = array<i32>} : memref<1024xf32, #tpu.memory_space<vmem>>, vector<16xf32>,
      tpu.vector_store %arg7[%swap3A_601], %broadcast_in_dim3A_600 {strides = array<i32>} : memref<1024xf32, #tpu.memory_space<vmem>>, vector<16xf32>,
      %broadcast_in_dim3A_603 = arith.constant 0.000000e+00 : f32
      %broadcast_in_dim3A_604 = vector.broadcast %broadcast_in_dim3A_603 : f32 to vector<16xf32>
      %swap3A_605 = arith.constant 144 : index
      %swap3A_606 = tpu.vector_load %arg7[%swap3A_605] {strides = array<i32>} : memref<1024xf32, #tpu.memory_space<vmem>>, vector<16xf32>,
      tpu.vector_store %arg7[%swap3A_605], %broadcast_in_dim3A_604 {strides = array<i32>} : memref<1024xf32, #tpu.memory_space<vmem>>, vector<16xf32>,
      %broadcast_in_dim3A_607 = arith.constant 0.000000e+00 : f32
      %broadcast_in_dim3A_608 = vector.broadcast %broadcast_in_dim3A_607 : f32 to vector<16xf32>
      %swap3A_609 = arith.constant 160 : index
      %swap3A_610 = tpu.vector_load %arg7[%swap3A_609] {strides = array<i32>} : memref<1024xf32, #tpu.memory_space<vmem>>, vector<16xf32>,
      tpu.vector_store %arg7[%swap3A_609], %broadcast_in_dim3A_608 {strides = array<i32>} : memref<1024xf32, #tpu.memory_space<vmem>>, vector<16xf32>,
      %broadcast_in_dim3A_611 = arith.constant 0.000000e+00 : f32
      %broadcast_in_dim3A_612 = vector.broadcast %broadcast_in_dim3A_611 : f32 to vector<16xf32>
      %swap3A_613 = arith.constant 176 : index
      %swap3A_614 = tpu.vector_load %arg7[%swap3A_613] {strides = array<i32>} : memref<1024xf32, #tpu.memory_space<vmem>>, vector<16xf32>,
      tpu.vector_store %arg7[%swap3A_613], %broadcast_in_dim3A_612 {strides = array<i32>} : memref<1024xf32, #tpu.memory_space<vmem>>, vector<16xf32>,
      %broadcast_in_dim3A_615 = arith.constant 0.000000e+00 : f32
      %broadcast_in_dim3A_616 = vector.broadcast %broadcast_in_dim3A_615 : f32 to vector<16xf32>
      %swap3A_617 = arith.constant 192 : index
      %swap3A_618 = tpu.vector_load %arg7[%swap3A_617] {strides = array<i32>} : memref<1024xf32, #tpu.memory_space<vmem>>, vector<16xf32>,
      tpu.vector_store %arg7[%swap3A_617], %broadcast_in_dim3A_616 {strides = array<i32>} : memref<1024xf32, #tpu.memory_space<vmem>>, vector<16xf32>,
      %broadcast_in_dim3A_619 = arith.constant 0.000000e+00 : f32
      %broadcast_in_dim3A_620 = vector.broadcast %broadcast_in_dim3A_619 : f32 to vector<16xf32>
      %swap3A_621 = arith.constant 208 : index
      %swap3A_622 = tpu.vector_load %arg7[%swap3A_621] {strides = array<i32>} : memref<1024xf32, #tpu.memory_space<vmem>>, vector<16xf32>,
      tpu.vector_store %arg7[%swap3A_621], %broadcast_in_dim3A_620 {strides = array<i32>} : memref<1024xf32, #tpu.memory_space<vmem>>, vector<16xf32>,
      %broadcast_in_dim3A_623 = arith.constant 0.000000e+00 : f32
      %broadcast_in_dim3A_624 = vector.broadcast %broadcast_in_dim3A_623 : f32 to vector<16xf32>
      %swap3A_625 = arith.constant 224 : index
      %swap3A_626 = tpu.vector_load %arg7[%swap3A_625] {strides = array<i32>} : memref<1024xf32, #tpu.memory_space<vmem>>, vector<16xf32>,
      tpu.vector_store %arg7[%swap3A_625], %broadcast_in_dim3A_624 {strides = array<i32>} : memref<1024xf32, #tpu.memory_space<vmem>>, vector<16xf32>,
      %broadcast_in_dim3A_627 = arith.constant 0.000000e+00 : f32
      %broadcast_in_dim3A_628 = vector.broadcast %broadcast_in_dim3A_627 : f32 to vector<16xf32>
      %swap3A_629 = arith.constant 240 : index
      %swap3A_630 = tpu.vector_load %arg7[%swap3A_629] {strides = array<i32>} : memref<1024xf32, #tpu.memory_space<vmem>>, vector<16xf32>,
      tpu.vector_store %arg7[%swap3A_629], %broadcast_in_dim3A_628 {strides = array<i32>} : memref<1024xf32, #tpu.memory_space<vmem>>, vector<16xf32>,
      %broadcast_in_dim3A_631 = arith.constant 0.000000e+00 : f32
      %broadcast_in_dim3A_632 = vector.broadcast %broadcast_in_dim3A_631 : f32 to vector<16xf32>
      %swap3A_633 = arith.constant 256 : index
      %swap3A_634 = tpu.vector_load %arg7[%swap3A_633] {strides = array<i32>} : memref<1024xf32, #tpu.memory_space<vmem>>, vector<16xf32>,
      tpu.vector_store %arg7[%swap3A_633], %broadcast_in_dim3A_632 {strides = array<i32>} : memref<1024xf32, #tpu.memory_space<vmem>>, vector<16xf32>,
      %broadcast_in_dim3A_635 = arith.constant 0.000000e+00 : f32
      %broadcast_in_dim3A_636 = vector.broadcast %broadcast_in_dim3A_635 : f32 to vector<16xf32>
      %swap3A_637 = arith.constant 272 : index
      %swap3A_638 = tpu.vector_load %arg7[%swap3A_637] {strides = array<i32>} : memref<1024xf32, #tpu.memory_space<vmem>>, vector<16xf32>,
      tpu.vector_store %arg7[%swap3A_637], %broadcast_in_dim3A_636 {strides = array<i32>} : memref<1024xf32, #tpu.memory_space<vmem>>, vector<16xf32>,
      %broadcast_in_dim3A_639 = arith.constant 0.000000e+00 : f32
      %broadcast_in_dim3A_640 = vector.broadcast %broadcast_in_dim3A_639 : f32 to vector<16xf32>
      %swap3A_641 = arith.constant 288 : index
      %swap3A_642 = tpu.vector_load %arg7[%swap3A_641] {strides = array<i32>} : memref<1024xf32, #tpu.memory_space<vmem>>, vector<16xf32>,
      tpu.vector_store %arg7[%swap3A_641], %broadcast_in_dim3A_640 {strides = array<i32>} : memref<1024xf32, #tpu.memory_space<vmem>>, vector<16xf32>,
      %broadcast_in_dim3A_643 = arith.constant 0.000000e+00 : f32
      %broadcast_in_dim3A_644 = vector.broadcast %broadcast_in_dim3A_643 : f32 to vector<16xf32>
      %swap3A_645 = arith.constant 304 : index
      %swap3A_646 = tpu.vector_load %arg7[%swap3A_645] {strides = array<i32>} : memref<1024xf32, #tpu.memory_space<vmem>>, vector<16xf32>,
      tpu.vector_store %arg7[%swap3A_645], %broadcast_in_dim3A_644 {strides = array<i32>} : memref<1024xf32, #tpu.memory_space<vmem>>, vector<16xf32>,
      %broadcast_in_dim3A_647 = arith.constant 0.000000e+00 : f32
      %broadcast_in_dim3A_648 = vector.broadcast %broadcast_in_dim3A_647 : f32 to vector<16xf32>
      %swap3A_649 = arith.constant 320 : index
      %swap3A_650 = tpu.vector_load %arg7[%swap3A_649] {strides = array<i32>} : memref<1024xf32, #tpu.memory_space<vmem>>, vector<16xf32>,
      tpu.vector_store %arg7[%swap3A_649], %broadcast_in_dim3A_648 {strides = array<i32>} : memref<1024xf32, #tpu.memory_space<vmem>>, vector<16xf32>,
      %broadcast_in_dim3A_651 = arith.constant 0.000000e+00 : f32
      %broadcast_in_dim3A_652 = vector.broadcast %broadcast_in_dim3A_651 : f32 to vector<16xf32>
      %swap3A_653 = arith.constant 336 : index
      %swap3A_654 = tpu.vector_load %arg7[%swap3A_653] {strides = array<i32>} : memref<1024xf32, #tpu.memory_space<vmem>>, vector<16xf32>,
      tpu.vector_store %arg7[%swap3A_653], %broadcast_in_dim3A_652 {strides = array<i32>} : memref<1024xf32, #tpu.memory_space<vmem>>, vector<16xf32>,
      %broadcast_in_dim3A_655 = arith.constant 0.000000e+00 : f32
      %broadcast_in_dim3A_656 = vector.broadcast %broadcast_in_dim3A_655 : f32 to vector<16xf32>
      %swap3A_657 = arith.constant 352 : index
      %swap3A_658 = tpu.vector_load %arg7[%swap3A_657] {strides = array<i32>} : memref<1024xf32, #tpu.memory_space<vmem>>, vector<16xf32>,
      tpu.vector_store %arg7[%swap3A_657], %broadcast_in_dim3A_656 {strides = array<i32>} : memref<1024xf32, #tpu.memory_space<vmem>>, vector<16xf32>,
      %broadcast_in_dim3A_659 = arith.constant 0.000000e+00 : f32
      %broadcast_in_dim3A_660 = vector.broadcast %broadcast_in_dim3A_659 : f32 to vector<16xf32>
      %swap3A_661 = arith.constant 368 : index
      %swap3A_662 = tpu.vector_load %arg7[%swap3A_661] {strides = array<i32>} : memref<1024xf32, #tpu.memory_space<vmem>>, vector<16xf32>,
      tpu.vector_store %arg7[%swap3A_661], %broadcast_in_dim3A_660 {strides = array<i32>} : memref<1024xf32, #tpu.memory_space<vmem>>, vector<16xf32>,
      %broadcast_in_dim3A_663 = arith.constant 0.000000e+00 : f32
      %broadcast_in_dim3A_664 = vector.broadcast %broadcast_in_dim3A_663 : f32 to vector<16xf32>
      %swap3A_665 = arith.constant 384 : index
      %swap3A_666 = tpu.vector_load %arg7[%swap3A_665] {strides = array<i32>} : memref<1024xf32, #tpu.memory_space<vmem>>, vector<16xf32>,
      tpu.vector_store %arg7[%swap3A_665], %broadcast_in_dim3A_664 {strides = array<i32>} : memref<1024xf32, #tpu.memory_space<vmem>>, vector<16xf32>,
      %broadcast_in_dim3A_667 = arith.constant 0.000000e+00 : f32
      %broadcast_in_dim3A_668 = vector.broadcast %broadcast_in_dim3A_667 : f32 to vector<16xf32>
      %swap3A_669 = arith.constant 400 : index
      %swap3A_670 = tpu.vector_load %arg7[%swap3A_669] {strides = array<i32>} : memref<1024xf32, #tpu.memory_space<vmem>>, vector<16xf32>,
      tpu.vector_store %arg7[%swap3A_669], %broadcast_in_dim3A_668 {strides = array<i32>} : memref<1024xf32, #tpu.memory_space<vmem>>, vector<16xf32>,
      %broadcast_in_dim3A_671 = arith.constant 0.000000e+00 : f32
      %broadcast_in_dim3A_672 = vector.broadcast %broadcast_in_dim3A_671 : f32 to vector<16xf32>
      %swap3A_673 = arith.constant 416 : index
      %swap3A_674 = tpu.vector_load %arg7[%swap3A_673] {strides = array<i32>} : memref<1024xf32, #tpu.memory_space<vmem>>, vector<16xf32>,
      tpu.vector_store %arg7[%swap3A_673], %broadcast_in_dim3A_672 {strides = array<i32>} : memref<1024xf32, #tpu.memory_space<vmem>>, vector<16xf32>,
      %broadcast_in_dim3A_675 = arith.constant 0.000000e+00 : f32
      %broadcast_in_dim3A_676 = vector.broadcast %broadcast_in_dim3A_675 : f32 to vector<16xf32>
      %swap3A_677 = arith.constant 432 : index
      %swap3A_678 = tpu.vector_load %arg7[%swap3A_677] {strides = array<i32>} : memref<1024xf32, #tpu.memory_space<vmem>>, vector<16xf32>,
      tpu.vector_store %arg7[%swap3A_677], %broadcast_in_dim3A_676 {strides = array<i32>} : memref<1024xf32, #tpu.memory_space<vmem>>, vector<16xf32>,
      %broadcast_in_dim3A_679 = arith.constant 0.000000e+00 : f32
      %broadcast_in_dim3A_680 = vector.broadcast %broadcast_in_dim3A_679 : f32 to vector<16xf32>
      %swap3A_681 = arith.constant 448 : index
      %swap3A_682 = tpu.vector_load %arg7[%swap3A_681] {strides = array<i32>} : memref<1024xf32, #tpu.memory_space<vmem>>, vector<16xf32>,
      tpu.vector_store %arg7[%swap3A_681], %broadcast_in_dim3A_680 {strides = array<i32>} : memref<1024xf32, #tpu.memory_space<vmem>>, vector<16xf32>,
      %broadcast_in_dim3A_683 = arith.constant 0.000000e+00 : f32
      %broadcast_in_dim3A_684 = vector.broadcast %broadcast_in_dim3A_683 : f32 to vector<16xf32>
      %swap3A_685 = arith.constant 464 : index
      %swap3A_686 = tpu.vector_load %arg7[%swap3A_685] {strides = array<i32>} : memref<1024xf32, #tpu.memory_space<vmem>>, vector<16xf32>,
      tpu.vector_store %arg7[%swap3A_685], %broadcast_in_dim3A_684 {strides = array<i32>} : memref<1024xf32, #tpu.memory_space<vmem>>, vector<16xf32>,
      %broadcast_in_dim3A_687 = arith.constant 0.000000e+00 : f32
      %broadcast_in_dim3A_688 = vector.broadcast %broadcast_in_dim3A_687 : f32 to vector<16xf32>
      %swap3A_689 = arith.constant 480 : index
      %swap3A_690 = tpu.vector_load %arg7[%swap3A_689] {strides = array<i32>} : memref<1024xf32, #tpu.memory_space<vmem>>, vector<16xf32>,
      tpu.vector_store %arg7[%swap3A_689], %broadcast_in_dim3A_688 {strides = array<i32>} : memref<1024xf32, #tpu.memory_space<vmem>>, vector<16xf32>,
      %broadcast_in_dim3A_691 = arith.constant 0.000000e+00 : f32
      %broadcast_in_dim3A_692 = vector.broadcast %broadcast_in_dim3A_691 : f32 to vector<16xf32>
      %swap3A_693 = arith.constant 496 : index
      %swap3A_694 = tpu.vector_load %arg7[%swap3A_693] {strides = array<i32>} : memref<1024xf32, #tpu.memory_space<vmem>>, vector<16xf32>,
      tpu.vector_store %arg7[%swap3A_693], %broadcast_in_dim3A_692 {strides = array<i32>} : memref<1024xf32, #tpu.memory_space<vmem>>, vector<16xf32>,
      %broadcast_in_dim3A_695 = arith.constant 0.000000e+00 : f32
      %broadcast_in_dim3A_696 = vector.broadcast %broadcast_in_dim3A_695 : f32 to vector<16xf32>
      %swap3A_697 = arith.constant 512 : index
      %swap3A_698 = tpu.vector_load %arg7[%swap3A_697] {strides = array<i32>} : memref<1024xf32, #tpu.memory_space<vmem>>, vector<16xf32>,
      tpu.vector_store %arg7[%swap3A_697], %broadcast_in_dim3A_696 {strides = array<i32>} : memref<1024xf32, #tpu.memory_space<vmem>>, vector<16xf32>,
      %broadcast_in_dim3A_699 = arith.constant 0.000000e+00 : f32
      %broadcast_in_dim3A_700 = vector.broadcast %broadcast_in_dim3A_699 : f32 to vector<16xf32>
      %swap3A_701 = arith.constant 528 : index
      %swap3A_702 = tpu.vector_load %arg7[%swap3A_701] {strides = array<i32>} : memref<1024xf32, #tpu.memory_space<vmem>>, vector<16xf32>,
      tpu.vector_store %arg7[%swap3A_701], %broadcast_in_dim3A_700 {strides = array<i32>} : memref<1024xf32, #tpu.memory_space<vmem>>, vector<16xf32>,
      %broadcast_in_dim3A_703 = arith.constant 0.000000e+00 : f32
      %broadcast_in_dim3A_704 = vector.broadcast %broadcast_in_dim3A_703 : f32 to vector<16xf32>
      %swap3A_705 = arith.constant 544 : index
      %swap3A_706 = tpu.vector_load %arg7[%swap3A_705] {strides = array<i32>} : memref<1024xf32, #tpu.memory_space<vmem>>, vector<16xf32>,
      tpu.vector_store %arg7[%swap3A_705], %broadcast_in_dim3A_704 {strides = array<i32>} : memref<1024xf32, #tpu.memory_space<vmem>>, vector<16xf32>,
      %broadcast_in_dim3A_707 = arith.constant 0.000000e+00 : f32
      %broadcast_in_dim3A_708 = vector.broadcast %broadcast_in_dim3A_707 : f32 to vector<16xf32>
      %swap3A_709 = arith.constant 560 : index
      %swap3A_710 = tpu.vector_load %arg7[%swap3A_709] {strides = array<i32>} : memref<1024xf32, #tpu.memory_space<vmem>>, vector<16xf32>,
      tpu.vector_store %arg7[%swap3A_709], %broadcast_in_dim3A_708 {strides = array<i32>} : memref<1024xf32, #tpu.memory_space<vmem>>, vector<16xf32>,
      %broadcast_in_dim3A_711 = arith.constant 0.000000e+00 : f32
      %broadcast_in_dim3A_712 = vector.broadcast %broadcast_in_dim3A_711 : f32 to vector<16xf32>
      %swap3A_713 = arith.constant 576 : index
      %swap3A_714 = tpu.vector_load %arg7[%swap3A_713] {strides = array<i32>} : memref<1024xf32, #tpu.memory_space<vmem>>, vector<16xf32>,
      tpu.vector_store %arg7[%swap3A_713], %broadcast_in_dim3A_712 {strides = array<i32>} : memref<1024xf32, #tpu.memory_space<vmem>>, vector<16xf32>,
      %broadcast_in_dim3A_715 = arith.constant 0.000000e+00 : f32
      %broadcast_in_dim3A_716 = vector.broadcast %broadcast_in_dim3A_715 : f32 to vector<16xf32>
      %swap3A_717 = arith.constant 592 : index
      %swap3A_718 = tpu.vector_load %arg7[%swap3A_717] {strides = array<i32>} : memref<1024xf32, #tpu.memory_space<vmem>>, vector<16xf32>,
      tpu.vector_store %arg7[%swap3A_717], %broadcast_in_dim3A_716 {strides = array<i32>} : memref<1024xf32, #tpu.memory_space<vmem>>, vector<16xf32>,
      %broadcast_in_dim3A_719 = arith.constant 0.000000e+00 : f32
      %broadcast_in_dim3A_720 = vector.broadcast %broadcast_in_dim3A_719 : f32 to vector<16xf32>
      %swap3A_721 = arith.constant 608 : index
      %swap3A_722 = tpu.vector_load %arg7[%swap3A_721] {strides = array<i32>} : memref<1024xf32, #tpu.memory_space<vmem>>, vector<16xf32>,
      tpu.vector_store %arg7[%swap3A_721], %broadcast_in_dim3A_720 {strides = array<i32>} : memref<1024xf32, #tpu.memory_space<vmem>>, vector<16xf32>,
      %broadcast_in_dim3A_723 = arith.constant 0.000000e+00 : f32
      %broadcast_in_dim3A_724 = vector.broadcast %broadcast_in_dim3A_723 : f32 to vector<16xf32>
      %swap3A_725 = arith.constant 624 : index
      %swap3A_726 = tpu.vector_load %arg7[%swap3A_725] {strides = array<i32>} : memref<1024xf32, #tpu.memory_space<vmem>>, vector<16xf32>,
      tpu.vector_store %arg7[%swap3A_725], %broadcast_in_dim3A_724 {strides = array<i32>} : memref<1024xf32, #tpu.memory_space<vmem>>, vector<16xf32>,
      %broadcast_in_dim3A_727 = arith.constant 0.000000e+00 : f32
      %broadcast_in_dim3A_728 = vector.broadcast %broadcast_in_dim3A_727 : f32 to vector<16xf32>
      %swap3A_729 = arith.constant 640 : index
      %swap3A_730 = tpu.vector_load %arg7[%swap3A_729] {strides = array<i32>} : memref<1024xf32, #tpu.memory_space<vmem>>, vector<16xf32>,
      tpu.vector_store %arg7[%swap3A_729], %broadcast_in_dim3A_728 {strides = array<i32>} : memref<1024xf32, #tpu.memory_space<vmem>>, vector<16xf32>,
      %broadcast_in_dim3A_731 = arith.constant 0.000000e+00 : f32
      %broadcast_in_dim3A_732 = vector.broadcast %broadcast_in_dim3A_731 : f32 to vector<16xf32>
      %swap3A_733 = arith.constant 656 : index
      %swap3A_734 = tpu.vector_load %arg7[%swap3A_733] {strides = array<i32>} : memref<1024xf32, #tpu.memory_space<vmem>>, vector<16xf32>,
      tpu.vector_store %arg7[%swap3A_733], %broadcast_in_dim3A_732 {strides = array<i32>} : memref<1024xf32, #tpu.memory_space<vmem>>, vector<16xf32>,
      %broadcast_in_dim3A_735 = arith.constant 0.000000e+00 : f32
      %broadcast_in_dim3A_736 = vector.broadcast %broadcast_in_dim3A_735 : f32 to vector<16xf32>
      %swap3A_737 = arith.constant 672 : index
      %swap3A_738 = tpu.vector_load %arg7[%swap3A_737] {strides = array<i32>} : memref<1024xf32, #tpu.memory_space<vmem>>, vector<16xf32>,
      tpu.vector_store %arg7[%swap3A_737], %broadcast_in_dim3A_736 {strides = array<i32>} : memref<1024xf32, #tpu.memory_space<vmem>>, vector<16xf32>,
      %broadcast_in_dim3A_739 = arith.constant 0.000000e+00 : f32
      %broadcast_in_dim3A_740 = vector.broadcast %broadcast_in_dim3A_739 : f32 to vector<16xf32>
      %swap3A_741 = arith.constant 688 : index
      %swap3A_742 = tpu.vector_load %arg7[%swap3A_741] {strides = array<i32>} : memref<1024xf32, #tpu.memory_space<vmem>>, vector<16xf32>,
      tpu.vector_store %arg7[%swap3A_741], %broadcast_in_dim3A_740 {strides = array<i32>} : memref<1024xf32, #tpu.memory_space<vmem>>, vector<16xf32>,
      %broadcast_in_dim3A_743 = arith.constant 0.000000e+00 : f32
      %broadcast_in_dim3A_744 = vector.broadcast %broadcast_in_dim3A_743 : f32 to vector<16xf32>
      %swap3A_745 = arith.constant 704 : index
      %swap3A_746 = tpu.vector_load %arg7[%swap3A_745] {strides = array<i32>} : memref<1024xf32, #tpu.memory_space<vmem>>, vector<16xf32>,
      tpu.vector_store %arg7[%swap3A_745], %broadcast_in_dim3A_744 {strides = array<i32>} : memref<1024xf32, #tpu.memory_space<vmem>>, vector<16xf32>,
      %broadcast_in_dim3A_747 = arith.constant 0.000000e+00 : f32
      %broadcast_in_dim3A_748 = vector.broadcast %broadcast_in_dim3A_747 : f32 to vector<16xf32>
      %swap3A_749 = arith.constant 720 : index
      %swap3A_750 = tpu.vector_load %arg7[%swap3A_749] {strides = array<i32>} : memref<1024xf32, #tpu.memory_space<vmem>>, vector<16xf32>,
      tpu.vector_store %arg7[%swap3A_749], %broadcast_in_dim3A_748 {strides = array<i32>} : memref<1024xf32, #tpu.memory_space<vmem>>, vector<16xf32>,
      %broadcast_in_dim3A_751 = arith.constant 0.000000e+00 : f32
      %broadcast_in_dim3A_752 = vector.broadcast %broadcast_in_dim3A_751 : f32 to vector<16xf32>
      %swap3A_753 = arith.constant 736 : index
      %swap3A_754 = tpu.vector_load %arg7[%swap3A_753] {strides = array<i32>} : memref<1024xf32, #tpu.memory_space<vmem>>, vector<16xf32>,
      tpu.vector_store %arg7[%swap3A_753], %broadcast_in_dim3A_752 {strides = array<i32>} : memref<1024xf32, #tpu.memory_space<vmem>>, vector<16xf32>,
      %broadcast_in_dim3A_755 = arith.constant 0.000000e+00 : f32
      %broadcast_in_dim3A_756 = vector.broadcast %broadcast_in_dim3A_755 : f32 to vector<16xf32>
      %swap3A_757 = arith.constant 752 : index
      %swap3A_758 = tpu.vector_load %arg7[%swap3A_757] {strides = array<i32>} : memref<1024xf32, #tpu.memory_space<vmem>>, vector<16xf32>,
      tpu.vector_store %arg7[%swap3A_757], %broadcast_in_dim3A_756 {strides = array<i32>} : memref<1024xf32, #tpu.memory_space<vmem>>, vector<16xf32>,
      %broadcast_in_dim3A_759 = arith.constant 0.000000e+00 : f32
      %broadcast_in_dim3A_760 = vector.broadcast %broadcast_in_dim3A_759 : f32 to vector<16xf32>
      %swap3A_761 = arith.constant 768 : index
      %swap3A_762 = tpu.vector_load %arg7[%swap3A_761] {strides = array<i32>} : memref<1024xf32, #tpu.memory_space<vmem>>, vector<16xf32>,
      tpu.vector_store %arg7[%swap3A_761], %broadcast_in_dim3A_760 {strides = array<i32>} : memref<1024xf32, #tpu.memory_space<vmem>>, vector<16xf32>,
      %broadcast_in_dim3A_763 = arith.constant 0.000000e+00 : f32
      %broadcast_in_dim3A_764 = vector.broadcast %broadcast_in_dim3A_763 : f32 to vector<16xf32>
      %swap3A_765 = arith.constant 784 : index
      %swap3A_766 = tpu.vector_load %arg7[%swap3A_765] {strides = array<i32>} : memref<1024xf32, #tpu.memory_space<vmem>>, vector<16xf32>,
      tpu.vector_store %arg7[%swap3A_765], %broadcast_in_dim3A_764 {strides = array<i32>} : memref<1024xf32, #tpu.memory_space<vmem>>, vector<16xf32>,
      %broadcast_in_dim3A_767 = arith.constant 0.000000e+00 : f32
      %broadcast_in_dim3A_768 = vector.broadcast %broadcast_in_dim3A_767 : f32 to vector<16xf32>
      %swap3A_769 = arith.constant 800 : index
      %swap3A_770 = tpu.vector_load %arg7[%swap3A_769] {strides = array<i32>} : memref<1024xf32, #tpu.memory_space<vmem>>, vector<16xf32>,
      tpu.vector_store %arg7[%swap3A_769], %broadcast_in_dim3A_768 {strides = array<i32>} : memref<1024xf32, #tpu.memory_space<vmem>>, vector<16xf32>,
      %broadcast_in_dim3A_771 = arith.constant 0.000000e+00 : f32
      %broadcast_in_dim3A_772 = vector.broadcast %broadcast_in_dim3A_771 : f32 to vector<16xf32>
      %swap3A_773 = arith.constant 816 : index
      %swap3A_774 = tpu.vector_load %arg7[%swap3A_773] {strides = array<i32>} : memref<1024xf32, #tpu.memory_space<vmem>>, vector<16xf32>,
      tpu.vector_store %arg7[%swap3A_773], %broadcast_in_dim3A_772 {strides = array<i32>} : memref<1024xf32, #tpu.memory_space<vmem>>, vector<16xf32>,
      %broadcast_in_dim3A_775 = arith.constant 0.000000e+00 : f32
      %broadcast_in_dim3A_776 = vector.broadcast %broadcast_in_dim3A_775 : f32 to vector<16xf32>
      %swap3A_777 = arith.constant 832 : index
      %swap3A_778 = tpu.vector_load %arg7[%swap3A_777] {strides = array<i32>} : memref<1024xf32, #tpu.memory_space<vmem>>, vector<16xf32>,
      tpu.vector_store %arg7[%swap3A_777], %broadcast_in_dim3A_776 {strides = array<i32>} : memref<1024xf32, #tpu.memory_space<vmem>>, vector<16xf32>,
      %broadcast_in_dim3A_779 = arith.constant 0.000000e+00 : f32
      %broadcast_in_dim3A_780 = vector.broadcast %broadcast_in_dim3A_779 : f32 to vector<16xf32>
      %swap3A_781 = arith.constant 848 : index
      %swap3A_782 = tpu.vector_load %arg7[%swap3A_781] {strides = array<i32>} : memref<1024xf32, #tpu.memory_space<vmem>>, vector<16xf32>,
      tpu.vector_store %arg7[%swap3A_781], %broadcast_in_dim3A_780 {strides = array<i32>} : memref<1024xf32, #tpu.memory_space<vmem>>, vector<16xf32>,
      %broadcast_in_dim3A_783 = arith.constant 0.000000e+00 : f32
      %broadcast_in_dim3A_784 = vector.broadcast %broadcast_in_dim3A_783 : f32 to vector<16xf32>
      %swap3A_785 = arith.constant 864 : index
      %swap3A_786 = tpu.vector_load %arg7[%swap3A_785] {strides = array<i32>} : memref<1024xf32, #tpu.memory_space<vmem>>, vector<16xf32>,
      tpu.vector_store %arg7[%swap3A_785], %broadcast_in_dim3A_784 {strides = array<i32>} : memref<1024xf32, #tpu.memory_space<vmem>>, vector<16xf32>,
      %broadcast_in_dim3A_787 = arith.constant 0.000000e+00 : f32
      %broadcast_in_dim3A_788 = vector.broadcast %broadcast_in_dim3A_787 : f32 to vector<16xf32>
      %swap3A_789 = arith.constant 880 : index
      %swap3A_790 = tpu.vector_load %arg7[%swap3A_789] {strides = array<i32>} : memref<1024xf32, #tpu.memory_space<vmem>>, vector<16xf32>,
      tpu.vector_store %arg7[%swap3A_789], %broadcast_in_dim3A_788 {strides = array<i32>} : memref<1024xf32, #tpu.memory_space<vmem>>, vector<16xf32>,
      %broadcast_in_dim3A_791 = arith.constant 0.000000e+00 : f32
      %broadcast_in_dim3A_792 = vector.broadcast %broadcast_in_dim3A_791 : f32 to vector<16xf32>
      %swap3A_793 = arith.constant 896 : index
      %swap3A_794 = tpu.vector_load %arg7[%swap3A_793] {strides = array<i32>} : memref<1024xf32, #tpu.memory_space<vmem>>, vector<16xf32>,
      tpu.vector_store %arg7[%swap3A_793], %broadcast_in_dim3A_792 {strides = array<i32>} : memref<1024xf32, #tpu.memory_space<vmem>>, vector<16xf32>,
      %broadcast_in_dim3A_795 = arith.constant 0.000000e+00 : f32
      %broadcast_in_dim3A_796 = vector.broadcast %broadcast_in_dim3A_795 : f32 to vector<16xf32>
      %swap3A_797 = arith.constant 912 : index
      %swap3A_798 = tpu.vector_load %arg7[%swap3A_797] {strides = array<i32>} : memref<1024xf32, #tpu.memory_space<vmem>>, vector<16xf32>,
      tpu.vector_store %arg7[%swap3A_797], %broadcast_in_dim3A_796 {strides = array<i32>} : memref<1024xf32, #tpu.memory_space<vmem>>, vector<16xf32>,
      %broadcast_in_dim3A_799 = arith.constant 0.000000e+00 : f32
      %broadcast_in_dim3A_800 = vector.broadcast %broadcast_in_dim3A_799 : f32 to vector<16xf32>
      %swap3A_801 = arith.constant 928 : index
      %swap3A_802 = tpu.vector_load %arg7[%swap3A_801] {strides = array<i32>} : memref<1024xf32, #tpu.memory_space<vmem>>, vector<16xf32>,
      tpu.vector_store %arg7[%swap3A_801], %broadcast_in_dim3A_800 {strides = array<i32>} : memref<1024xf32, #tpu.memory_space<vmem>>, vector<16xf32>,
      %broadcast_in_dim3A_803 = arith.constant 0.000000e+00 : f32
      %broadcast_in_dim3A_804 = vector.broadcast %broadcast_in_dim3A_803 : f32 to vector<16xf32>
      %swap3A_805 = arith.constant 944 : index
      %swap3A_806 = tpu.vector_load %arg7[%swap3A_805] {strides = array<i32>} : memref<1024xf32, #tpu.memory_space<vmem>>, vector<16xf32>,
      tpu.vector_store %arg7[%swap3A_805], %broadcast_in_dim3A_804 {strides = array<i32>} : memref<1024xf32, #tpu.memory_space<vmem>>, vector<16xf32>,
      %broadcast_in_dim3A_807 = arith.constant 0.000000e+00 : f32
      %broadcast_in_dim3A_808 = vector.broadcast %broadcast_in_dim3A_807 : f32 to vector<16xf32>
      %swap3A_809 = arith.constant 960 : index
      %swap3A_810 = tpu.vector_load %arg7[%swap3A_809] {strides = array<i32>} : memref<1024xf32, #tpu.memory_space<vmem>>, vector<16xf32>,
      tpu.vector_store %arg7[%swap3A_809], %broadcast_in_dim3A_808 {strides = array<i32>} : memref<1024xf32, #tpu.memory_space<vmem>>, vector<16xf32>,
      %broadcast_in_dim3A_811 = arith.constant 0.000000e+00 : f32
      %broadcast_in_dim3A_812 = vector.broadcast %broadcast_in_dim3A_811 : f32 to vector<16xf32>
      %swap3A_813 = arith.constant 976 : index
      %swap3A_814 = tpu.vector_load %arg7[%swap3A_813] {strides = array<i32>} : memref<1024xf32, #tpu.memory_space<vmem>>, vector<16xf32>,
      tpu.vector_store %arg7[%swap3A_813], %broadcast_in_dim3A_812 {strides = array<i32>} : memref<1024xf32, #tpu.memory_space<vmem>>, vector<16xf32>,
      %broadcast_in_dim3A_815 = arith.constant 0.000000e+00 : f32
      %broadcast_in_dim3A_816 = vector.broadcast %broadcast_in_dim3A_815 : f32 to vector<16xf32>
      %swap3A_817 = arith.constant 992 : index
      %swap3A_818 = tpu.vector_load %arg7[%swap3A_817] {strides = array<i32>} : memref<1024xf32, #tpu.memory_space<vmem>>, vector<16xf32>,
      tpu.vector_store %arg7[%swap3A_817], %broadcast_in_dim3A_816 {strides = array<i32>} : memref<1024xf32, #tpu.memory_space<vmem>>, vector<16xf32>,
      %broadcast_in_dim3A_819 = arith.constant 0.000000e+00 : f32
      %broadcast_in_dim3A_820 = vector.broadcast %broadcast_in_dim3A_819 : f32 to vector<16xf32>
      %swap3A_821 = arith.constant 1008 : index
      %swap3A_822 = tpu.vector_load %arg7[%swap3A_821] {strides = array<i32>} : memref<1024xf32, #tpu.memory_space<vmem>>, vector<16xf32>,
      tpu.vector_store %arg7[%swap3A_821], %broadcast_in_dim3A_820 {strides = array<i32>} : memref<1024xf32, #tpu.memory_space<vmem>>, vector<16xf32>,
      %scan3A_823 = arith.constant 0.000000e+00 : f32
      %scan3A_824 = arith.constant 0 : i32
      %scan3A_825 = arith.constant 157 : i32
      %scan3A_826 = arith.addi %scan3A_824, %scan3A_825 : i32
      %scan3A_827 = arith.constant 1 : i32
      scf.for %scan3A_901 = %scan3A_824 to %scan3A_826 step %scan3A_827  : i32 {
        %mul3A_902 = arith.constant 8 : i32
        %mul3A_903 = arith.muli %scan3A_901, %mul3A_902 : i32
        %add3A_904 = arith.constant 0 : i32
        %add3A_905 = arith.addi %mul3A_903, %add3A_904 : i32
        %mul3A_906 = arith.constant 16 : i32
        %mul3A_907 = arith.muli %add3A_905, %mul3A_906 : i32
        %get3A = arith.index_cast %mul3A_907 : i32 to index
        %get3A_908 = tpu.vector_load %arg5[%get3A] {strides = array<i32>} : memref<20096xi32, #tpu.memory_space<vmem>>, vector<16xi32>,
        %ge3A = vector.broadcast %add3A_563 : i32 to vector<16xi32>
        %ge3A_909 = arith.cmpi sge, %get3A_908, %ge3A : vector<16xi32>
        %lt3A_910 = vector.broadcast %add3A_566 : i32 to vector<16xi32>
        %lt3A_911 = arith.cmpi slt, %get3A_908, %lt3A_910 : vector<16xi32>
        %and3A = arith.andi %ge3A_909, %lt3A_911 : vector<16xi1>
        %shift_right_logical3A = arith.constant 0 : i32
        %shift_right_logical3A_912 = vector.broadcast %shift_right_logical3A : i32 to vector<16xi32>
        %shift_right_logical3A_913 = arith.shrui %get3A_908, %shift_right_logical3A_912 : vector<16xi32>
        %and3A_914 = arith.constant 1023 : i32
        %and3A_915 = vector.broadcast %and3A_914 : i32 to vector<16xi32>
        %and3A_916 = arith.andi %shift_right_logical3A_913, %and3A_915 : vector<16xi32>
        tpu.vector_store_idx %arg7[%and3A_916], %broadcast_in_dim3A_3 masked %and3A {add = true} : memref<1024xf32, #tpu.memory_space<vmem>>[vector<16xi32>], vector<16xf32>, vector<16xi1>
        %mul3A_917 = arith.constant 8 : i32
        %mul3A_918 = arith.muli %scan3A_901, %mul3A_917 : i32
        %add3A_919 = arith.constant 1 : i32
        %add3A_920 = arith.addi %mul3A_918, %add3A_919 : i32
        %mul3A_921 = arith.constant 16 : i32
        %mul3A_922 = arith.muli %add3A_920, %mul3A_921 : i32
        %get3A_923 = arith.index_cast %mul3A_922 : i32 to index
        %get3A_924 = tpu.vector_load %arg5[%get3A_923] {strides = array<i32>} : memref<20096xi32, #tpu.memory_space<vmem>>, vector<16xi32>,
        %ge3A_925 = vector.broadcast %add3A_563 : i32 to vector<16xi32>
        %ge3A_926 = arith.cmpi sge, %get3A_924, %ge3A_925 : vector<16xi32>
        %lt3A_927 = vector.broadcast %add3A_566 : i32 to vector<16xi32>
        %lt3A_928 = arith.cmpi slt, %get3A_924, %lt3A_927 : vector<16xi32>
        %and3A_929 = arith.andi %ge3A_926, %lt3A_928 : vector<16xi1>
        %shift_right_logical3A_930 = arith.constant 0 : i32
        %shift_right_logical3A_931 = vector.broadcast %shift_right_logical3A_930 : i32 to vector<16xi32>
        %shift_right_logical3A_932 = arith.shrui %get3A_924, %shift_right_logical3A_931 : vector<16xi32>
        %and3A_933 = arith.constant 1023 : i32
        %and3A_934 = vector.broadcast %and3A_933 : i32 to vector<16xi32>
        %and3A_935 = arith.andi %shift_right_logical3A_932, %and3A_934 : vector<16xi32>
        tpu.vector_store_idx %arg7[%and3A_935], %broadcast_in_dim3A_3 masked %and3A_929 {add = true} : memref<1024xf32, #tpu.memory_space<vmem>>[vector<16xi32>], vector<16xf32>, vector<16xi1>
        %mul3A_936 = arith.constant 8 : i32
        %mul3A_937 = arith.muli %scan3A_901, %mul3A_936 : i32
        %add3A_938 = arith.constant 2 : i32
        %add3A_939 = arith.addi %mul3A_937, %add3A_938 : i32
        %mul3A_940 = arith.constant 16 : i32
        %mul3A_941 = arith.muli %add3A_939, %mul3A_940 : i32
        %get3A_942 = arith.index_cast %mul3A_941 : i32 to index
        %get3A_943 = tpu.vector_load %arg5[%get3A_942] {strides = array<i32>} : memref<20096xi32, #tpu.memory_space<vmem>>, vector<16xi32>,
        %ge3A_944 = vector.broadcast %add3A_563 : i32 to vector<16xi32>
        %ge3A_945 = arith.cmpi sge, %get3A_943, %ge3A_944 : vector<16xi32>
        %lt3A_946 = vector.broadcast %add3A_566 : i32 to vector<16xi32>
        %lt3A_947 = arith.cmpi slt, %get3A_943, %lt3A_946 : vector<16xi32>
        %and3A_948 = arith.andi %ge3A_945, %lt3A_947 : vector<16xi1>
        %shift_right_logical3A_949 = arith.constant 0 : i32
        %shift_right_logical3A_950 = vector.broadcast %shift_right_logical3A_949 : i32 to vector<16xi32>
        %shift_right_logical3A_951 = arith.shrui %get3A_943, %shift_right_logical3A_950 : vector<16xi32>
        %and3A_952 = arith.constant 1023 : i32
        %and3A_953 = vector.broadcast %and3A_952 : i32 to vector<16xi32>
        %and3A_954 = arith.andi %shift_right_logical3A_951, %and3A_953 : vector<16xi32>
        tpu.vector_store_idx %arg7[%and3A_954], %broadcast_in_dim3A_3 masked %and3A_948 {add = true} : memref<1024xf32, #tpu.memory_space<vmem>>[vector<16xi32>], vector<16xf32>, vector<16xi1>
        %mul3A_955 = arith.constant 8 : i32
        %mul3A_956 = arith.muli %scan3A_901, %mul3A_955 : i32
        %add3A_957 = arith.constant 3 : i32
        %add3A_958 = arith.addi %mul3A_956, %add3A_957 : i32
        %mul3A_959 = arith.constant 16 : i32
        %mul3A_960 = arith.muli %add3A_958, %mul3A_959 : i32
        %get3A_961 = arith.index_cast %mul3A_960 : i32 to index
        %get3A_962 = tpu.vector_load %arg5[%get3A_961] {strides = array<i32>} : memref<20096xi32, #tpu.memory_space<vmem>>, vector<16xi32>,
        %ge3A_963 = vector.broadcast %add3A_563 : i32 to vector<16xi32>
        %ge3A_964 = arith.cmpi sge, %get3A_962, %ge3A_963 : vector<16xi32>
        %lt3A_965 = vector.broadcast %add3A_566 : i32 to vector<16xi32>
        %lt3A_966 = arith.cmpi slt, %get3A_962, %lt3A_965 : vector<16xi32>
        %and3A_967 = arith.andi %ge3A_964, %lt3A_966 : vector<16xi1>
        %shift_right_logical3A_968 = arith.constant 0 : i32
        %shift_right_logical3A_969 = vector.broadcast %shift_right_logical3A_968 : i32 to vector<16xi32>
        %shift_right_logical3A_970 = arith.shrui %get3A_962, %shift_right_logical3A_969 : vector<16xi32>
        %and3A_971 = arith.constant 1023 : i32
        %and3A_972 = vector.broadcast %and3A_971 : i32 to vector<16xi32>
        %and3A_973 = arith.andi %shift_right_logical3A_970, %and3A_972 : vector<16xi32>
        tpu.vector_store_idx %arg7[%and3A_973], %broadcast_in_dim3A_3 masked %and3A_967 {add = true} : memref<1024xf32, #tpu.memory_space<vmem>>[vector<16xi32>], vector<16xf32>, vector<16xi1>
        %mul3A_974 = arith.constant 8 : i32
        %mul3A_975 = arith.muli %scan3A_901, %mul3A_974 : i32
        %add3A_976 = arith.constant 4 : i32
        %add3A_977 = arith.addi %mul3A_975, %add3A_976 : i32
        %mul3A_978 = arith.constant 16 : i32
        %mul3A_979 = arith.muli %add3A_977, %mul3A_978 : i32
        %get3A_980 = arith.index_cast %mul3A_979 : i32 to index
        %get3A_981 = tpu.vector_load %arg5[%get3A_980] {strides = array<i32>} : memref<20096xi32, #tpu.memory_space<vmem>>, vector<16xi32>,
        %ge3A_982 = vector.broadcast %add3A_563 : i32 to vector<16xi32>
        %ge3A_983 = arith.cmpi sge, %get3A_981, %ge3A_982 : vector<16xi32>
        %lt3A_984 = vector.broadcast %add3A_566 : i32 to vector<16xi32>
        %lt3A_985 = arith.cmpi slt, %get3A_981, %lt3A_984 : vector<16xi32>
        %and3A_986 = arith.andi %ge3A_983, %lt3A_985 : vector<16xi1>
        %shift_right_logical3A_987 = arith.constant 0 : i32
        %shift_right_logical3A_988 = vector.broadcast %shift_right_logical3A_987 : i32 to vector<16xi32>
        %shift_right_logical3A_989 = arith.shrui %get3A_981, %shift_right_logical3A_988 : vector<16xi32>
        %and3A_990 = arith.constant 1023 : i32
        %and3A_991 = vector.broadcast %and3A_990 : i32 to vector<16xi32>
        %and3A_992 = arith.andi %shift_right_logical3A_989, %and3A_991 : vector<16xi32>
        tpu.vector_store_idx %arg7[%and3A_992], %broadcast_in_dim3A_3 masked %and3A_986 {add = true} : memref<1024xf32, #tpu.memory_space<vmem>>[vector<16xi32>], vector<16xf32>, vector<16xi1>
        %mul3A_993 = arith.constant 8 : i32
        %mul3A_994 = arith.muli %scan3A_901, %mul3A_993 : i32
        %add3A_995 = arith.constant 5 : i32
        %add3A_996 = arith.addi %mul3A_994, %add3A_995 : i32
        %mul3A_997 = arith.constant 16 : i32
        %mul3A_998 = arith.muli %add3A_996, %mul3A_997 : i32
        %get3A_999 = arith.index_cast %mul3A_998 : i32 to index
        %get3A_1000 = tpu.vector_load %arg5[%get3A_999] {strides = array<i32>} : memref<20096xi32, #tpu.memory_space<vmem>>, vector<16xi32>,
        %ge3A_1001 = vector.broadcast %add3A_563 : i32 to vector<16xi32>
        %ge3A_1002 = arith.cmpi sge, %get3A_1000, %ge3A_1001 : vector<16xi32>
        %lt3A_1003 = vector.broadcast %add3A_566 : i32 to vector<16xi32>
        %lt3A_1004 = arith.cmpi slt, %get3A_1000, %lt3A_1003 : vector<16xi32>
        %and3A_1005 = arith.andi %ge3A_1002, %lt3A_1004 : vector<16xi1>
        %shift_right_logical3A_1006 = arith.constant 0 : i32
        %shift_right_logical3A_1007 = vector.broadcast %shift_right_logical3A_1006 : i32 to vector<16xi32>
        %shift_right_logical3A_1008 = arith.shrui %get3A_1000, %shift_right_logical3A_1007 : vector<16xi32>
        %and3A_1009 = arith.constant 1023 : i32
        %and3A_1010 = vector.broadcast %and3A_1009 : i32 to vector<16xi32>
        %and3A_1011 = arith.andi %shift_right_logical3A_1008, %and3A_1010 : vector<16xi32>
        tpu.vector_store_idx %arg7[%and3A_1011], %broadcast_in_dim3A_3 masked %and3A_1005 {add = true} : memref<1024xf32, #tpu.memory_space<vmem>>[vector<16xi32>], vector<16xf32>, vector<16xi1>
        %mul3A_1012 = arith.constant 8 : i32
        %mul3A_1013 = arith.muli %scan3A_901, %mul3A_1012 : i32
        %add3A_1014 = arith.constant 6 : i32
        %add3A_1015 = arith.addi %mul3A_1013, %add3A_1014 : i32
        %mul3A_1016 = arith.constant 16 : i32
        %mul3A_1017 = arith.muli %add3A_1015, %mul3A_1016 : i32
        %get3A_1018 = arith.index_cast %mul3A_1017 : i32 to index
        %get3A_1019 = tpu.vector_load %arg5[%get3A_1018] {strides = array<i32>} : memref<20096xi32, #tpu.memory_space<vmem>>, vector<16xi32>,
        %ge3A_1020 = vector.broadcast %add3A_563 : i32 to vector<16xi32>
        %ge3A_1021 = arith.cmpi sge, %get3A_1019, %ge3A_1020 : vector<16xi32>
        %lt3A_1022 = vector.broadcast %add3A_566 : i32 to vector<16xi32>
        %lt3A_1023 = arith.cmpi slt, %get3A_1019, %lt3A_1022 : vector<16xi32>
        %and3A_1024 = arith.andi %ge3A_1021, %lt3A_1023 : vector<16xi1>
        %shift_right_logical3A_1025 = arith.constant 0 : i32
        %shift_right_logical3A_1026 = vector.broadcast %shift_right_logical3A_1025 : i32 to vector<16xi32>
        %shift_right_logical3A_1027 = arith.shrui %get3A_1019, %shift_right_logical3A_1026 : vector<16xi32>
        %and3A_1028 = arith.constant 1023 : i32
        %and3A_1029 = vector.broadcast %and3A_1028 : i32 to vector<16xi32>
        %and3A_1030 = arith.andi %shift_right_logical3A_1027, %and3A_1029 : vector<16xi32>
        tpu.vector_store_idx %arg7[%and3A_1030], %broadcast_in_dim3A_3 masked %and3A_1024 {add = true} : memref<1024xf32, #tpu.memory_space<vmem>>[vector<16xi32>], vector<16xf32>, vector<16xi1>
        %mul3A_1031 = arith.constant 8 : i32
        %mul3A_1032 = arith.muli %scan3A_901, %mul3A_1031 : i32
        %add3A_1033 = arith.constant 7 : i32
        %add3A_1034 = arith.addi %mul3A_1032, %add3A_1033 : i32
        %mul3A_1035 = arith.constant 16 : i32
        %mul3A_1036 = arith.muli %add3A_1034, %mul3A_1035 : i32
        %get3A_1037 = arith.index_cast %mul3A_1036 : i32 to index
        %get3A_1038 = tpu.vector_load %arg5[%get3A_1037] {strides = array<i32>} : memref<20096xi32, #tpu.memory_space<vmem>>, vector<16xi32>,
        %ge3A_1039 = vector.broadcast %add3A_563 : i32 to vector<16xi32>
        %ge3A_1040 = arith.cmpi sge, %get3A_1038, %ge3A_1039 : vector<16xi32>
        %lt3A_1041 = vector.broadcast %add3A_566 : i32 to vector<16xi32>
        %lt3A_1042 = arith.cmpi slt, %get3A_1038, %lt3A_1041 : vector<16xi32>
        %and3A_1043 = arith.andi %ge3A_1040, %lt3A_1042 : vector<16xi1>
        %shift_right_logical3A_1044 = arith.constant 0 : i32
        %shift_right_logical3A_1045 = vector.broadcast %shift_right_logical3A_1044 : i32 to vector<16xi32>
        %shift_right_logical3A_1046 = arith.shrui %get3A_1038, %shift_right_logical3A_1045 : vector<16xi32>
        %and3A_1047 = arith.constant 1023 : i32
        %and3A_1048 = vector.broadcast %and3A_1047 : i32 to vector<16xi32>
        %and3A_1049 = arith.andi %shift_right_logical3A_1046, %and3A_1048 : vector<16xi32>
        tpu.vector_store_idx %arg7[%and3A_1049], %broadcast_in_dim3A_3 masked %and3A_1043 {add = true} : memref<1024xf32, #tpu.memory_space<vmem>>[vector<16xi32>], vector<16xf32>, vector<16xi1>
      }
      %scan3A_828 = arith.constant 157 : i32
      %scan3A_829 = arith.constant 0.000000e+00 : f32
      %scan3A_830 = arith.constant 0.000000e+00 : f32
      %scan3A_831 = arith.constant 0.000000e+00 : f32
      %scan3A_832 = arith.constant 0 : i32
      %scan3A_833 = arith.constant 64 : i32
      %scan3A_834 = arith.addi %scan3A_832, %scan3A_833 : i32
      %scan3A_835 = arith.constant 1 : i32
      %scan3A_836:3 = scf.for %scan3A_901 = %scan3A_832 to %scan3A_834 step %scan3A_835 iter_args(%scan3A_902 = %scan3A_829, %scan3A_903 = %scan3A_830, %scan3A_904 = %scan3A_831) -> (f32, f32, f32)  : i32 {
        %sub3A_905 = arith.constant 63 : i32
        %sub3A_906 = arith.subi %sub3A_905, %scan3A_901 : i32
        %mul3A_907 = arith.constant 16 : i32
        %mul3A_908 = arith.muli %sub3A_906, %mul3A_907 : i32
        %get3A = arith.index_cast %mul3A_908 : i32 to index
        %get3A_909 = tpu.vector_load %arg7[%get3A] {strides = array<i32>} : memref<1024xf32, #tpu.memory_space<vmem>>, vector<16xf32>,
        %rev3A = arith.constant 15 : i32
        %rev3A_910 = vector.broadcast %rev3A : i32 to vector<16xi32>
        %rev3A_911 = tpu.iota {dimensions = array<i32: 0>} : vector<16xi32>
        %rev3A_912 = arith.subi %rev3A_910, %rev3A_911 : vector<16xi32>
        %rev3A_913 = tpu.dynamic_gather %get3A_909[%rev3A_912] in [0] : vector<16xf32>, vector<16xi32> -> vector<16xf32>
        %broadcast_in_dim3A_914 = arith.constant true
        %broadcast_in_dim3A_915 = vector.broadcast %broadcast_in_dim3A_914 : i1 to vector<16xi1>
        %masked_cumsum3A = tpu.scan <sum>, %rev3A_913 masked %broadcast_in_dim3A_915 : vector<16xf32>, vector<16xi1> -> vector<16xf32>
        %rev3A_916 = arith.constant 15 : i32
        %rev3A_917 = vector.broadcast %rev3A_916 : i32 to vector<16xi32>
        %rev3A_918 = tpu.iota {dimensions = array<i32: 0>} : vector<16xi32>
        %rev3A_919 = arith.subi %rev3A_917, %rev3A_918 : vector<16xi32>
        %rev3A_920 = tpu.dynamic_gather %masked_cumsum3A[%rev3A_919] in [0] : vector<16xf32>, vector<16xi32> -> vector<16xf32>
        %add3A_921 = vector.broadcast %scan3A_902 : f32 to vector<16xf32>
        %add3A_922 = arith.addf %rev3A_920, %add3A_921 : vector<16xf32>
        %sub3A_923 = arith.subf %add3A_922, %get3A_909 : vector<16xf32>
        %lt3A_924 = vector.broadcast %sub3A_564 : f32 to vector<16xf32>
        %lt3A_925 = arith.cmpf olt, %sub3A_923, %lt3A_924 : vector<16xf32>
        %ge3A = vector.broadcast %sub3A_564 : f32 to vector<16xf32>
        %ge3A_926 = arith.cmpf oge, %add3A_922, %ge3A : vector<16xf32>
        %and3A = arith.andi %lt3A_925, %ge3A_926 : vector<16xi1>
        %iota3A_927 = tpu.iota {dimensions = array<i32: 0>} : vector<16xi32>
        %mul3A_928 = arith.constant 16 : i32
        %mul3A_929 = arith.muli %sub3A_906, %mul3A_928 : i32
        %add3A_930 = vector.broadcast %mul3A_929 : i32 to vector<16xi32>
        %add3A_931 = arith.addi %iota3A_927, %add3A_930 : vector<16xi32>
        %convert_element_type3A_932 = arith.sitofp %add3A_931 : vector<16xi32> to vector<16xf32>
        %jit3A_933 = arith.constant 0.000000e+00 : f32
        %broadcast_in_dim3A_934 = vector.broadcast %jit3A_933 : f32 to vector<16xf32>
        %select_n3A_935 = arith.select %and3A, %convert_element_type3A_932, %broadcast_in_dim3A_934 : vector<16xi1>, vector<16xf32>
        %reduce_sum3A = arith.constant true
        %reduce_sum3A_936 = vector.broadcast %reduce_sum3A : i1 to vector<16xi1>
        %reduce_sum3A_937 = tpu.scan <sum>, %select_n3A_935 masked %reduce_sum3A_936 : vector<16xf32>, vector<16xi1> -> vector<16xf32>
        %reduce_sum3A_938 = vector.extract %reduce_sum3A_937[15] : f32 from vector<16xf32>
        %add3A_939 = arith.addf %scan3A_903, %reduce_sum3A_938 : f32
        %jit3A_940 = arith.constant 0.000000e+00 : f32
        %broadcast_in_dim3A_941 = vector.broadcast %jit3A_940 : f32 to vector<16xf32>
        %select_n3A_942 = arith.select %and3A, %sub3A_923, %broadcast_in_dim3A_941 : vector<16xi1>, vector<16xf32>
        %reduce_sum3A_943 = arith.constant true
        %reduce_sum3A_944 = vector.broadcast %reduce_sum3A_943 : i1 to vector<16xi1>
        %reduce_sum3A_945 = tpu.scan <sum>, %select_n3A_942 masked %reduce_sum3A_944 : vector<16xf32>, vector<16xi1> -> vector<16xf32>
        %reduce_sum3A_946 = vector.extract %reduce_sum3A_945[15] : f32 from vector<16xf32>
        %add3A_947 = arith.addf %scan3A_904, %reduce_sum3A_946 : f32
        %reduce_sum3A_948 = arith.constant true
        %reduce_sum3A_949 = vector.broadcast %reduce_sum3A_948 : i1 to vector<16xi1>
        %reduce_sum3A_950 = tpu.scan <sum>, %get3A_909 masked %reduce_sum3A_949 : vector<16xf32>, vector<16xi1> -> vector<16xf32>
        %reduce_sum3A_951 = vector.extract %reduce_sum3A_950[15] : f32 from vector<16xf32>
        %add3A_952 = arith.addf %scan3A_902, %reduce_sum3A_951 : f32
        scf.yield %add3A_952, %add3A_939, %add3A_947 : f32, f32, f32
      }
      %scan3A_837 = arith.constant 64 : i32
      %convert_element_type3A_838 = arith.fptosi %scan3A_836#1 : f32 to i32
      %shift_left3A_839 = arith.constant 0 : i32
      %shift_left3A_840 = arith.shli %convert_element_type3A_838, %shift_left3A_839 : i32
      %add3A_841 = arith.addi %add3A_563, %shift_left3A_840 : i32
      %sub3A_842 = arith.subf %sub3A_564, %scan3A_836#2 : f32
      %scan3A_843 = arith.constant 0.000000e+00 : f32
      %scan3A_844 = arith.constant 0.000000e+00 : f32
      %scan3A_845 = arith.constant 0.000000e+00 : f32
      %scan3A_846 = arith.constant 0.000000e+00 : f32
      %scan3A_847 = arith.constant 0 : i32
      %scan3A_848 = arith.constant 157 : i32
      %scan3A_849 = arith.addi %scan3A_847, %scan3A_848 : i32
      %scan3A_850 = arith.constant 1 : i32
      %scan3A_851:4 = scf.for %scan3A_901 = %scan3A_847 to %scan3A_849 step %scan3A_850 iter_args(%scan3A_902 = %scan3A_843, %scan3A_903 = %scan3A_844, %scan3A_904 = %scan3A_845, %scan3A_905 = %scan3A_846) -> (f32, f32, f32, f32)  : i32 {
        %mul3A_906 = arith.constant 8 : i32
        %mul3A_907 = arith.muli %scan3A_901, %mul3A_906 : i32
        %add3A_908 = arith.constant 0 : i32
        %add3A_909 = arith.addi %mul3A_907, %add3A_908 : i32
        %mul3A_910 = arith.constant 16 : i32
        %mul3A_911 = arith.muli %add3A_909, %mul3A_910 : i32
        %get3A = arith.index_cast %mul3A_911 : i32 to index
        %get3A_912 = tpu.vector_load %arg5[%get3A] {strides = array<i32>} : memref<20096xi32, #tpu.memory_space<vmem>>, vector<16xi32>,
        %mul3A_913 = arith.constant 8 : i32
        %mul3A_914 = arith.muli %scan3A_901, %mul3A_913 : i32
        %add3A_915 = arith.constant 0 : i32
        %add3A_916 = arith.addi %mul3A_914, %add3A_915 : i32
        %mul3A_917 = arith.constant 16 : i32
        %mul3A_918 = arith.muli %add3A_916, %mul3A_917 : i32
        %get3A_919 = arith.index_cast %mul3A_918 : i32 to index
        %get3A_920 = tpu.vector_load %arg6[%get3A_919] {strides = array<i32>} : memref<20096xf32, #tpu.memory_space<vmem>>, vector<16xf32>,
        %gt3A_921 = vector.broadcast %add3A_841 : i32 to vector<16xi32>
        %gt3A_922 = arith.cmpi sgt, %get3A_912, %gt3A_921 : vector<16xi32>
        %eq3A_923 = vector.broadcast %add3A_841 : i32 to vector<16xi32>
        %eq3A_924 = arith.cmpi eq, %get3A_912, %eq3A_923 : vector<16xi32>
        %jit3A_925 = arith.constant 1.000000e+00 : f32
        %jit3A_926 = arith.constant 0.000000e+00 : f32
        %broadcast_in_dim3A_927 = vector.broadcast %jit3A_925 : f32 to vector<16xf32>
        %broadcast_in_dim3A_928 = vector.broadcast %jit3A_926 : f32 to vector<16xf32>
        %select_n3A_929 = arith.select %gt3A_922, %broadcast_in_dim3A_927, %broadcast_in_dim3A_928 : vector<16xi1>, vector<16xf32>
        %reduce_sum3A = arith.constant true
        %reduce_sum3A_930 = vector.broadcast %reduce_sum3A : i1 to vector<16xi1>
        %reduce_sum3A_931 = tpu.scan <sum>, %select_n3A_929 masked %reduce_sum3A_930 : vector<16xf32>, vector<16xi1> -> vector<16xf32>
        %reduce_sum3A_932 = vector.extract %reduce_sum3A_931[15] : f32 from vector<16xf32>
        %add3A_933 = arith.addf %scan3A_902, %reduce_sum3A_932 : f32
        %jit3A_934 = arith.constant 0.000000e+00 : f32
        %broadcast_in_dim3A_935 = vector.broadcast %jit3A_934 : f32 to vector<16xf32>
        %select_n3A_936 = arith.select %gt3A_922, %get3A_920, %broadcast_in_dim3A_935 : vector<16xi1>, vector<16xf32>
        %reduce_sum3A_937 = arith.constant true
        %reduce_sum3A_938 = vector.broadcast %reduce_sum3A_937 : i1 to vector<16xi1>
        %reduce_sum3A_939 = tpu.scan <sum>, %select_n3A_936 masked %reduce_sum3A_938 : vector<16xf32>, vector<16xi1> -> vector<16xf32>
        %reduce_sum3A_940 = vector.extract %reduce_sum3A_939[15] : f32 from vector<16xf32>
        %add3A_941 = arith.addf %scan3A_903, %reduce_sum3A_940 : f32
        %jit3A_942 = arith.constant 1.000000e+00 : f32
        %jit3A_943 = arith.constant 0.000000e+00 : f32
        %broadcast_in_dim3A_944 = vector.broadcast %jit3A_942 : f32 to vector<16xf32>
        %broadcast_in_dim3A_945 = vector.broadcast %jit3A_943 : f32 to vector<16xf32>
        %select_n3A_946 = arith.select %eq3A_924, %broadcast_in_dim3A_944, %broadcast_in_dim3A_945 : vector<16xi1>, vector<16xf32>
        %reduce_sum3A_947 = arith.constant true
        %reduce_sum3A_948 = vector.broadcast %reduce_sum3A_947 : i1 to vector<16xi1>
        %reduce_sum3A_949 = tpu.scan <sum>, %select_n3A_946 masked %reduce_sum3A_948 : vector<16xf32>, vector<16xi1> -> vector<16xf32>
        %reduce_sum3A_950 = vector.extract %reduce_sum3A_949[15] : f32 from vector<16xf32>
        %add3A_951 = arith.addf %scan3A_904, %reduce_sum3A_950 : f32
        %jit3A_952 = arith.constant 0.000000e+00 : f32
        %broadcast_in_dim3A_953 = vector.broadcast %jit3A_952 : f32 to vector<16xf32>
        %select_n3A_954 = arith.select %eq3A_924, %get3A_920, %broadcast_in_dim3A_953 : vector<16xi1>, vector<16xf32>
        %reduce_sum3A_955 = arith.constant true
        %reduce_sum3A_956 = vector.broadcast %reduce_sum3A_955 : i1 to vector<16xi1>
        %reduce_sum3A_957 = tpu.scan <sum>, %select_n3A_954 masked %reduce_sum3A_956 : vector<16xf32>, vector<16xi1> -> vector<16xf32>
        %reduce_sum3A_958 = vector.extract %reduce_sum3A_957[15] : f32 from vector<16xf32>
        %add3A_959 = arith.addf %scan3A_905, %reduce_sum3A_958 : f32
        %mul3A_960 = arith.constant 8 : i32
        %mul3A_961 = arith.muli %scan3A_901, %mul3A_960 : i32
        %add3A_962 = arith.constant 1 : i32
        %add3A_963 = arith.addi %mul3A_961, %add3A_962 : i32
        %mul3A_964 = arith.constant 16 : i32
        %mul3A_965 = arith.muli %add3A_963, %mul3A_964 : i32
        %get3A_966 = arith.index_cast %mul3A_965 : i32 to index
        %get3A_967 = tpu.vector_load %arg5[%get3A_966] {strides = array<i32>} : memref<20096xi32, #tpu.memory_space<vmem>>, vector<16xi32>,
        %mul3A_968 = arith.constant 8 : i32
        %mul3A_969 = arith.muli %scan3A_901, %mul3A_968 : i32
        %add3A_970 = arith.constant 1 : i32
        %add3A_971 = arith.addi %mul3A_969, %add3A_970 : i32
        %mul3A_972 = arith.constant 16 : i32
        %mul3A_973 = arith.muli %add3A_971, %mul3A_972 : i32
        %get3A_974 = arith.index_cast %mul3A_973 : i32 to index
        %get3A_975 = tpu.vector_load %arg6[%get3A_974] {strides = array<i32>} : memref<20096xf32, #tpu.memory_space<vmem>>, vector<16xf32>,
        %gt3A_976 = vector.broadcast %add3A_841 : i32 to vector<16xi32>
        %gt3A_977 = arith.cmpi sgt, %get3A_967, %gt3A_976 : vector<16xi32>
        %eq3A_978 = vector.broadcast %add3A_841 : i32 to vector<16xi32>
        %eq3A_979 = arith.cmpi eq, %get3A_967, %eq3A_978 : vector<16xi32>
        %jit3A_980 = arith.constant 1.000000e+00 : f32
        %jit3A_981 = arith.constant 0.000000e+00 : f32
        %broadcast_in_dim3A_982 = vector.broadcast %jit3A_980 : f32 to vector<16xf32>
        %broadcast_in_dim3A_983 = vector.broadcast %jit3A_981 : f32 to vector<16xf32>
        %select_n3A_984 = arith.select %gt3A_977, %broadcast_in_dim3A_982, %broadcast_in_dim3A_983 : vector<16xi1>, vector<16xf32>
        %reduce_sum3A_985 = arith.constant true
        %reduce_sum3A_986 = vector.broadcast %reduce_sum3A_985 : i1 to vector<16xi1>
        %reduce_sum3A_987 = tpu.scan <sum>, %select_n3A_984 masked %reduce_sum3A_986 : vector<16xf32>, vector<16xi1> -> vector<16xf32>
        %reduce_sum3A_988 = vector.extract %reduce_sum3A_987[15] : f32 from vector<16xf32>
        %add3A_989 = arith.addf %add3A_933, %reduce_sum3A_988 : f32
        %jit3A_990 = arith.constant 0.000000e+00 : f32
        %broadcast_in_dim3A_991 = vector.broadcast %jit3A_990 : f32 to vector<16xf32>
        %select_n3A_992 = arith.select %gt3A_977, %get3A_975, %broadcast_in_dim3A_991 : vector<16xi1>, vector<16xf32>
        %reduce_sum3A_993 = arith.constant true
        %reduce_sum3A_994 = vector.broadcast %reduce_sum3A_993 : i1 to vector<16xi1>
        %reduce_sum3A_995 = tpu.scan <sum>, %select_n3A_992 masked %reduce_sum3A_994 : vector<16xf32>, vector<16xi1> -> vector<16xf32>
        %reduce_sum3A_996 = vector.extract %reduce_sum3A_995[15] : f32 from vector<16xf32>
        %add3A_997 = arith.addf %add3A_941, %reduce_sum3A_996 : f32
        %jit3A_998 = arith.constant 1.000000e+00 : f32
        %jit3A_999 = arith.constant 0.000000e+00 : f32
        %broadcast_in_dim3A_1000 = vector.broadcast %jit3A_998 : f32 to vector<16xf32>
        %broadcast_in_dim3A_1001 = vector.broadcast %jit3A_999 : f32 to vector<16xf32>
        %select_n3A_1002 = arith.select %eq3A_979, %broadcast_in_dim3A_1000, %broadcast_in_dim3A_1001 : vector<16xi1>, vector<16xf32>
        %reduce_sum3A_1003 = arith.constant true
        %reduce_sum3A_1004 = vector.broadcast %reduce_sum3A_1003 : i1 to vector<16xi1>
        %reduce_sum3A_1005 = tpu.scan <sum>, %select_n3A_1002 masked %reduce_sum3A_1004 : vector<16xf32>, vector<16xi1> -> vector<16xf32>
        %reduce_sum3A_1006 = vector.extract %reduce_sum3A_1005[15] : f32 from vector<16xf32>
        %add3A_1007 = arith.addf %add3A_951, %reduce_sum3A_1006 : f32
        %jit3A_1008 = arith.constant 0.000000e+00 : f32
        %broadcast_in_dim3A_1009 = vector.broadcast %jit3A_1008 : f32 to vector<16xf32>
        %select_n3A_1010 = arith.select %eq3A_979, %get3A_975, %broadcast_in_dim3A_1009 : vector<16xi1>, vector<16xf32>
        %reduce_sum3A_1011 = arith.constant true
        %reduce_sum3A_1012 = vector.broadcast %reduce_sum3A_1011 : i1 to vector<16xi1>
        %reduce_sum3A_1013 = tpu.scan <sum>, %select_n3A_1010 masked %reduce_sum3A_1012 : vector<16xf32>, vector<16xi1> -> vector<16xf32>
        %reduce_sum3A_1014 = vector.extract %reduce_sum3A_1013[15] : f32 from vector<16xf32>
        %add3A_1015 = arith.addf %add3A_959, %reduce_sum3A_1014 : f32
        %mul3A_1016 = arith.constant 8 : i32
        %mul3A_1017 = arith.muli %scan3A_901, %mul3A_1016 : i32
        %add3A_1018 = arith.constant 2 : i32
        %add3A_1019 = arith.addi %mul3A_1017, %add3A_1018 : i32
        %mul3A_1020 = arith.constant 16 : i32
        %mul3A_1021 = arith.muli %add3A_1019, %mul3A_1020 : i32
        %get3A_1022 = arith.index_cast %mul3A_1021 : i32 to index
        %get3A_1023 = tpu.vector_load %arg5[%get3A_1022] {strides = array<i32>} : memref<20096xi32, #tpu.memory_space<vmem>>, vector<16xi32>,
        %mul3A_1024 = arith.constant 8 : i32
        %mul3A_1025 = arith.muli %scan3A_901, %mul3A_1024 : i32
        %add3A_1026 = arith.constant 2 : i32
        %add3A_1027 = arith.addi %mul3A_1025, %add3A_1026 : i32
        %mul3A_1028 = arith.constant 16 : i32
        %mul3A_1029 = arith.muli %add3A_1027, %mul3A_1028 : i32
        %get3A_1030 = arith.index_cast %mul3A_1029 : i32 to index
        %get3A_1031 = tpu.vector_load %arg6[%get3A_1030] {strides = array<i32>} : memref<20096xf32, #tpu.memory_space<vmem>>, vector<16xf32>,
        %gt3A_1032 = vector.broadcast %add3A_841 : i32 to vector<16xi32>
        %gt3A_1033 = arith.cmpi sgt, %get3A_1023, %gt3A_1032 : vector<16xi32>
        %eq3A_1034 = vector.broadcast %add3A_841 : i32 to vector<16xi32>
        %eq3A_1035 = arith.cmpi eq, %get3A_1023, %eq3A_1034 : vector<16xi32>
        %jit3A_1036 = arith.constant 1.000000e+00 : f32
        %jit3A_1037 = arith.constant 0.000000e+00 : f32
        %broadcast_in_dim3A_1038 = vector.broadcast %jit3A_1036 : f32 to vector<16xf32>
        %broadcast_in_dim3A_1039 = vector.broadcast %jit3A_1037 : f32 to vector<16xf32>
        %select_n3A_1040 = arith.select %gt3A_1033, %broadcast_in_dim3A_1038, %broadcast_in_dim3A_1039 : vector<16xi1>, vector<16xf32>
        %reduce_sum3A_1041 = arith.constant true
        %reduce_sum3A_1042 = vector.broadcast %reduce_sum3A_1041 : i1 to vector<16xi1>
        %reduce_sum3A_1043 = tpu.scan <sum>, %select_n3A_1040 masked %reduce_sum3A_1042 : vector<16xf32>, vector<16xi1> -> vector<16xf32>
        %reduce_sum3A_1044 = vector.extract %reduce_sum3A_1043[15] : f32 from vector<16xf32>
        %add3A_1045 = arith.addf %add3A_989, %reduce_sum3A_1044 : f32
        %jit3A_1046 = arith.constant 0.000000e+00 : f32
        %broadcast_in_dim3A_1047 = vector.broadcast %jit3A_1046 : f32 to vector<16xf32>
        %select_n3A_1048 = arith.select %gt3A_1033, %get3A_1031, %broadcast_in_dim3A_1047 : vector<16xi1>, vector<16xf32>
        %reduce_sum3A_1049 = arith.constant true
        %reduce_sum3A_1050 = vector.broadcast %reduce_sum3A_1049 : i1 to vector<16xi1>
        %reduce_sum3A_1051 = tpu.scan <sum>, %select_n3A_1048 masked %reduce_sum3A_1050 : vector<16xf32>, vector<16xi1> -> vector<16xf32>
        %reduce_sum3A_1052 = vector.extract %reduce_sum3A_1051[15] : f32 from vector<16xf32>
        %add3A_1053 = arith.addf %add3A_997, %reduce_sum3A_1052 : f32
        %jit3A_1054 = arith.constant 1.000000e+00 : f32
        %jit3A_1055 = arith.constant 0.000000e+00 : f32
        %broadcast_in_dim3A_1056 = vector.broadcast %jit3A_1054 : f32 to vector<16xf32>
        %broadcast_in_dim3A_1057 = vector.broadcast %jit3A_1055 : f32 to vector<16xf32>
        %select_n3A_1058 = arith.select %eq3A_1035, %broadcast_in_dim3A_1056, %broadcast_in_dim3A_1057 : vector<16xi1>, vector<16xf32>
        %reduce_sum3A_1059 = arith.constant true
        %reduce_sum3A_1060 = vector.broadcast %reduce_sum3A_1059 : i1 to vector<16xi1>
        %reduce_sum3A_1061 = tpu.scan <sum>, %select_n3A_1058 masked %reduce_sum3A_1060 : vector<16xf32>, vector<16xi1> -> vector<16xf32>
        %reduce_sum3A_1062 = vector.extract %reduce_sum3A_1061[15] : f32 from vector<16xf32>
        %add3A_1063 = arith.addf %add3A_1007, %reduce_sum3A_1062 : f32
        %jit3A_1064 = arith.constant 0.000000e+00 : f32
        %broadcast_in_dim3A_1065 = vector.broadcast %jit3A_1064 : f32 to vector<16xf32>
        %select_n3A_1066 = arith.select %eq3A_1035, %get3A_1031, %broadcast_in_dim3A_1065 : vector<16xi1>, vector<16xf32>
        %reduce_sum3A_1067 = arith.constant true
        %reduce_sum3A_1068 = vector.broadcast %reduce_sum3A_1067 : i1 to vector<16xi1>
        %reduce_sum3A_1069 = tpu.scan <sum>, %select_n3A_1066 masked %reduce_sum3A_1068 : vector<16xf32>, vector<16xi1> -> vector<16xf32>
        %reduce_sum3A_1070 = vector.extract %reduce_sum3A_1069[15] : f32 from vector<16xf32>
        %add3A_1071 = arith.addf %add3A_1015, %reduce_sum3A_1070 : f32
        %mul3A_1072 = arith.constant 8 : i32
        %mul3A_1073 = arith.muli %scan3A_901, %mul3A_1072 : i32
        %add3A_1074 = arith.constant 3 : i32
        %add3A_1075 = arith.addi %mul3A_1073, %add3A_1074 : i32
        %mul3A_1076 = arith.constant 16 : i32
        %mul3A_1077 = arith.muli %add3A_1075, %mul3A_1076 : i32
        %get3A_1078 = arith.index_cast %mul3A_1077 : i32 to index
        %get3A_1079 = tpu.vector_load %arg5[%get3A_1078] {strides = array<i32>} : memref<20096xi32, #tpu.memory_space<vmem>>, vector<16xi32>,
        %mul3A_1080 = arith.constant 8 : i32
        %mul3A_1081 = arith.muli %scan3A_901, %mul3A_1080 : i32
        %add3A_1082 = arith.constant 3 : i32
        %add3A_1083 = arith.addi %mul3A_1081, %add3A_1082 : i32
        %mul3A_1084 = arith.constant 16 : i32
        %mul3A_1085 = arith.muli %add3A_1083, %mul3A_1084 : i32
        %get3A_1086 = arith.index_cast %mul3A_1085 : i32 to index
        %get3A_1087 = tpu.vector_load %arg6[%get3A_1086] {strides = array<i32>} : memref<20096xf32, #tpu.memory_space<vmem>>, vector<16xf32>,
        %gt3A_1088 = vector.broadcast %add3A_841 : i32 to vector<16xi32>
        %gt3A_1089 = arith.cmpi sgt, %get3A_1079, %gt3A_1088 : vector<16xi32>
        %eq3A_1090 = vector.broadcast %add3A_841 : i32 to vector<16xi32>
        %eq3A_1091 = arith.cmpi eq, %get3A_1079, %eq3A_1090 : vector<16xi32>
        %jit3A_1092 = arith.constant 1.000000e+00 : f32
        %jit3A_1093 = arith.constant 0.000000e+00 : f32
        %broadcast_in_dim3A_1094 = vector.broadcast %jit3A_1092 : f32 to vector<16xf32>
        %broadcast_in_dim3A_1095 = vector.broadcast %jit3A_1093 : f32 to vector<16xf32>
        %select_n3A_1096 = arith.select %gt3A_1089, %broadcast_in_dim3A_1094, %broadcast_in_dim3A_1095 : vector<16xi1>, vector<16xf32>
        %reduce_sum3A_1097 = arith.constant true
        %reduce_sum3A_1098 = vector.broadcast %reduce_sum3A_1097 : i1 to vector<16xi1>
        %reduce_sum3A_1099 = tpu.scan <sum>, %select_n3A_1096 masked %reduce_sum3A_1098 : vector<16xf32>, vector<16xi1> -> vector<16xf32>
        %reduce_sum3A_1100 = vector.extract %reduce_sum3A_1099[15] : f32 from vector<16xf32>
        %add3A_1101 = arith.addf %add3A_1045, %reduce_sum3A_1100 : f32
        %jit3A_1102 = arith.constant 0.000000e+00 : f32
        %broadcast_in_dim3A_1103 = vector.broadcast %jit3A_1102 : f32 to vector<16xf32>
        %select_n3A_1104 = arith.select %gt3A_1089, %get3A_1087, %broadcast_in_dim3A_1103 : vector<16xi1>, vector<16xf32>
        %reduce_sum3A_1105 = arith.constant true
        %reduce_sum3A_1106 = vector.broadcast %reduce_sum3A_1105 : i1 to vector<16xi1>
        %reduce_sum3A_1107 = tpu.scan <sum>, %select_n3A_1104 masked %reduce_sum3A_1106 : vector<16xf32>, vector<16xi1> -> vector<16xf32>
        %reduce_sum3A_1108 = vector.extract %reduce_sum3A_1107[15] : f32 from vector<16xf32>
        %add3A_1109 = arith.addf %add3A_1053, %reduce_sum3A_1108 : f32
        %jit3A_1110 = arith.constant 1.000000e+00 : f32
        %jit3A_1111 = arith.constant 0.000000e+00 : f32
        %broadcast_in_dim3A_1112 = vector.broadcast %jit3A_1110 : f32 to vector<16xf32>
        %broadcast_in_dim3A_1113 = vector.broadcast %jit3A_1111 : f32 to vector<16xf32>
        %select_n3A_1114 = arith.select %eq3A_1091, %broadcast_in_dim3A_1112, %broadcast_in_dim3A_1113 : vector<16xi1>, vector<16xf32>
        %reduce_sum3A_1115 = arith.constant true
        %reduce_sum3A_1116 = vector.broadcast %reduce_sum3A_1115 : i1 to vector<16xi1>
        %reduce_sum3A_1117 = tpu.scan <sum>, %select_n3A_1114 masked %reduce_sum3A_1116 : vector<16xf32>, vector<16xi1> -> vector<16xf32>
        %reduce_sum3A_1118 = vector.extract %reduce_sum3A_1117[15] : f32 from vector<16xf32>
        %add3A_1119 = arith.addf %add3A_1063, %reduce_sum3A_1118 : f32
        %jit3A_1120 = arith.constant 0.000000e+00 : f32
        %broadcast_in_dim3A_1121 = vector.broadcast %jit3A_1120 : f32 to vector<16xf32>
        %select_n3A_1122 = arith.select %eq3A_1091, %get3A_1087, %broadcast_in_dim3A_1121 : vector<16xi1>, vector<16xf32>
        %reduce_sum3A_1123 = arith.constant true
        %reduce_sum3A_1124 = vector.broadcast %reduce_sum3A_1123 : i1 to vector<16xi1>
        %reduce_sum3A_1125 = tpu.scan <sum>, %select_n3A_1122 masked %reduce_sum3A_1124 : vector<16xf32>, vector<16xi1> -> vector<16xf32>
        %reduce_sum3A_1126 = vector.extract %reduce_sum3A_1125[15] : f32 from vector<16xf32>
        %add3A_1127 = arith.addf %add3A_1071, %reduce_sum3A_1126 : f32
        %mul3A_1128 = arith.constant 8 : i32
        %mul3A_1129 = arith.muli %scan3A_901, %mul3A_1128 : i32
        %add3A_1130 = arith.constant 4 : i32
        %add3A_1131 = arith.addi %mul3A_1129, %add3A_1130 : i32
        %mul3A_1132 = arith.constant 16 : i32
        %mul3A_1133 = arith.muli %add3A_1131, %mul3A_1132 : i32
        %get3A_1134 = arith.index_cast %mul3A_1133 : i32 to index
        %get3A_1135 = tpu.vector_load %arg5[%get3A_1134] {strides = array<i32>} : memref<20096xi32, #tpu.memory_space<vmem>>, vector<16xi32>,
        %mul3A_1136 = arith.constant 8 : i32
        %mul3A_1137 = arith.muli %scan3A_901, %mul3A_1136 : i32
        %add3A_1138 = arith.constant 4 : i32
        %add3A_1139 = arith.addi %mul3A_1137, %add3A_1138 : i32
        %mul3A_1140 = arith.constant 16 : i32
        %mul3A_1141 = arith.muli %add3A_1139, %mul3A_1140 : i32
        %get3A_1142 = arith.index_cast %mul3A_1141 : i32 to index
        %get3A_1143 = tpu.vector_load %arg6[%get3A_1142] {strides = array<i32>} : memref<20096xf32, #tpu.memory_space<vmem>>, vector<16xf32>,
        %gt3A_1144 = vector.broadcast %add3A_841 : i32 to vector<16xi32>
        %gt3A_1145 = arith.cmpi sgt, %get3A_1135, %gt3A_1144 : vector<16xi32>
        %eq3A_1146 = vector.broadcast %add3A_841 : i32 to vector<16xi32>
        %eq3A_1147 = arith.cmpi eq, %get3A_1135, %eq3A_1146 : vector<16xi32>
        %jit3A_1148 = arith.constant 1.000000e+00 : f32
        %jit3A_1149 = arith.constant 0.000000e+00 : f32
        %broadcast_in_dim3A_1150 = vector.broadcast %jit3A_1148 : f32 to vector<16xf32>
        %broadcast_in_dim3A_1151 = vector.broadcast %jit3A_1149 : f32 to vector<16xf32>
        %select_n3A_1152 = arith.select %gt3A_1145, %broadcast_in_dim3A_1150, %broadcast_in_dim3A_1151 : vector<16xi1>, vector<16xf32>
        %reduce_sum3A_1153 = arith.constant true
        %reduce_sum3A_1154 = vector.broadcast %reduce_sum3A_1153 : i1 to vector<16xi1>
        %reduce_sum3A_1155 = tpu.scan <sum>, %select_n3A_1152 masked %reduce_sum3A_1154 : vector<16xf32>, vector<16xi1> -> vector<16xf32>
        %reduce_sum3A_1156 = vector.extract %reduce_sum3A_1155[15] : f32 from vector<16xf32>
        %add3A_1157 = arith.addf %add3A_1101, %reduce_sum3A_1156 : f32
        %jit3A_1158 = arith.constant 0.000000e+00 : f32
        %broadcast_in_dim3A_1159 = vector.broadcast %jit3A_1158 : f32 to vector<16xf32>
        %select_n3A_1160 = arith.select %gt3A_1145, %get3A_1143, %broadcast_in_dim3A_1159 : vector<16xi1>, vector<16xf32>
        %reduce_sum3A_1161 = arith.constant true
        %reduce_sum3A_1162 = vector.broadcast %reduce_sum3A_1161 : i1 to vector<16xi1>
        %reduce_sum3A_1163 = tpu.scan <sum>, %select_n3A_1160 masked %reduce_sum3A_1162 : vector<16xf32>, vector<16xi1> -> vector<16xf32>
        %reduce_sum3A_1164 = vector.extract %reduce_sum3A_1163[15] : f32 from vector<16xf32>
        %add3A_1165 = arith.addf %add3A_1109, %reduce_sum3A_1164 : f32
        %jit3A_1166 = arith.constant 1.000000e+00 : f32
        %jit3A_1167 = arith.constant 0.000000e+00 : f32
        %broadcast_in_dim3A_1168 = vector.broadcast %jit3A_1166 : f32 to vector<16xf32>
        %broadcast_in_dim3A_1169 = vector.broadcast %jit3A_1167 : f32 to vector<16xf32>
        %select_n3A_1170 = arith.select %eq3A_1147, %broadcast_in_dim3A_1168, %broadcast_in_dim3A_1169 : vector<16xi1>, vector<16xf32>
        %reduce_sum3A_1171 = arith.constant true
        %reduce_sum3A_1172 = vector.broadcast %reduce_sum3A_1171 : i1 to vector<16xi1>
        %reduce_sum3A_1173 = tpu.scan <sum>, %select_n3A_1170 masked %reduce_sum3A_1172 : vector<16xf32>, vector<16xi1> -> vector<16xf32>
        %reduce_sum3A_1174 = vector.extract %reduce_sum3A_1173[15] : f32 from vector<16xf32>
        %add3A_1175 = arith.addf %add3A_1119, %reduce_sum3A_1174 : f32
        %jit3A_1176 = arith.constant 0.000000e+00 : f32
        %broadcast_in_dim3A_1177 = vector.broadcast %jit3A_1176 : f32 to vector<16xf32>
        %select_n3A_1178 = arith.select %eq3A_1147, %get3A_1143, %broadcast_in_dim3A_1177 : vector<16xi1>, vector<16xf32>
        %reduce_sum3A_1179 = arith.constant true
        %reduce_sum3A_1180 = vector.broadcast %reduce_sum3A_1179 : i1 to vector<16xi1>
        %reduce_sum3A_1181 = tpu.scan <sum>, %select_n3A_1178 masked %reduce_sum3A_1180 : vector<16xf32>, vector<16xi1> -> vector<16xf32>
        %reduce_sum3A_1182 = vector.extract %reduce_sum3A_1181[15] : f32 from vector<16xf32>
        %add3A_1183 = arith.addf %add3A_1127, %reduce_sum3A_1182 : f32
        %mul3A_1184 = arith.constant 8 : i32
        %mul3A_1185 = arith.muli %scan3A_901, %mul3A_1184 : i32
        %add3A_1186 = arith.constant 5 : i32
        %add3A_1187 = arith.addi %mul3A_1185, %add3A_1186 : i32
        %mul3A_1188 = arith.constant 16 : i32
        %mul3A_1189 = arith.muli %add3A_1187, %mul3A_1188 : i32
        %get3A_1190 = arith.index_cast %mul3A_1189 : i32 to index
        %get3A_1191 = tpu.vector_load %arg5[%get3A_1190] {strides = array<i32>} : memref<20096xi32, #tpu.memory_space<vmem>>, vector<16xi32>,
        %mul3A_1192 = arith.constant 8 : i32
        %mul3A_1193 = arith.muli %scan3A_901, %mul3A_1192 : i32
        %add3A_1194 = arith.constant 5 : i32
        %add3A_1195 = arith.addi %mul3A_1193, %add3A_1194 : i32
        %mul3A_1196 = arith.constant 16 : i32
        %mul3A_1197 = arith.muli %add3A_1195, %mul3A_1196 : i32
        %get3A_1198 = arith.index_cast %mul3A_1197 : i32 to index
        %get3A_1199 = tpu.vector_load %arg6[%get3A_1198] {strides = array<i32>} : memref<20096xf32, #tpu.memory_space<vmem>>, vector<16xf32>,
        %gt3A_1200 = vector.broadcast %add3A_841 : i32 to vector<16xi32>
        %gt3A_1201 = arith.cmpi sgt, %get3A_1191, %gt3A_1200 : vector<16xi32>
        %eq3A_1202 = vector.broadcast %add3A_841 : i32 to vector<16xi32>
        %eq3A_1203 = arith.cmpi eq, %get3A_1191, %eq3A_1202 : vector<16xi32>
        %jit3A_1204 = arith.constant 1.000000e+00 : f32
        %jit3A_1205 = arith.constant 0.000000e+00 : f32
        %broadcast_in_dim3A_1206 = vector.broadcast %jit3A_1204 : f32 to vector<16xf32>
        %broadcast_in_dim3A_1207 = vector.broadcast %jit3A_1205 : f32 to vector<16xf32>
        %select_n3A_1208 = arith.select %gt3A_1201, %broadcast_in_dim3A_1206, %broadcast_in_dim3A_1207 : vector<16xi1>, vector<16xf32>
        %reduce_sum3A_1209 = arith.constant true
        %reduce_sum3A_1210 = vector.broadcast %reduce_sum3A_1209 : i1 to vector<16xi1>
        %reduce_sum3A_1211 = tpu.scan <sum>, %select_n3A_1208 masked %reduce_sum3A_1210 : vector<16xf32>, vector<16xi1> -> vector<16xf32>
        %reduce_sum3A_1212 = vector.extract %reduce_sum3A_1211[15] : f32 from vector<16xf32>
        %add3A_1213 = arith.addf %add3A_1157, %reduce_sum3A_1212 : f32
        %jit3A_1214 = arith.constant 0.000000e+00 : f32
        %broadcast_in_dim3A_1215 = vector.broadcast %jit3A_1214 : f32 to vector<16xf32>
        %select_n3A_1216 = arith.select %gt3A_1201, %get3A_1199, %broadcast_in_dim3A_1215 : vector<16xi1>, vector<16xf32>
        %reduce_sum3A_1217 = arith.constant true
        %reduce_sum3A_1218 = vector.broadcast %reduce_sum3A_1217 : i1 to vector<16xi1>
        %reduce_sum3A_1219 = tpu.scan <sum>, %select_n3A_1216 masked %reduce_sum3A_1218 : vector<16xf32>, vector<16xi1> -> vector<16xf32>
        %reduce_sum3A_1220 = vector.extract %reduce_sum3A_1219[15] : f32 from vector<16xf32>
        %add3A_1221 = arith.addf %add3A_1165, %reduce_sum3A_1220 : f32
        %jit3A_1222 = arith.constant 1.000000e+00 : f32
        %jit3A_1223 = arith.constant 0.000000e+00 : f32
        %broadcast_in_dim3A_1224 = vector.broadcast %jit3A_1222 : f32 to vector<16xf32>
        %broadcast_in_dim3A_1225 = vector.broadcast %jit3A_1223 : f32 to vector<16xf32>
        %select_n3A_1226 = arith.select %eq3A_1203, %broadcast_in_dim3A_1224, %broadcast_in_dim3A_1225 : vector<16xi1>, vector<16xf32>
        %reduce_sum3A_1227 = arith.constant true
        %reduce_sum3A_1228 = vector.broadcast %reduce_sum3A_1227 : i1 to vector<16xi1>
        %reduce_sum3A_1229 = tpu.scan <sum>, %select_n3A_1226 masked %reduce_sum3A_1228 : vector<16xf32>, vector<16xi1> -> vector<16xf32>
        %reduce_sum3A_1230 = vector.extract %reduce_sum3A_1229[15] : f32 from vector<16xf32>
        %add3A_1231 = arith.addf %add3A_1175, %reduce_sum3A_1230 : f32
        %jit3A_1232 = arith.constant 0.000000e+00 : f32
        %broadcast_in_dim3A_1233 = vector.broadcast %jit3A_1232 : f32 to vector<16xf32>
        %select_n3A_1234 = arith.select %eq3A_1203, %get3A_1199, %broadcast_in_dim3A_1233 : vector<16xi1>, vector<16xf32>
        %reduce_sum3A_1235 = arith.constant true
        %reduce_sum3A_1236 = vector.broadcast %reduce_sum3A_1235 : i1 to vector<16xi1>
        %reduce_sum3A_1237 = tpu.scan <sum>, %select_n3A_1234 masked %reduce_sum3A_1236 : vector<16xf32>, vector<16xi1> -> vector<16xf32>
        %reduce_sum3A_1238 = vector.extract %reduce_sum3A_1237[15] : f32 from vector<16xf32>
        %add3A_1239 = arith.addf %add3A_1183, %reduce_sum3A_1238 : f32
        %mul3A_1240 = arith.constant 8 : i32
        %mul3A_1241 = arith.muli %scan3A_901, %mul3A_1240 : i32
        %add3A_1242 = arith.constant 6 : i32
        %add3A_1243 = arith.addi %mul3A_1241, %add3A_1242 : i32
        %mul3A_1244 = arith.constant 16 : i32
        %mul3A_1245 = arith.muli %add3A_1243, %mul3A_1244 : i32
        %get3A_1246 = arith.index_cast %mul3A_1245 : i32 to index
        %get3A_1247 = tpu.vector_load %arg5[%get3A_1246] {strides = array<i32>} : memref<20096xi32, #tpu.memory_space<vmem>>, vector<16xi32>,
        %mul3A_1248 = arith.constant 8 : i32
        %mul3A_1249 = arith.muli %scan3A_901, %mul3A_1248 : i32
        %add3A_1250 = arith.constant 6 : i32
        %add3A_1251 = arith.addi %mul3A_1249, %add3A_1250 : i32
        %mul3A_1252 = arith.constant 16 : i32
        %mul3A_1253 = arith.muli %add3A_1251, %mul3A_1252 : i32
        %get3A_1254 = arith.index_cast %mul3A_1253 : i32 to index
        %get3A_1255 = tpu.vector_load %arg6[%get3A_1254] {strides = array<i32>} : memref<20096xf32, #tpu.memory_space<vmem>>, vector<16xf32>,
        %gt3A_1256 = vector.broadcast %add3A_841 : i32 to vector<16xi32>
        %gt3A_1257 = arith.cmpi sgt, %get3A_1247, %gt3A_1256 : vector<16xi32>
        %eq3A_1258 = vector.broadcast %add3A_841 : i32 to vector<16xi32>
        %eq3A_1259 = arith.cmpi eq, %get3A_1247, %eq3A_1258 : vector<16xi32>
        %jit3A_1260 = arith.constant 1.000000e+00 : f32
        %jit3A_1261 = arith.constant 0.000000e+00 : f32
        %broadcast_in_dim3A_1262 = vector.broadcast %jit3A_1260 : f32 to vector<16xf32>
        %broadcast_in_dim3A_1263 = vector.broadcast %jit3A_1261 : f32 to vector<16xf32>
        %select_n3A_1264 = arith.select %gt3A_1257, %broadcast_in_dim3A_1262, %broadcast_in_dim3A_1263 : vector<16xi1>, vector<16xf32>
        %reduce_sum3A_1265 = arith.constant true
        %reduce_sum3A_1266 = vector.broadcast %reduce_sum3A_1265 : i1 to vector<16xi1>
        %reduce_sum3A_1267 = tpu.scan <sum>, %select_n3A_1264 masked %reduce_sum3A_1266 : vector<16xf32>, vector<16xi1> -> vector<16xf32>
        %reduce_sum3A_1268 = vector.extract %reduce_sum3A_1267[15] : f32 from vector<16xf32>
        %add3A_1269 = arith.addf %add3A_1213, %reduce_sum3A_1268 : f32
        %jit3A_1270 = arith.constant 0.000000e+00 : f32
        %broadcast_in_dim3A_1271 = vector.broadcast %jit3A_1270 : f32 to vector<16xf32>
        %select_n3A_1272 = arith.select %gt3A_1257, %get3A_1255, %broadcast_in_dim3A_1271 : vector<16xi1>, vector<16xf32>
        %reduce_sum3A_1273 = arith.constant true
        %reduce_sum3A_1274 = vector.broadcast %reduce_sum3A_1273 : i1 to vector<16xi1>
        %reduce_sum3A_1275 = tpu.scan <sum>, %select_n3A_1272 masked %reduce_sum3A_1274 : vector<16xf32>, vector<16xi1> -> vector<16xf32>
        %reduce_sum3A_1276 = vector.extract %reduce_sum3A_1275[15] : f32 from vector<16xf32>
        %add3A_1277 = arith.addf %add3A_1221, %reduce_sum3A_1276 : f32
        %jit3A_1278 = arith.constant 1.000000e+00 : f32
        %jit3A_1279 = arith.constant 0.000000e+00 : f32
        %broadcast_in_dim3A_1280 = vector.broadcast %jit3A_1278 : f32 to vector<16xf32>
        %broadcast_in_dim3A_1281 = vector.broadcast %jit3A_1279 : f32 to vector<16xf32>
        %select_n3A_1282 = arith.select %eq3A_1259, %broadcast_in_dim3A_1280, %broadcast_in_dim3A_1281 : vector<16xi1>, vector<16xf32>
        %reduce_sum3A_1283 = arith.constant true
        %reduce_sum3A_1284 = vector.broadcast %reduce_sum3A_1283 : i1 to vector<16xi1>
        %reduce_sum3A_1285 = tpu.scan <sum>, %select_n3A_1282 masked %reduce_sum3A_1284 : vector<16xf32>, vector<16xi1> -> vector<16xf32>
        %reduce_sum3A_1286 = vector.extract %reduce_sum3A_1285[15] : f32 from vector<16xf32>
        %add3A_1287 = arith.addf %add3A_1231, %reduce_sum3A_1286 : f32
        %jit3A_1288 = arith.constant 0.000000e+00 : f32
        %broadcast_in_dim3A_1289 = vector.broadcast %jit3A_1288 : f32 to vector<16xf32>
        %select_n3A_1290 = arith.select %eq3A_1259, %get3A_1255, %broadcast_in_dim3A_1289 : vector<16xi1>, vector<16xf32>
        %reduce_sum3A_1291 = arith.constant true
        %reduce_sum3A_1292 = vector.broadcast %reduce_sum3A_1291 : i1 to vector<16xi1>
        %reduce_sum3A_1293 = tpu.scan <sum>, %select_n3A_1290 masked %reduce_sum3A_1292 : vector<16xf32>, vector<16xi1> -> vector<16xf32>
        %reduce_sum3A_1294 = vector.extract %reduce_sum3A_1293[15] : f32 from vector<16xf32>
        %add3A_1295 = arith.addf %add3A_1239, %reduce_sum3A_1294 : f32
        %mul3A_1296 = arith.constant 8 : i32
        %mul3A_1297 = arith.muli %scan3A_901, %mul3A_1296 : i32
        %add3A_1298 = arith.constant 7 : i32
        %add3A_1299 = arith.addi %mul3A_1297, %add3A_1298 : i32
        %mul3A_1300 = arith.constant 16 : i32
        %mul3A_1301 = arith.muli %add3A_1299, %mul3A_1300 : i32
        %get3A_1302 = arith.index_cast %mul3A_1301 : i32 to index
        %get3A_1303 = tpu.vector_load %arg5[%get3A_1302] {strides = array<i32>} : memref<20096xi32, #tpu.memory_space<vmem>>, vector<16xi32>,
        %mul3A_1304 = arith.constant 8 : i32
        %mul3A_1305 = arith.muli %scan3A_901, %mul3A_1304 : i32
        %add3A_1306 = arith.constant 7 : i32
        %add3A_1307 = arith.addi %mul3A_1305, %add3A_1306 : i32
        %mul3A_1308 = arith.constant 16 : i32
        %mul3A_1309 = arith.muli %add3A_1307, %mul3A_1308 : i32
        %get3A_1310 = arith.index_cast %mul3A_1309 : i32 to index
        %get3A_1311 = tpu.vector_load %arg6[%get3A_1310] {strides = array<i32>} : memref<20096xf32, #tpu.memory_space<vmem>>, vector<16xf32>,
        %gt3A_1312 = vector.broadcast %add3A_841 : i32 to vector<16xi32>
        %gt3A_1313 = arith.cmpi sgt, %get3A_1303, %gt3A_1312 : vector<16xi32>
        %eq3A_1314 = vector.broadcast %add3A_841 : i32 to vector<16xi32>
        %eq3A_1315 = arith.cmpi eq, %get3A_1303, %eq3A_1314 : vector<16xi32>
        %jit3A_1316 = arith.constant 1.000000e+00 : f32
        %jit3A_1317 = arith.constant 0.000000e+00 : f32
        %broadcast_in_dim3A_1318 = vector.broadcast %jit3A_1316 : f32 to vector<16xf32>
        %broadcast_in_dim3A_1319 = vector.broadcast %jit3A_1317 : f32 to vector<16xf32>
        %select_n3A_1320 = arith.select %gt3A_1313, %broadcast_in_dim3A_1318, %broadcast_in_dim3A_1319 : vector<16xi1>, vector<16xf32>
        %reduce_sum3A_1321 = arith.constant true
        %reduce_sum3A_1322 = vector.broadcast %reduce_sum3A_1321 : i1 to vector<16xi1>
        %reduce_sum3A_1323 = tpu.scan <sum>, %select_n3A_1320 masked %reduce_sum3A_1322 : vector<16xf32>, vector<16xi1> -> vector<16xf32>
        %reduce_sum3A_1324 = vector.extract %reduce_sum3A_1323[15] : f32 from vector<16xf32>
        %add3A_1325 = arith.addf %add3A_1269, %reduce_sum3A_1324 : f32
        %jit3A_1326 = arith.constant 0.000000e+00 : f32
        %broadcast_in_dim3A_1327 = vector.broadcast %jit3A_1326 : f32 to vector<16xf32>
        %select_n3A_1328 = arith.select %gt3A_1313, %get3A_1311, %broadcast_in_dim3A_1327 : vector<16xi1>, vector<16xf32>
        %reduce_sum3A_1329 = arith.constant true
        %reduce_sum3A_1330 = vector.broadcast %reduce_sum3A_1329 : i1 to vector<16xi1>
        %reduce_sum3A_1331 = tpu.scan <sum>, %select_n3A_1328 masked %reduce_sum3A_1330 : vector<16xf32>, vector<16xi1> -> vector<16xf32>
        %reduce_sum3A_1332 = vector.extract %reduce_sum3A_1331[15] : f32 from vector<16xf32>
        %add3A_1333 = arith.addf %add3A_1277, %reduce_sum3A_1332 : f32
        %jit3A_1334 = arith.constant 1.000000e+00 : f32
        %jit3A_1335 = arith.constant 0.000000e+00 : f32
        %broadcast_in_dim3A_1336 = vector.broadcast %jit3A_1334 : f32 to vector<16xf32>
        %broadcast_in_dim3A_1337 = vector.broadcast %jit3A_1335 : f32 to vector<16xf32>
        %select_n3A_1338 = arith.select %eq3A_1315, %broadcast_in_dim3A_1336, %broadcast_in_dim3A_1337 : vector<16xi1>, vector<16xf32>
        %reduce_sum3A_1339 = arith.constant true
        %reduce_sum3A_1340 = vector.broadcast %reduce_sum3A_1339 : i1 to vector<16xi1>
        %reduce_sum3A_1341 = tpu.scan <sum>, %select_n3A_1338 masked %reduce_sum3A_1340 : vector<16xf32>, vector<16xi1> -> vector<16xf32>
        %reduce_sum3A_1342 = vector.extract %reduce_sum3A_1341[15] : f32 from vector<16xf32>
        %add3A_1343 = arith.addf %add3A_1287, %reduce_sum3A_1342 : f32
        %jit3A_1344 = arith.constant 0.000000e+00 : f32
        %broadcast_in_dim3A_1345 = vector.broadcast %jit3A_1344 : f32 to vector<16xf32>
        %select_n3A_1346 = arith.select %eq3A_1315, %get3A_1311, %broadcast_in_dim3A_1345 : vector<16xi1>, vector<16xf32>
        %reduce_sum3A_1347 = arith.constant true
        %reduce_sum3A_1348 = vector.broadcast %reduce_sum3A_1347 : i1 to vector<16xi1>
        %reduce_sum3A_1349 = tpu.scan <sum>, %select_n3A_1346 masked %reduce_sum3A_1348 : vector<16xf32>, vector<16xi1> -> vector<16xf32>
        %reduce_sum3A_1350 = vector.extract %reduce_sum3A_1349[15] : f32 from vector<16xf32>
        %add3A_1351 = arith.addf %add3A_1295, %reduce_sum3A_1350 : f32
        scf.yield %add3A_1325, %add3A_1333, %add3A_1343, %add3A_1351 : f32, f32, f32, f32
      }
      %scan3A_852 = arith.constant 157 : i32
      %iota3A = tpu.iota {dimensions = array<i32: 0>} : vector<16xi32>
      %eq3A = arith.constant 0 : i32
      %eq3A_853 = vector.broadcast %eq3A : i32 to vector<16xi32>
      %eq3A_854 = arith.cmpi eq, %iota3A, %eq3A_853 : vector<16xi32>
      %jit3A_855 = arith.constant 0.000000e+00 : f32
      %broadcast_in_dim3A_856 = vector.broadcast %scan3A_851#1 : f32 to vector<16xf32>
      %broadcast_in_dim3A_857 = vector.broadcast %jit3A_855 : f32 to vector<16xf32>
      %select_n3A_858 = arith.select %eq3A_854, %broadcast_in_dim3A_856, %broadcast_in_dim3A_857 : vector<16xi1>, vector<16xf32>
      %eq3A_859 = arith.constant 1 : i32
      %eq3A_860 = vector.broadcast %eq3A_859 : i32 to vector<16xi32>
      %eq3A_861 = arith.cmpi eq, %iota3A, %eq3A_860 : vector<16xi32>
      %jit3A_862 = arith.constant 0.000000e+00 : f32
      %broadcast_in_dim3A_863 = vector.broadcast %sub3A_267 : f32 to vector<16xf32>
      %broadcast_in_dim3A_864 = vector.broadcast %jit3A_862 : f32 to vector<16xf32>
      %select_n3A_865 = arith.select %eq3A_861, %broadcast_in_dim3A_863, %broadcast_in_dim3A_864 : vector<16xi1>, vector<16xf32>
      %add3A_866 = arith.addf %select_n3A_858, %select_n3A_865 : vector<16xf32>
      %eq3A_867 = arith.constant 2 : i32
      %eq3A_868 = vector.broadcast %eq3A_867 : i32 to vector<16xi32>
      %eq3A_869 = arith.cmpi eq, %iota3A, %eq3A_868 : vector<16xi32>
      %jit3A_870 = arith.constant 0.000000e+00 : f32
      %broadcast_in_dim3A_871 = vector.broadcast %scan3A_851#0 : f32 to vector<16xf32>
      %broadcast_in_dim3A_872 = vector.broadcast %jit3A_870 : f32 to vector<16xf32>
      %select_n3A_873 = arith.select %eq3A_869, %broadcast_in_dim3A_871, %broadcast_in_dim3A_872 : vector<16xi1>, vector<16xf32>
      %add3A_874 = arith.addf %add3A_866, %select_n3A_873 : vector<16xf32>
      %eq3A_875 = arith.constant 3 : i32
      %eq3A_876 = vector.broadcast %eq3A_875 : i32 to vector<16xi32>
      %eq3A_877 = arith.cmpi eq, %iota3A, %eq3A_876 : vector<16xi32>
      %jit3A_878 = arith.constant 0.000000e+00 : f32
      %broadcast_in_dim3A_879 = vector.broadcast %scan3A_851#2 : f32 to vector<16xf32>
      %broadcast_in_dim3A_880 = vector.broadcast %jit3A_878 : f32 to vector<16xf32>
      %select_n3A_881 = arith.select %eq3A_877, %broadcast_in_dim3A_879, %broadcast_in_dim3A_880 : vector<16xi1>, vector<16xf32>
      %add3A_882 = arith.addf %add3A_874, %select_n3A_881 : vector<16xf32>
      %eq3A_883 = arith.constant 4 : i32
      %eq3A_884 = vector.broadcast %eq3A_883 : i32 to vector<16xi32>
      %eq3A_885 = arith.cmpi eq, %iota3A, %eq3A_884 : vector<16xi32>
      %jit3A_886 = arith.constant 0.000000e+00 : f32
      %broadcast_in_dim3A_887 = vector.broadcast %scan3A_851#3 : f32 to vector<16xf32>
      %broadcast_in_dim3A_888 = vector.broadcast %jit3A_886 : f32 to vector<16xf32>
      %select_n3A_889 = arith.select %eq3A_885, %broadcast_in_dim3A_887, %broadcast_in_dim3A_888 : vector<16xi1>, vector<16xf32>
      %add3A_890 = arith.addf %add3A_882, %select_n3A_889 : vector<16xf32>
      %eq3A_891 = arith.constant 5 : i32
      %eq3A_892 = vector.broadcast %eq3A_891 : i32 to vector<16xi32>
      %eq3A_893 = arith.cmpi eq, %iota3A, %eq3A_892 : vector<16xi32>
      %jit3A_894 = arith.constant 0.000000e+00 : f32
      %broadcast_in_dim3A_895 = vector.broadcast %min3A : f32 to vector<16xf32>
      %broadcast_in_dim3A_896 = vector.broadcast %jit3A_894 : f32 to vector<16xf32>
      %select_n3A_897 = arith.select %eq3A_893, %broadcast_in_dim3A_895, %broadcast_in_dim3A_896 : vector<16xi1>, vector<16xf32>
      %add3A_898 = arith.addf %add3A_890, %select_n3A_897 : vector<16xf32>
      %swap3A_899 = arith.constant 0 : index
      %swap3A_900 = tpu.vector_load %arg8[%swap3A_899] {strides = array<i32>} : memref<16xf32, #tpu.memory_space<vmem>>, vector<16xf32>,
      tpu.vector_store %arg8[%swap3A_899], %add3A_898 {strides = array<i32>} : memref<16xf32, #tpu.memory_space<vmem>>, vector<16xf32>,
      "tpu.region"() ({
        %run_scoped3A = tpu.sem_alloc : memref<!tpu.dma_semaphore, #tpu.memory_space<semaphore_mem>>
        %dma_start3A = arith.constant 0 : i32
        %dma_start3A_901 = tpu.memref_slice %arg4[%add3A, %dma_start3A] : memref<16x16xf32, #tpu.memory_space<hbm>> -> memref<1x16xf32, #tpu.memory_space<hbm>>
        %dma_start3A_902 = tpu.memref_squeeze %dma_start3A_901 : memref<1x16xf32, #tpu.memory_space<hbm>> -> memref<16xf32, #tpu.memory_space<hbm>>
        %dma_start3A_903 = arith.constant 0 : i32
        %dma_start3A_904 = tpu.memref_slice %arg4[%add3A, %dma_start3A_903] : memref<16x16xf32, #tpu.memory_space<hbm>> -> memref<1x16xf32, #tpu.memory_space<hbm>>
        %dma_start3A_905 = tpu.memref_squeeze %dma_start3A_904 : memref<1x16xf32, #tpu.memory_space<hbm>> -> memref<16xf32, #tpu.memory_space<hbm>>
        tpu.enqueue_dma source(%arg8 : memref<16xf32, #tpu.memory_space<vmem>>) target(%dma_start3A_905 : memref<16xf32, #tpu.memory_space<hbm>>) target_semaphore(%run_scoped3A : memref<!tpu.dma_semaphore, #tpu.memory_space<semaphore_mem>>)
        %dma_wait3A = arith.constant 0 : i32
        %dma_wait3A_906 = tpu.memref_slice %arg4[%add3A, %dma_wait3A] : memref<16x16xf32, #tpu.memory_space<hbm>> -> memref<1x16xf32, #tpu.memory_space<hbm>>
        %dma_wait3A_907 = tpu.memref_squeeze %dma_wait3A_906 : memref<1x16xf32, #tpu.memory_space<hbm>> -> memref<16xf32, #tpu.memory_space<hbm>>
        %dma_wait3A_908 = arith.constant 0 : i32
        %dma_wait3A_909 = tpu.memref_slice %arg4[%add3A, %dma_wait3A_908] : memref<16x16xf32, #tpu.memory_space<hbm>> -> memref<1x16xf32, #tpu.memory_space<hbm>>
        %dma_wait3A_910 = tpu.memref_squeeze %dma_wait3A_909 : memref<1x16xf32, #tpu.memory_space<hbm>> -> memref<16xf32, #tpu.memory_space<hbm>>
        tpu.wait_dma2 semaphore(%run_scoped3A : memref<!tpu.dma_semaphore, #tpu.memory_space<semaphore_mem>>) src(%arg8 : memref<16xf32, #tpu.memory_space<vmem>>) dst(%dma_wait3A_910 : memref<16xf32, #tpu.memory_space<hbm>>)
        tpu.yield
      }) : () -> ()
    } else {
    }
    return
  }
}

module attributes {stable_mosaic.version = 14 : i64} {
  func.func @_phase1_body(%arg0: i32, %arg1: i32, %arg2: memref<1x4000x81xf32, #tpu.memory_space<vmem>>, %arg3: memref<1x5x4x4000xf32, #tpu.memory_space<vmem>>, %arg4: memref<5x4x4000xf32, #tpu.memory_space<vmem>>, %arg5: memref<1x32x4xf32, #tpu.memory_space<vmem>>, %arg6: memref<1x32x81xf32, #tpu.memory_space<vmem>>, %arg7: memref<1x1x1x4000xi32, #tpu.memory_space<vmem>>, %arg8: memref<1x1x1x4000xf32, #tpu.memory_space<vmem>>, %arg9: memref<1x1x128xf32, #tpu.memory_space<vmem>>) attributes {dimension_semantics = [#tpu.dimension_semantics<arbitrary>, #tpu.dimension_semantics<arbitrary>], iteration_bounds = array<i64: 16, 5>, scalar_prefetch = 0 : i64, scratch_operands = 0 : i64, tpu.core_type = #tpu.core_type<tc>, window_params = [{transform_indices = @transform_0, window_bounds = array<i64: 1, 4000, 81>}, {transform_indices = @transform_1, window_bounds = array<i64: 1, 5, 4, 4000>}, {pipeline_mode = #tpu.pipeline_mode<synchronous>, transform_indices = @transform_2, window_bounds = array<i64: 5, 4, 4000>}, {transform_indices = @transform_3, window_bounds = array<i64: 1, 32, 4>}, {transform_indices = @transform_4, window_bounds = array<i64: 1, 32, 81>}, {transform_indices = @transform_5, window_bounds = array<i64: 1, 1, 1, 4000>}, {transform_indices = @transform_6, window_bounds = array<i64: 1, 1, 1, 4000>}, {transform_indices = @transform_7, window_bounds = array<i64: 1, 1, 128>}]} {
    %get3A = arith.constant 0 : index
    %get3A_0 = arith.constant 0 : index
    %get3A_1 = arith.constant 0 : index
    %get3A_2 = vector.load %arg2[%get3A, %get3A_0, %get3A_1] : memref<1x4000x81xf32, #tpu.memory_space<vmem>>, vector<1x4000x81xf32>
    %get3A_3 = vector.shape_cast %get3A_2 : vector<1x4000x81xf32> to vector<4000x81xf32>
    %reduce_max3A = arith.constant dense<0xFF800000> : vector<4000xf32>
    %reduce_max3A_4 = vector.multi_reduction <maximumf>, %get3A_3, %reduce_max3A [1] : vector<4000x81xf32> to vector<4000xf32>
    %broadcast_in_dim3A = vector.shape_cast %reduce_max3A_4 : vector<4000xf32> to vector<1x4000xf32>
    %get3A_5 = arith.constant 0 : index
    %get3A_6 = arith.constant 0 : index
    %get3A_7 = arith.constant 0 : index
    %get3A_8 = vector.load %arg6[%get3A_5, %get3A_6, %get3A_7] : memref<1x32x81xf32, #tpu.memory_space<vmem>>, vector<1x32x81xf32>
    %get3A_9 = vector.shape_cast %get3A_8 : vector<1x32x81xf32> to vector<32x81xf32>
    %dot_general3A = arith.constant dense<0.000000e+00> : vector<32x4000xf32>
    %dot_general3A_10 = tpu.matmul %get3A_9, %get3A_3, %dot_general3A {dimension_numbers = #tpu.dot_dimension_numbers<[1], [1], [0], [0], [0, 0, 1, 0], [], []>, transpose_lhs_hint = false} : vector<32x81xf32>, vector<4000x81xf32>, vector<32x4000xf32> -> vector<32x4000xf32>
    %get3A_11 = arith.constant 0 : index
    %get3A_12 = arith.constant 0 : index
    %get3A_13 = arith.constant 0 : index
    %get3A_14 = vector.load %arg5[%get3A_11, %get3A_12, %get3A_13] : memref<1x32x4xf32, #tpu.memory_space<vmem>>, vector<1x32x4xf32>
    %get3A_15 = vector.shape_cast %get3A_14 : vector<1x32x4xf32> to vector<32x4xf32>
    %slice3A = vector.extract_strided_slice %get3A_15 {offsets = [0, 0], sizes = [32, 1], strides = [1, 1]} : vector<32x4xf32> to vector<32x1xf32>
    %slice3A_16 = vector.extract_strided_slice %get3A_15 {offsets = [0, 1], sizes = [32, 1], strides = [1, 1]} : vector<32x4xf32> to vector<32x1xf32>
    %slice3A_17 = vector.extract_strided_slice %get3A_15 {offsets = [0, 2], sizes = [32, 1], strides = [1, 1]} : vector<32x4xf32> to vector<32x1xf32>
    %slice3A_18 = vector.extract_strided_slice %get3A_15 {offsets = [0, 3], sizes = [32, 1], strides = [1, 1]} : vector<32x4xf32> to vector<32x1xf32>
    %get3A_19 = arith.index_cast %arg1 : i32 to index
    %get3A_20 = arith.constant 0 : index
    %get3A_21 = arith.constant 0 : index
    %get3A_22 = vector.load %arg4[%get3A_19, %get3A_20, %get3A_21] : memref<5x4x4000xf32, #tpu.memory_space<vmem>>, vector<1x4x4000xf32>
    %get3A_23 = vector.shape_cast %get3A_22 : vector<1x4x4000xf32> to vector<4x4000xf32>
    %slice3A_24 = vector.extract_strided_slice %get3A_23 {offsets = [0, 0], sizes = [1, 4000], strides = [1, 1]} : vector<4x4000xf32> to vector<1x4000xf32>
    %slice3A_25 = vector.extract_strided_slice %get3A_23 {offsets = [1, 0], sizes = [1, 4000], strides = [1, 1]} : vector<4x4000xf32> to vector<1x4000xf32>
    %slice3A_26 = vector.extract_strided_slice %get3A_23 {offsets = [2, 0], sizes = [1, 4000], strides = [1, 1]} : vector<4x4000xf32> to vector<1x4000xf32>
    %slice3A_27 = vector.extract_strided_slice %get3A_23 {offsets = [3, 0], sizes = [1, 4000], strides = [1, 1]} : vector<4x4000xf32> to vector<1x4000xf32>
    %sub3A = arith.subf %slice3A_26, %slice3A_24 : vector<1x4000xf32>
    %sub3A_28 = arith.subf %slice3A_27, %slice3A_25 : vector<1x4000xf32>
    %mul3A = arith.mulf %sub3A, %sub3A_28 : vector<1x4000xf32>
    %sub3A_29 = arith.subf %slice3A_17, %slice3A : vector<32x1xf32>
    %sub3A_30 = arith.subf %slice3A_18, %slice3A_16 : vector<32x1xf32>
    %mul3A_31 = arith.mulf %sub3A_29, %sub3A_30 : vector<32x1xf32>
    %min3A = vector.broadcast %slice3A_26 : vector<1x4000xf32> to vector<32x4000xf32>
    %min3A_32 = vector.broadcast %slice3A_17 : vector<32x1xf32> to vector<32x4000xf32>
    %min3A_33 = arith.minimumf %min3A, %min3A_32 : vector<32x4000xf32>
    %max3A = vector.broadcast %slice3A_24 : vector<1x4000xf32> to vector<32x4000xf32>
    %max3A_34 = vector.broadcast %slice3A : vector<32x1xf32> to vector<32x4000xf32>
    %max3A_35 = arith.maximumf %max3A, %max3A_34 : vector<32x4000xf32>
    %sub3A_36 = arith.subf %min3A_33, %max3A_35 : vector<32x4000xf32>
    %jit3A = arith.constant 0.000000e+00 : f32
    %max3A_37 = vector.broadcast %jit3A : f32 to vector<32x4000xf32>
    %max3A_38 = arith.maximumf %max3A_37, %sub3A_36 : vector<32x4000xf32>
    %min3A_39 = vector.broadcast %slice3A_27 : vector<1x4000xf32> to vector<32x4000xf32>
    %min3A_40 = vector.broadcast %slice3A_18 : vector<32x1xf32> to vector<32x4000xf32>
    %min3A_41 = arith.minimumf %min3A_39, %min3A_40 : vector<32x4000xf32>
    %max3A_42 = vector.broadcast %slice3A_25 : vector<1x4000xf32> to vector<32x4000xf32>
    %max3A_43 = vector.broadcast %slice3A_16 : vector<32x1xf32> to vector<32x4000xf32>
    %max3A_44 = arith.maximumf %max3A_42, %max3A_43 : vector<32x4000xf32>
    %sub3A_45 = arith.subf %min3A_41, %max3A_44 : vector<32x4000xf32>
    %jit3A_46 = arith.constant 0.000000e+00 : f32
    %max3A_47 = vector.broadcast %jit3A_46 : f32 to vector<32x4000xf32>
    %max3A_48 = arith.maximumf %max3A_47, %sub3A_45 : vector<32x4000xf32>
    %mul3A_49 = arith.mulf %max3A_38, %max3A_48 : vector<32x4000xf32>
    %add3A = vector.broadcast %mul3A : vector<1x4000xf32> to vector<32x4000xf32>
    %add3A_50 = vector.broadcast %mul3A_31 : vector<32x1xf32> to vector<32x4000xf32>
    %add3A_51 = arith.addf %add3A, %add3A_50 : vector<32x4000xf32>
    %sub3A_52 = arith.subf %add3A_51, %mul3A_49 : vector<32x4000xf32>
    %add3A_53 = arith.constant 9.99999971E-10 : f32
    %add3A_54 = vector.broadcast %add3A_53 : f32 to vector<32x4000xf32>
    %add3A_55 = arith.addf %sub3A_52, %add3A_54 : vector<32x4000xf32>
    %mul3A_56 = arith.constant 5.000000e-01 : f32
    %mul3A_57 = vector.broadcast %mul3A_56 : f32 to vector<32x4000xf32>
    %mul3A_58 = arith.mulf %mul3A_57, %add3A_55 : vector<32x4000xf32>
    %ge3A = arith.cmpf oge, %mul3A_49, %mul3A_58 : vector<32x4000xf32>
    %gt3A = arith.constant 0.000000e+00 : f32
    %gt3A_59 = vector.broadcast %gt3A : f32 to vector<32x4000xf32>
    %gt3A_60 = arith.cmpf ogt, %add3A_55, %gt3A_59 : vector<32x4000xf32>
    %and3A = arith.andi %ge3A, %gt3A_60 : vector<32x4000xi1>
    %reduce_or3A = arith.constant 1.000000e+00 : f32
    %reduce_or3A_61 = arith.constant 0.000000e+00 : f32
    %reduce_or3A_62 = vector.broadcast %reduce_or3A : f32 to vector<32x4000xf32>
    %reduce_or3A_63 = vector.broadcast %reduce_or3A_61 : f32 to vector<32x4000xf32>
    %reduce_or3A_64 = arith.select %and3A, %reduce_or3A_62, %reduce_or3A_63 : vector<32x4000xi1>, vector<32x4000xf32>
    %reduce_or3A_65 = arith.constant dense<0xFF800000> : vector<4000xf32>
    %reduce_or3A_66 = vector.multi_reduction <maximumf>, %reduce_or3A_64, %reduce_or3A_65 [0] : vector<32x4000xf32> to vector<4000xf32>
    %reduce_or3A_67 = arith.constant 0.000000e+00 : f32
    %reduce_or3A_68 = vector.broadcast %reduce_or3A_67 : f32 to vector<4000xf32>
    %reduce_or3A_69 = arith.cmpf ogt, %reduce_or3A_66, %reduce_or3A_68 : vector<4000xf32>
    %broadcast_in_dim3A_70 = vector.shape_cast %reduce_or3A_69 : vector<4000xi1> to vector<1x4000xi1>
    %get3A_71 = arith.constant 0 : index
    %get3A_72 = arith.index_cast %arg1 : i32 to index
    %get3A_73 = arith.constant 0 : index
    %get3A_74 = arith.constant 0 : index
    %get3A_75 = vector.load %arg3[%get3A_71, %get3A_72, %get3A_73, %get3A_74] : memref<1x5x4x4000xf32, #tpu.memory_space<vmem>>, vector<1x1x4x4000xf32>
    %get3A_76 = vector.shape_cast %get3A_75 : vector<1x1x4x4000xf32> to vector<4x4000xf32>
    %slice3A_77 = vector.extract_strided_slice %get3A_76 {offsets = [0, 0], sizes = [1, 4000], strides = [1, 1]} : vector<4x4000xf32> to vector<1x4000xf32>
    %slice3A_78 = vector.extract_strided_slice %get3A_15 {offsets = [0, 0], sizes = [32, 1], strides = [1, 1]} : vector<32x4xf32> to vector<32x1xf32>
    %sub3A_79 = vector.broadcast %slice3A_77 : vector<1x4000xf32> to vector<32x4000xf32>
    %sub3A_80 = vector.broadcast %slice3A_78 : vector<32x1xf32> to vector<32x4000xf32>
    %sub3A_81 = arith.subf %sub3A_79, %sub3A_80 : vector<32x4000xf32>
    %abs3A = math.absf %sub3A_81 : vector<32x4000xf32>
    %lt3A = arith.constant 1.000000e+00 : f32
    %lt3A_82 = vector.broadcast %lt3A : f32 to vector<32x4000xf32>
    %lt3A_83 = arith.cmpf olt, %abs3A, %lt3A_82 : vector<32x4000xf32>
    %mul3A_84 = arith.constant 5.000000e-01 : f32
    %mul3A_85 = vector.broadcast %mul3A_84 : f32 to vector<32x4000xf32>
    %mul3A_86 = arith.mulf %mul3A_85, %sub3A_81 : vector<32x4000xf32>
    %mul3A_87 = arith.mulf %mul3A_86, %sub3A_81 : vector<32x4000xf32>
    %div3A = arith.constant 1.000000e+00 : f32
    %div3A_88 = vector.broadcast %div3A : f32 to vector<32x4000xf32>
    %div3A_89 = arith.divf %mul3A_87, %div3A_88 : vector<32x4000xf32>
    %sub3A_90 = arith.constant 5.000000e-01 : f32
    %sub3A_91 = vector.broadcast %sub3A_90 : f32 to vector<32x4000xf32>
    %sub3A_92 = arith.subf %abs3A, %sub3A_91 : vector<32x4000xf32>
    %select_n3A = arith.select %lt3A_83, %div3A_89, %sub3A_92 : vector<32x4000xi1>, vector<32x4000xf32>
    %add3A_93 = arith.constant 0.000000e+00 : f32
    %add3A_94 = vector.broadcast %add3A_93 : f32 to vector<32x4000xf32>
    %add3A_95 = arith.addf %add3A_94, %select_n3A : vector<32x4000xf32>
    %slice3A_96 = vector.extract_strided_slice %get3A_76 {offsets = [1, 0], sizes = [1, 4000], strides = [1, 1]} : vector<4x4000xf32> to vector<1x4000xf32>
    %slice3A_97 = vector.extract_strided_slice %get3A_15 {offsets = [0, 1], sizes = [32, 1], strides = [1, 1]} : vector<32x4xf32> to vector<32x1xf32>
    %sub3A_98 = vector.broadcast %slice3A_96 : vector<1x4000xf32> to vector<32x4000xf32>
    %sub3A_99 = vector.broadcast %slice3A_97 : vector<32x1xf32> to vector<32x4000xf32>
    %sub3A_100 = arith.subf %sub3A_98, %sub3A_99 : vector<32x4000xf32>
    %abs3A_101 = math.absf %sub3A_100 : vector<32x4000xf32>
    %lt3A_102 = arith.constant 1.000000e+00 : f32
    %lt3A_103 = vector.broadcast %lt3A_102 : f32 to vector<32x4000xf32>
    %lt3A_104 = arith.cmpf olt, %abs3A_101, %lt3A_103 : vector<32x4000xf32>
    %mul3A_105 = arith.constant 5.000000e-01 : f32
    %mul3A_106 = vector.broadcast %mul3A_105 : f32 to vector<32x4000xf32>
    %mul3A_107 = arith.mulf %mul3A_106, %sub3A_100 : vector<32x4000xf32>
    %mul3A_108 = arith.mulf %mul3A_107, %sub3A_100 : vector<32x4000xf32>
    %div3A_109 = arith.constant 1.000000e+00 : f32
    %div3A_110 = vector.broadcast %div3A_109 : f32 to vector<32x4000xf32>
    %div3A_111 = arith.divf %mul3A_108, %div3A_110 : vector<32x4000xf32>
    %sub3A_112 = arith.constant 5.000000e-01 : f32
    %sub3A_113 = vector.broadcast %sub3A_112 : f32 to vector<32x4000xf32>
    %sub3A_114 = arith.subf %abs3A_101, %sub3A_113 : vector<32x4000xf32>
    %select_n3A_115 = arith.select %lt3A_104, %div3A_111, %sub3A_114 : vector<32x4000xi1>, vector<32x4000xf32>
    %add3A_116 = arith.addf %add3A_95, %select_n3A_115 : vector<32x4000xf32>
    %slice3A_117 = vector.extract_strided_slice %get3A_76 {offsets = [2, 0], sizes = [1, 4000], strides = [1, 1]} : vector<4x4000xf32> to vector<1x4000xf32>
    %slice3A_118 = vector.extract_strided_slice %get3A_15 {offsets = [0, 2], sizes = [32, 1], strides = [1, 1]} : vector<32x4xf32> to vector<32x1xf32>
    %sub3A_119 = vector.broadcast %slice3A_117 : vector<1x4000xf32> to vector<32x4000xf32>
    %sub3A_120 = vector.broadcast %slice3A_118 : vector<32x1xf32> to vector<32x4000xf32>
    %sub3A_121 = arith.subf %sub3A_119, %sub3A_120 : vector<32x4000xf32>
    %abs3A_122 = math.absf %sub3A_121 : vector<32x4000xf32>
    %lt3A_123 = arith.constant 1.000000e+00 : f32
    %lt3A_124 = vector.broadcast %lt3A_123 : f32 to vector<32x4000xf32>
    %lt3A_125 = arith.cmpf olt, %abs3A_122, %lt3A_124 : vector<32x4000xf32>
    %mul3A_126 = arith.constant 5.000000e-01 : f32
    %mul3A_127 = vector.broadcast %mul3A_126 : f32 to vector<32x4000xf32>
    %mul3A_128 = arith.mulf %mul3A_127, %sub3A_121 : vector<32x4000xf32>
    %mul3A_129 = arith.mulf %mul3A_128, %sub3A_121 : vector<32x4000xf32>
    %div3A_130 = arith.constant 1.000000e+00 : f32
    %div3A_131 = vector.broadcast %div3A_130 : f32 to vector<32x4000xf32>
    %div3A_132 = arith.divf %mul3A_129, %div3A_131 : vector<32x4000xf32>
    %sub3A_133 = arith.constant 5.000000e-01 : f32
    %sub3A_134 = vector.broadcast %sub3A_133 : f32 to vector<32x4000xf32>
    %sub3A_135 = arith.subf %abs3A_122, %sub3A_134 : vector<32x4000xf32>
    %select_n3A_136 = arith.select %lt3A_125, %div3A_132, %sub3A_135 : vector<32x4000xi1>, vector<32x4000xf32>
    %add3A_137 = arith.addf %add3A_116, %select_n3A_136 : vector<32x4000xf32>
    %slice3A_138 = vector.extract_strided_slice %get3A_76 {offsets = [3, 0], sizes = [1, 4000], strides = [1, 1]} : vector<4x4000xf32> to vector<1x4000xf32>
    %slice3A_139 = vector.extract_strided_slice %get3A_15 {offsets = [0, 3], sizes = [32, 1], strides = [1, 1]} : vector<32x4xf32> to vector<32x1xf32>
    %sub3A_140 = vector.broadcast %slice3A_138 : vector<1x4000xf32> to vector<32x4000xf32>
    %sub3A_141 = vector.broadcast %slice3A_139 : vector<32x1xf32> to vector<32x4000xf32>
    %sub3A_142 = arith.subf %sub3A_140, %sub3A_141 : vector<32x4000xf32>
    %abs3A_143 = math.absf %sub3A_142 : vector<32x4000xf32>
    %lt3A_144 = arith.constant 1.000000e+00 : f32
    %lt3A_145 = vector.broadcast %lt3A_144 : f32 to vector<32x4000xf32>
    %lt3A_146 = arith.cmpf olt, %abs3A_143, %lt3A_145 : vector<32x4000xf32>
    %mul3A_147 = arith.constant 5.000000e-01 : f32
    %mul3A_148 = vector.broadcast %mul3A_147 : f32 to vector<32x4000xf32>
    %mul3A_149 = arith.mulf %mul3A_148, %sub3A_142 : vector<32x4000xf32>
    %mul3A_150 = arith.mulf %mul3A_149, %sub3A_142 : vector<32x4000xf32>
    %div3A_151 = arith.constant 1.000000e+00 : f32
    %div3A_152 = vector.broadcast %div3A_151 : f32 to vector<32x4000xf32>
    %div3A_153 = arith.divf %mul3A_150, %div3A_152 : vector<32x4000xf32>
    %sub3A_154 = arith.constant 5.000000e-01 : f32
    %sub3A_155 = vector.broadcast %sub3A_154 : f32 to vector<32x4000xf32>
    %sub3A_156 = arith.subf %abs3A_143, %sub3A_155 : vector<32x4000xf32>
    %select_n3A_157 = arith.select %lt3A_146, %div3A_153, %sub3A_156 : vector<32x4000xi1>, vector<32x4000xf32>
    %add3A_158 = arith.addf %add3A_137, %select_n3A_157 : vector<32x4000xf32>
    %jit3A_159 = arith.constant 0.000000e+00 : f32
    %broadcast_in_dim3A_160 = vector.broadcast %jit3A_159 : f32 to vector<32x4000xf32>
    %select_n3A_161 = arith.select %and3A, %add3A_158, %broadcast_in_dim3A_160 : vector<32x4000xi1>, vector<32x4000xf32>
    %reduce_sum3A = vector.shape_cast %select_n3A_161 : vector<32x4000xf32> to vector<1x32x4000xf32>
    %reduce_sum3A_162 = arith.constant dense<0.000000e+00> : vector<1xf32>
    %reduce_sum3A_163 = vector.multi_reduction <add>, %reduce_sum3A, %reduce_sum3A_162 [1, 2] : vector<1x32x4000xf32> to vector<1xf32>
    %reduce_sum3A_164 = vector.shape_cast %reduce_sum3A_163 : vector<1xf32> to vector<1x1x1xf32>
    %reduce_sum3A_165 = vector.extract %reduce_sum3A_164[0, 0, 0] : f32 from vector<1x1x1xf32>
    %log3A = math.log %dot_general3A_10 : vector<32x4000xf32>
    %jit3A_166 = arith.constant 0.000000e+00 : f32
    %broadcast_in_dim3A_167 = vector.broadcast %jit3A_166 : f32 to vector<32x4000xf32>
    %select_n3A_168 = arith.select %and3A, %log3A, %broadcast_in_dim3A_167 : vector<32x4000xi1>, vector<32x4000xf32>
    %reduce_sum3A_169 = vector.shape_cast %select_n3A_168 : vector<32x4000xf32> to vector<1x32x4000xf32>
    %reduce_sum3A_170 = arith.constant dense<0.000000e+00> : vector<1xf32>
    %reduce_sum3A_171 = vector.multi_reduction <add>, %reduce_sum3A_169, %reduce_sum3A_170 [1, 2] : vector<1x32x4000xf32> to vector<1xf32>
    %reduce_sum3A_172 = vector.shape_cast %reduce_sum3A_171 : vector<1xf32> to vector<1x1x1xf32>
    %reduce_sum3A_173 = vector.extract %reduce_sum3A_172[0, 0, 0] : f32 from vector<1x1x1xf32>
    %jit3A_174 = arith.constant -1.000000e+00 : f32
    %broadcast_in_dim3A_175 = vector.broadcast %jit3A_174 : f32 to vector<1x4000xf32>
    %select_n3A_176 = arith.select %broadcast_in_dim3A_70, %broadcast_in_dim3A_175, %broadcast_in_dim3A : vector<1x4000xi1>, vector<1x4000xf32>
    %bitcast_convert_type3A = tpu.bitcast %select_n3A_176 : vector<1x4000xf32> -> vector<1x4000xi32>
    %swap3A = arith.constant 0 : index
    %swap3A_177 = arith.constant 0 : index
    %swap3A_178 = arith.constant 0 : index
    %swap3A_179 = arith.constant 0 : index
    %swap3A_180 = vector.load %arg7[%swap3A, %swap3A_177, %swap3A_178, %swap3A_179] : memref<1x1x1x4000xi32, #tpu.memory_space<vmem>>, vector<1x1x1x4000xi32>
    %swap3A_181 = vector.shape_cast %swap3A_180 : vector<1x1x1x4000xi32> to vector<1x4000xi32>
    %swap3A_182 = vector.shape_cast %bitcast_convert_type3A : vector<1x4000xi32> to vector<1x1x1x4000xi32>
    tpu.vector_store %arg7[%swap3A, %swap3A_177, %swap3A_178, %swap3A_179], %swap3A_182 {strides = array<i32>} : memref<1x1x1x4000xi32, #tpu.memory_space<vmem>>, vector<1x1x1x4000xi32>,
    %add3A_183 = arith.constant 1.000000e+00 : f32
    %add3A_184 = vector.broadcast %add3A_183 : f32 to vector<1x4000xf32>
    %add3A_185 = arith.addf %add3A_184, %broadcast_in_dim3A : vector<1x4000xf32>
    %log3A_186 = math.log %add3A_185 : vector<1x4000xf32>
    %jit3A_187 = arith.constant 0.000000e+00 : f32
    %broadcast_in_dim3A_188 = vector.broadcast %jit3A_187 : f32 to vector<1x4000xf32>
    %select_n3A_189 = arith.select %broadcast_in_dim3A_70, %broadcast_in_dim3A_188, %log3A_186 : vector<1x4000xi1>, vector<1x4000xf32>
    %swap3A_190 = arith.constant 0 : index
    %swap3A_191 = arith.constant 0 : index
    %swap3A_192 = arith.constant 0 : index
    %swap3A_193 = arith.constant 0 : index
    %swap3A_194 = vector.load %arg8[%swap3A_190, %swap3A_191, %swap3A_192, %swap3A_193] : memref<1x1x1x4000xf32, #tpu.memory_space<vmem>>, vector<1x1x1x4000xf32>
    %swap3A_195 = vector.shape_cast %swap3A_194 : vector<1x1x1x4000xf32> to vector<1x4000xf32>
    %swap3A_196 = vector.shape_cast %select_n3A_189 : vector<1x4000xf32> to vector<1x1x1x4000xf32>
    tpu.vector_store %arg8[%swap3A_190, %swap3A_191, %swap3A_192, %swap3A_193], %swap3A_196 {strides = array<i32>} : memref<1x1x1x4000xf32, #tpu.memory_space<vmem>>, vector<1x1x1x4000xf32>,
    %iota3A = tpu.iota {dimensions = array<i32: 1>} : vector<1x128xi32>
    %eq3A = arith.constant 1 : i32
    %eq3A_197 = vector.broadcast %eq3A : i32 to vector<1x128xi32>
    %eq3A_198 = arith.cmpi eq, %iota3A, %eq3A_197 : vector<1x128xi32>
    %jit3A_199 = arith.constant 0.000000e+00 : f32
    %broadcast_in_dim3A_200 = vector.broadcast %reduce_sum3A_165 : f32 to vector<1x128xf32>
    %broadcast_in_dim3A_201 = vector.broadcast %jit3A_199 : f32 to vector<1x128xf32>
    %select_n3A_202 = arith.select %eq3A_198, %broadcast_in_dim3A_200, %broadcast_in_dim3A_201 : vector<1x128xi1>, vector<1x128xf32>
    %eq3A_203 = arith.constant 2 : i32
    %eq3A_204 = vector.broadcast %eq3A_203 : i32 to vector<1x128xi32>
    %eq3A_205 = arith.cmpi eq, %iota3A, %eq3A_204 : vector<1x128xi32>
    %jit3A_206 = arith.constant 0.000000e+00 : f32
    %broadcast_in_dim3A_207 = vector.broadcast %reduce_sum3A_173 : f32 to vector<1x128xf32>
    %broadcast_in_dim3A_208 = vector.broadcast %jit3A_206 : f32 to vector<1x128xf32>
    %select_n3A_209 = arith.select %eq3A_205, %broadcast_in_dim3A_207, %broadcast_in_dim3A_208 : vector<1x128xi1>, vector<1x128xf32>
    %add3A_210 = arith.addf %select_n3A_202, %select_n3A_209 : vector<1x128xf32>
    %eq3A_211 = arith.constant 0 : i32
    %eq3A_212 = arith.cmpi eq, %arg1, %eq3A_211 : i32
    %convert_element_type3A = arith.extui %eq3A_212 : i1 to i32
    %cond3A = arith.constant 0 : i32
    %cond3A_213 = arith.cmpi ne, %convert_element_type3A, %cond3A : i32
    scf.if %cond3A_213 {
      %swap3A_218 = arith.constant 0 : index
      %swap3A_219 = arith.constant 0 : index
      %swap3A_220 = arith.constant 0 : index
      %swap3A_221 = vector.load %arg9[%swap3A_218, %swap3A_219, %swap3A_220] : memref<1x1x128xf32, #tpu.memory_space<vmem>>, vector<1x1x128xf32>
      %swap3A_222 = vector.shape_cast %swap3A_221 : vector<1x1x128xf32> to vector<1x128xf32>
      %swap3A_223 = vector.shape_cast %add3A_210 : vector<1x128xf32> to vector<1x1x128xf32>
      tpu.vector_store %arg9[%swap3A_218, %swap3A_219, %swap3A_220], %swap3A_223 {strides = array<i32>} : memref<1x1x128xf32, #tpu.memory_space<vmem>>, vector<1x1x128xf32>,
    } else {
    }
    %ne3A = arith.constant 0 : i32
    %ne3A_214 = arith.cmpi ne, %arg1, %ne3A : i32
    %convert_element_type3A_215 = arith.extui %ne3A_214 : i1 to i32
    %cond3A_216 = arith.constant 0 : i32
    %cond3A_217 = arith.cmpi ne, %convert_element_type3A_215, %cond3A_216 : i32
    scf.if %cond3A_217 {
      %get3A_218 = arith.constant 0 : index
      %get3A_219 = arith.constant 0 : index
      %get3A_220 = arith.constant 0 : index
      %get3A_221 = vector.load %arg9[%get3A_218, %get3A_219, %get3A_220] : memref<1x1x128xf32, #tpu.memory_space<vmem>>, vector<1x1x128xf32>
      %get3A_222 = vector.shape_cast %get3A_221 : vector<1x1x128xf32> to vector<1x128xf32>
      %add3A_223 = arith.addf %get3A_222, %add3A_210 : vector<1x128xf32>
      %swap3A_224 = arith.constant 0 : index
      %swap3A_225 = arith.constant 0 : index
      %swap3A_226 = arith.constant 0 : index
      %swap3A_227 = vector.load %arg9[%swap3A_224, %swap3A_225, %swap3A_226] : memref<1x1x128xf32, #tpu.memory_space<vmem>>, vector<1x1x128xf32>
      %swap3A_228 = vector.shape_cast %swap3A_227 : vector<1x1x128xf32> to vector<1x128xf32>
      %swap3A_229 = vector.shape_cast %add3A_223 : vector<1x128xf32> to vector<1x1x128xf32>
      tpu.vector_store %arg9[%swap3A_224, %swap3A_225, %swap3A_226], %swap3A_229 {strides = array<i32>} : memref<1x1x128xf32, #tpu.memory_space<vmem>>, vector<1x1x128xf32>,
    } else {
    }
    return
  }
  func.func @transform_0(%arg0: i32, %arg1: i32) -> (i32, i32, i32) {
    %c0_i32 = arith.constant 0 : i32
    %c0_i32_0 = arith.constant 0 : i32
    return %arg0, %arg1, %c0_i32 : i32, i32, i32
  }
  func.func @transform_1(%arg0: i32, %arg1: i32) -> (i32, i32, i32, i32) {
    %c0_i32 = arith.constant 0 : i32
    %c0_i32_0 = arith.constant 0 : i32
    %c0_i32_1 = arith.constant 0 : i32
    %c0_i32_2 = arith.constant 0 : i32
    return %arg0, %c0_i32, %c0_i32_0, %c0_i32_1 : i32, i32, i32, i32
  }
  func.func @transform_2(%arg0: i32, %arg1: i32) -> (i32, i32, i32) {
    %c0_i32 = arith.constant 0 : i32
    %c0_i32_0 = arith.constant 0 : i32
    %c0_i32_1 = arith.constant 0 : i32
    %c0_i32_2 = arith.constant 0 : i32
    return %c0_i32, %c0_i32_0, %c0_i32_1 : i32, i32, i32
  }
  func.func @transform_3(%arg0: i32, %arg1: i32) -> (i32, i32, i32) {
    %c0_i32 = arith.constant 0 : i32
    %c0_i32_0 = arith.constant 0 : i32
    %c0_i32_1 = arith.constant 0 : i32
    return %arg0, %c0_i32, %c0_i32_0 : i32, i32, i32
  }
  func.func @transform_4(%arg0: i32, %arg1: i32) -> (i32, i32, i32) {
    %c0_i32 = arith.constant 0 : i32
    %c0_i32_0 = arith.constant 0 : i32
    %c0_i32_1 = arith.constant 0 : i32
    return %arg0, %c0_i32, %c0_i32_0 : i32, i32, i32
  }
  func.func @transform_5(%arg0: i32, %arg1: i32) -> (i32, i32, i32, i32) {
    %c0_i32 = arith.constant 0 : i32
    %c0_i32_0 = arith.constant 0 : i32
    %c0_i32_1 = arith.constant 0 : i32
    return %arg0, %arg1, %c0_i32, %c0_i32_0 : i32, i32, i32, i32
  }
  func.func @transform_6(%arg0: i32, %arg1: i32) -> (i32, i32, i32, i32) {
    %c0_i32 = arith.constant 0 : i32
    %c0_i32_0 = arith.constant 0 : i32
    %c0_i32_1 = arith.constant 0 : i32
    return %arg0, %arg1, %c0_i32, %c0_i32_0 : i32, i32, i32, i32
  }
  func.func @transform_7(%arg0: i32, %arg1: i32) -> (i32, i32, i32) {
    %c0_i32 = arith.constant 0 : i32
    %c0_i32_0 = arith.constant 0 : i32
    %c0_i32_1 = arith.constant 0 : i32
    return %arg0, %c0_i32, %c0_i32_0 : i32, i32, i32
  }
}

</mosaic_0001>

<sc_bundles>
// kernel: kernel.4.cloned.1.call-start
scs
__scs_entry_jumppad:
0x0: {  	(pc) =	sbr.rel $0x88, $3  }
0x1: {  	(tag) =	ssettag $0x0;
	lr =	simm.s32 $0x1  }
0x2: {  	[smem:$0x3F9C] =	sst lr;
	_ =	strace $0xD0000000  }
0x3: {  	_ = 	snop  }
0x4: {  	_ = 	snop  }
0x5: {  	_ = 	snop  }
0x6: {  	_ = 	snop  }
0x7: {  	_ = 	snop  }
__scs_overlays_trampoline_lowered:
0x8: {  	[smem:$0x3FAB] =	sst s0  }
0x9: {  	[smem:$0x3FAC] =	sst s1  }
0xa: {  	[smem:$0x3FAD] =	sst s2  }
0xb: {  	[smem:$0x3FAE] =	sst s3  }
0xc: {  	[smem:$0x3FAF] =	sst s4  }
0xd: {  	[smem:$0x3FB0] =	sst s5  }
0xe: {  	[smem:$0x3FB1] =	sst s6  }
0xf: {  	[smem:$0x3FB2] =	sst s7  }
0x10: {  	[smem:$0x3FB3] =	sst s8  }
0x11: {  	[smem:$0x3FB4] =	sst s9;
	s0 =	simm.s32 @!p0 $0x0  }
0x12: {  	s1 =	sld [smem:$0x3F9A];
	s0 =	simm.s32 @p0 $0x1  }
0x13: {  	[smem:$0x3FB5] =	sst s0;
	s0 =	simm.s32 @!p1 $0x0  }
0x14: {  	s2 =	sld [smem:$0x3F99];
	s0 =	simm.s32 @p1 $0x1  }
0x15: {  	[smem:$0x3FB6] =	sst s0;
	s0 =	simm.s32 @!p2 $0x0  }
0x16: {  	s3 =	sld [smem:$0x3FDB];
	s0 =	simm.s32 @p2 $0x1  }
0x17: {  	s4 =	simm.s32 $0x1BF5;
	[smem:$0x3FB8] =	sst s0  }
0x18: {  	s0 =	sld [smem:$0x3F9B];
	_ =	swait.ge [sflag:s4], $0x0  }
0x19: {  	s7 =	sld [smem:$0x3F9C]  }
0x1a: {  	s8 =	sadd.s32 $0xFFFFE003, lr  }
0x1b: {  	s9 =	sadd.s32 $0xFFFFFEF7, lr;
	s5 =	simm.s32 $0xFFFFFFFF;
	p2 =	slt.u32 s8, $0xFFFFF086  }
0x1c: {  	p1 =	slt.u32 s9, $0xF7A;
	s5 =	simm.s32 @!p2 $0x0  }
0x1d: {  	s5 =	simm.s32 @p1 $0x1;
	p0 =	seq.s32 s7, s2  }
0x1e: {  	s7 =	smul.u32 @!p0 $0xF7A, s2;
	p2 =	seq.s32 @!p0 s5, $0x0  }
0x1f: {  	s9 =	smul.u32 $0xF7A, s1;
	s8 =	simm.s32 @!p0 $0x1BF5;
	p2 =	por !p2, p0  }
0x20: {  	[sflag:s8] =	ssyncset.s32 @!p0 $0xFFFFF086;
	s6 =	sadd.s32 @!p0 s3, s7;
	s7 =	simm.s32 @!p0 $0x108  }
0x21: {  	s3 =	sadd.s32 s3, s9;
	s6 =	sadd.s32 @!p0 $0x88, s6;
	s7 =	simm.s32 @p2 $0x1082  }
0x22: {  	[simem:s7], [sflag:s8] =	dma.local @!p0 [hbm:s6], $0xF7A  }
0x23: {  	s9 =	sor.u32 $0xD0000000, s2;
	s6 =	simm.s32 $0x108;
	_ =	swait.ge @!p0 [sflag:s8], $0x0  }
0x24: {  	s3 =	sadd.s32 $0x88, s3;
	s6 =	simm.s32 @!p1 $0x1082;
	[sflag:s4] =	ssyncset.s32 $0xFFFFF086  }
0x25: {  	[simem:s6], [sflag:s4] =	dma.local [hbm:s3], $0xF7A  }
0x26: {  	[smem:$0x3F9C] =	sst s1;
	(tag) =	ssettag s2;
	_ =	strace s9  }
0x27: {  	s1 =	sld [smem:$0x3FAC]  }
0x28: {  	s2 =	sld [smem:$0x3FAD]  }
0x29: {  	s4 =	sld [smem:$0x3FAF]  }
0x2a: {  	p0 =	seq.s32 s5, $0x0;
	s5 =	sld [smem:$0x3FB0]  }
0x2b: {  	s6 =	sld [smem:$0x3FB1]  }
0x2c: {  	s7 =	sld [smem:$0x3FB2]  }
0x2d: {  	s3 =	simm.s32 $0x108;
	s8 =	sld [smem:$0x3FB3]  }
0x2e: {  	s3 =	simm.s32 @!p0 $0x1082;
	s9 =	sld [smem:$0x3FB4]  }
0x2f: {  	lr =	sadd.s32 s0, s3;
	s0 =	sld [smem:$0x3FAB]  }
0x30: {  	s3 =	sld [smem:$0x3FAE]  }
0x31: {  	[smem:$0x3FB7] =	sst s10  }
0x32: {  	s10 =	sld [smem:$0x3FB5];
	_ =	sdelay $0x3  }
0x33: {  	p0 =	seq.s32 s10, $0x1;
	s10 =	sld [smem:$0x3FB7];
	_ =	sdelay $0x3  }
0x34: {  	[smem:$0x3FB7] =	sst s10  }
0x35: {  	s10 =	sld [smem:$0x3FB6];
	_ =	sdelay $0x3  }
0x36: {  	p1 =	seq.s32 s10, $0x1;
	s10 =	sld [smem:$0x3FB7];
	_ =	sdelay $0x3  }
0x37: {  	[smem:$0x3FB7] =	sst s10  }
0x38: {  	s10 =	sld [smem:$0x3FB8]  }
0x39: {  	_ = 	snop;
	(pc) =	sbr.ind lr, $3  }
0x3a: {  	_ = 	snop  }
0x3b: {  	_ = 	snop  }
0x3c: {  	p2 =	seq.s32 s10, $0x1;
	s10 =	sld [smem:$0x3FB7]  }
0x3d: {  	_ =	shalt  }
0x3e: {  	_ =	shalt  }
0x3f: {  	_ =	shalt  }
0x40: {  	_ =	shalt  }
0x41: {  	_ =	shalt  }
0x42: {  	_ =	shalt  }
0x43: {  	_ =	shalt  }
0x44: {  	_ =	shalt  }
0x45: {  	_ =	shalt  }
0x46: {  	_ =	shalt  }
0x47: {  	_ =	shalt  }
0x48: {  	_ =	shalt  }
0x49: {  	_ =	shalt  }
0x4a: {  	_ =	shalt  }
0x4b: {  	_ =	shalt  }
0x4c: {  	_ =	shalt  }
0x4d: {  	_ =	shalt  }
0x4e: {  	_ =	shalt  }
0x4f: {  	_ =	shalt  }
0x50: {  	_ =	shalt  }
0x51: {  	_ =	shalt  }
0x52: {  	_ =	shalt  }
0x53: {  	_ =	shalt  }
0x54: {  	_ =	shalt  }
0x55: {  	_ =	shalt  }
0x56: {  	_ =	shalt  }
0x57: {  	_ =	shalt  }
0x58: {  	_ =	shalt  }
0x59: {  	_ =	shalt  }
0x5a: {  	_ =	shalt  }
0x5b: {  	_ =	shalt  }
0x5c: {  	_ =	shalt  }
0x5d: {  	_ =	shalt  }
0x5e: {  	_ =	shalt  }
0x5f: {  	_ =	shalt  }
0x60: {  	_ =	shalt  }
0x61: {  	_ =	shalt  }
0x62: {  	_ =	shalt  }
0x63: {  	_ =	shalt  }
0x64: {  	_ =	shalt  }
0x65: {  	_ =	shalt  }
0x66: {  	_ =	shalt  }
0x67: {  	_ =	shalt  }
0x68: {  	_ =	shalt  }
0x69: {  	_ =	shalt  }
0x6a: {  	_ =	shalt  }
0x6b: {  	_ =	shalt  }
0x6c: {  	_ =	shalt  }
0x6d: {  	_ =	shalt  }
0x6e: {  	_ =	shalt  }
0x6f: {  	_ =	shalt  }
0x70: {  	_ =	shalt  }
0x71: {  	_ =	shalt  }
0x72: {  	_ =	shalt  }
0x73: {  	_ =	shalt  }
0x74: {  	_ =	shalt  }
0x75: {  	_ =	shalt  }
0x76: {  	_ =	shalt  }
0x77: {  	_ =	shalt  }
0x78: {  	_ =	shalt  }
0x79: {  	_ =	shalt  }
0x7a: {  	_ =	shalt  }
0x7b: {  	_ =	shalt  }
0x7c: {  	_ =	shalt  }
0x7d: {  	_ =	shalt  }
0x7e: {  	_ =	shalt  }
0x7f: {  	_ =	shalt  }
0x80: {  	_ =	shalt  }
0x81: {  	_ =	shalt  }
0x82: {  	_ =	shalt  }
0x83: {  	_ =	shalt  }
0x84: {  	_ =	shalt  }
0x85: {  	_ =	shalt  }
0x86: {  	_ =	shalt  }
0x87: {  	_ =	shalt  }
.Lfunc_end0:
.L_simem_size_0:
called_computation_lowered:
.L_overlay_start_0:
0x88: {  	s2 =	sld [smem:$0x3FD9]  }
0x89: {  	s3 =	sld [smem:$0x3FFE];
	_ =	sdelay $0x1  }
0x8a: {  	s1 =	srdreg.scid  }
0x8b: {  	s0 =	sand.u32 $0x1, s1  }
0x8c: {  	s16 =	sshll.u32 s0, $0xA;
	s2 =	sadd.s32 s3, s2  }
0x8d: {  	s2 =	sadd.s32 s2, s16  }
0x8e: {  	[smem:$0x3FC3] =	sst s2  }
0x8f: {  	_ = 	snop  }
0x90: {  	(tm) =	ssettm $0x1  }
0x91: {  	s17 =	sld [smem:$0x3FFB];
	_ =	sdelay $0x3  }
0x92: {  	_ =	strace s17  }
0x93: {  	s2 =	sld [smem:$0x3FFC];
	_ =	sdelay $0x3  }
0x94: {  	_ =	strace s2  }
0x95: {  	s2 =	sld [smem:$0x3FFD];
	_ =	sdelay $0x3  }
0x96: {  	_ =	strace s2  }
0x97: {  	_ =	strace $0x8FFFFFFF  }
0x98: {  	s18 =	sld [smem:$0x3FDB];
	_ =	sdelay $0x1  }
0x99: {  	s19 =	simm.s32 $_scs_section_size  }
0x9a: {  	s4 =	simm.s32 $_size__tile_overlayer_lowered;
	s5 =	simm.s32 $_tile_overlayer_lowered  }
0x9b: {  	s22 =	simm.s32 $0x1BFF;
	s21 =	sshll.u32 s5, $0x1;
	s2 =	sadd.s32 s19, s18  }
0x9c: {  	s6 =	simm.s32 $0x0;
	s20 =	sshll.u32 s4, $0x1;
	s4 =	sadd.s32 s21, s2  }
0x9d: {  	[timem:s6], [sflag:s22] =	dma.local [hbm:s4], s20  }
0x9e: {  	_ =	swait.ge [sflag:s22], s20  }
0x9f: {  	s3 =	ssub.s32 $0x0, s20;
	[sflag:s22] =	ssyncset.done $0x0  }
0xa0: {  	[sflag:s22] =	ssyncadd.s32 s3;
	_ =	sdelay $0x1  }
0xa1: {  	s23 =	simm.s32 $0x1B8B  }
0xa2: {  	_ =	swait.ge [sflag:s23], $0x1  }
0xa3: {  	[sflag:s23] =	ssyncset.done $0x0  }
0xa4: {  	s25 =	simm.s32 $0x1B8E;
	s24 =	sld [smem:$0x3FFE];
	[sflag:s23] =	ssyncadd.s32 $0xFFFFFFFF  }
0xa5: {  	s26 =	simm.s32 $execute0_lowered;
	[smem:$0x3FD2] =	sst s25  }
0xa6: {  	s4 =	sshll.u32 s26, $0x1;
	_ =	strace $0x80000046;
	[dreg:$0x1] =	wrdreg $0xFFFFFFFF  }
0xa7: {  	s28 =	simm.s32 $_size_execute0_lowered;
	s2 =	sadd.s32 s2, s4;
	[dreg:$0x0] =	wrdreg $0x0  }
0xa8: {  	s4 =	sshll.u32 s28, $0x1;
	[dreg:$0x2] =	wrdreg s2  }
0xa9: {  	[dreg:$0x3] =	wrdreg s4  }
0xaa: {  	[dreg:$0x4] =	wrdreg $0xC0  }
0xab: {  	_ =	task [dreg:s6], $0x5FFFF  }
0xac: {  	[dreg:$0x1] =	wrdreg $0xFFFFFFFF  }
0xad: {  	[dreg:$0x0] =	wrdreg $0x60  }
0xae: {  	[dreg:$0x2] =	wrdreg s24  }
0xaf: {  	[dreg:$0x3] =	wrdreg $0x9  }
0xb0: {  	_ =	task.clear_ibuf [dreg:s6], $0x4FFFF;
	_ =	strace $0x90000046  }
0xb1: {  	s29 =	simm.s32 $0x9;
	_ =	strace $0x80000048  }
0xb2: {  	_ =	swait.ge [sflag:s29], $0x1  }
0xb3: {  	[sflag:s29] =	ssyncadd.s32 $0xFFFFFFFF  }
0xb4: {  	_ =	strace $0x90000048  }
0xb5: {  	_ =	sfence  }
0xb6: {  	s30 =	sld [smem:$0x0];
	_ =	sdelay $0x2  }
0xb7: {  	s31 =	sshll.u32 s1, $0xD;
	s1 =	sshrl.u32 s1, $0x2  }
0xb8: {  	s3 =	sand.u32 $0x4000, s31;
	s1 =	sadd.s32 s1, s30  }
0xb9: {  	s0 =	sor.u32 s3, s0;
	s1 =	sshll.u32 s1, $0x11  }
0xba: {  	s0 =	sor.u32 s1, s0  }
0xbb: {  	s0 =	sadd.s32 $0x8F2B, s0  }
0xbc: {  	[sflag:s0] =	ssyncadd.remote.s32 $0x1  }
0xbd: {  	_ =	sfence.sel $0xFFFF  }
0xbe: {  	[dreg:$0x0] =	wrdreg $0xFFFFFFFF;
	(pc) =	sbr.abs _section_cstart, $3  }
0xbf: {  	[dreg:$0x1] =	wrdreg $0xFFFFFFFF  }
0xc0: {  	_ =	task.clear_ibuf [dreg:s6], $0x2FFFF;
	_ =	strace $0x9FFFFFFF  }
0xc1: {  	(tm) =	ssettm $0x7FFFFFFF  }
tec
execute0_lowered:
.L_overlay_start_1:
0x0: {  	(tag) =	ssettag $0x1  }
0x1: {  	s1 =	stileid.u32  }
0x2: {  	p0 =	sgt.u32 s1, $0x7  }
.Ltmp0:
0x3: {  	_ = 	snop;
	(pc) =	sbr.rel @p0 .LBB2_17-.Ltmp0, $4  }
0x4: {  	_ = 	snop  }
0x5: {  	s5 =	rddreg [dreg:$0x0];
	s2 =	simm.s32 $0x0  }
0x6: {  	[smem:$0x7FF] =	sst s2  }
0x7: {  	s0 =	rddreg [dreg:$0x1];
	_ =	strace $0x80000047  }
0x8: {  	s3 =	srdreg.scid;
	s4 =	sshrl.u32 s1, $0x2  }
0x9: {  	s6 =	sshll.u32 s1, $0x8;
	s9 =	simm.s32 $0x1;
	s10 =	simm.s32 $0x4E80  }
0xa: {  	s11 =	simm.s32 $0x9D00;
	s12 =	simm.s32 $0xA100;
	s3 =	sand.u32 $0x1, s3  }
0xb: {  	s6 =	sand.u32 $0x300, s6;
	s8 =	smul.u32 $0x27400, s4;
	s7 =	sshll.u32 s3, $0x7  }
0xc: {  	s13 =	simm.s32 $0x0;
	s29 =	ssub.s32 $0x2, s3;
	s6 =	sor.u32 s7, s6  }
0xd: {  	s4 =	sshll.u32 s4, $0xA;
	s31 =	sshrl.u32 s29, $0x1;
	s7 =	sor.u32 s8, s6  }
0xe: {  	v0 =	vlaneseq.u32;
	v1 =	vimm.f32 $0.0e+00;
	s4 =	sor.u32 s4, s6;
	s8 =	simm.s32 $0x400;
	s28 =	sshrl.u32 s7, $0x3  }
0xf: {  	v2 =	vimm.f32 $1.000000000e+00;
	vm0 =	vcmask $0x300;
	v3 =	vmul.u32 $0xFFFFFFFF, v0;
	s4 =	sshrl.u32 s4, $0x3;
	s7 =	ssub.s32 s29, s31;
	s30 =	sadd.s32 s28, s5  }
0x10: {  	vm1 =	vcmask $0x704;
	vm2 =	vcmask $0xB08;
	vm3 =	vcmask $0xF0C;
	s4 =	sadd.s32 s4, s5;
	s5 =	sadd.s32 s5, s28;
	s6 =	smax.u32 s7, $0x1  }
0x11: {  	vm4 =	vcmask $0x1310;
	vm5 =	vcmask $0x1714;
	v3 =	vadd.s32 $0xF, v3;
	s7 =	simm.s32 $0x80;
	s3 =	sadd.s32 $0x9E00, s30;
	s4 =	sadd.s32 $0x13C00, s4  }
.LBB2_2:
0x12: {  	s14 =	simm.s32 $0x0  }
0x13: {  	[tilespmem:s14], [sflag:$0x1] =	stream.strided.gather [hbm4b:s5+s7], $0x4E80, s8, s7, $0x38;
	[tilespmem:$0xA180] =	vst v63  }
0x14: {  	_ =	swait.ge [sflag:s9], $0x4E80  }
0x15: {  	[sflag:s9] =	ssyncset.done $0x0  }
0x16: {  	[sflag:s9] =	ssyncadd.s32 $0xFFFFB180  }
0x17: {  	[tilespmem:s10], [sflag:$0x1] =	stream.strided.gather [hbm4b:s3+s7], $0x4E80, s8, s7, $0x38;
	[tilespmem:$0xA180] =	vst v63  }
0x18: {  	_ =	swait.ge [sflag:s9], $0x4E80  }
0x19: {  	[sflag:s9] =	ssyncset.done $0x0  }
0x1a: {  	[sflag:s9] =	ssyncadd.s32 $0xFFFFB180  }
0x1b: {  	[tilespmem:$0x9D00] =	vst v1  }
0x1c: {  	[tilespmem:$0x9D10] =	vst v1  }
0x1d: {  	[tilespmem:$0x9D20] =	vst v1  }
0x1e: {  	[tilespmem:$0x9D30] =	vst v1  }
0x1f: {  	[tilespmem:$0x9D40] =	vst v1  }
0x20: {  	[tilespmem:$0x9D50] =	vst v1  }
0x21: {  	[tilespmem:$0x9D60] =	vst v1  }
0x22: {  	[tilespmem:$0x9D70] =	vst v1  }
0x23: {  	[tilespmem:$0x9D80] =	vst v1  }
0x24: {  	[tilespmem:$0x9D90] =	vst v1  }
0x25: {  	[tilespmem:$0x9DA0] =	vst v1  }
0x26: {  	[tilespmem:$0x9DB0] =	vst v1  }
0x27: {  	[tilespmem:$0x9DC0] =	vst v1  }
0x28: {  	[tilespmem:$0x9DD0] =	vst v1  }
0x29: {  	[tilespmem:$0x9DE0] =	vst v1  }
0x2a: {  	[tilespmem:$0x9DF0] =	vst v1  }
0x2b: {  	[tilespmem:$0x9E00] =	vst v1  }
0x2c: {  	[tilespmem:$0x9E10] =	vst v1  }
0x2d: {  	[tilespmem:$0x9E20] =	vst v1  }
0x2e: {  	[tilespmem:$0x9E30] =	vst v1  }
0x2f: {  	[tilespmem:$0x9E40] =	vst v1  }
0x30: {  	[tilespmem:$0x9E50] =	vst v1  }
0x31: {  	[tilespmem:$0x9E60] =	vst v1  }
0x32: {  	[tilespmem:$0x9E70] =	vst v1  }
0x33: {  	[tilespmem:$0x9E80] =	vst v1  }
0x34: {  	[tilespmem:$0x9E90] =	vst v1  }
0x35: {  	[tilespmem:$0x9EA0] =	vst v1  }
0x36: {  	[tilespmem:$0x9EB0] =	vst v1  }
0x37: {  	[tilespmem:$0x9EC0] =	vst v1  }
0x38: {  	[tilespmem:$0x9ED0] =	vst v1  }
0x39: {  	[tilespmem:$0x9EE0] =	vst v1  }
0x3a: {  	[tilespmem:$0x9EF0] =	vst v1  }
0x3b: {  	[tilespmem:$0x9F00] =	vst v1  }
0x3c: {  	[tilespmem:$0x9F10] =	vst v1  }
0x3d: {  	[tilespmem:$0x9F20] =	vst v1  }
0x3e: {  	[tilespmem:$0x9F30] =	vst v1  }
0x3f: {  	[tilespmem:$0x9F40] =	vst v1  }
0x40: {  	[tilespmem:$0x9F50] =	vst v1  }
0x41: {  	[tilespmem:$0x9F60] =	vst v1  }
0x42: {  	[tilespmem:$0x9F70] =	vst v1  }
0x43: {  	[tilespmem:$0x9F80] =	vst v1  }
0x44: {  	[tilespmem:$0x9F90] =	vst v1  }
0x45: {  	[tilespmem:$0x9FA0] =	vst v1  }
0x46: {  	[tilespmem:$0x9FB0] =	vst v1  }
0x47: {  	[tilespmem:$0x9FC0] =	vst v1  }
0x48: {  	[tilespmem:$0x9FD0] =	vst v1  }
0x49: {  	[tilespmem:$0x9FE0] =	vst v1  }
0x4a: {  	[tilespmem:$0x9FF0] =	vst v1  }
0x4b: {  	[tilespmem:$0xA000] =	vst v1  }
0x4c: {  	[tilespmem:$0xA010] =	vst v1  }
0x4d: {  	[tilespmem:$0xA020] =	vst v1  }
0x4e: {  	[tilespmem:$0xA030] =	vst v1  }
0x4f: {  	[tilespmem:$0xA040] =	vst v1  }
0x50: {  	[tilespmem:$0xA050] =	vst v1  }
0x51: {  	[tilespmem:$0xA060] =	vst v1  }
0x52: {  	[tilespmem:$0xA070] =	vst v1  }
0x53: {  	[tilespmem:$0xA080] =	vst v1  }
0x54: {  	[tilespmem:$0xA090] =	vst v1  }
0x55: {  	[tilespmem:$0xA0A0] =	vst v1  }
0x56: {  	[tilespmem:$0xA0B0] =	vst v1  }
0x57: {  	[tilespmem:$0xA0C0] =	vst v1  }
0x58: {  	[tilespmem:$0xA0D0] =	vst v1  }
0x59: {  	[tilespmem:$0xA0E0] =	vst v1  }
0x5a: {  	s25 =	simm.s32 $0x0;
	[tilespmem:$0xA0F0] =	vst v1  }
0x5b: {  	v4 =	vld [tilespmem:s25+$0x0];
	_ =	sdelay $0x4  }
0x5c: {  	vm6 =	vlt.u32 v4, $0x40000000;
	v5 =	vshrl.u32 v4, $0x14  }
0x5d: {  	v5 =	vand.u32 $0x3FF, v5;
	_ =	sdelay $0x4  }
0x5e: {  	[tilespmem:v5+s11+$0x0] =	vst.idx.add.f32.msk vm6, v2  }
0x5f: {  	v5 =	vld [tilespmem:s25+$0x10];
	_ =	sdelay $0x4  }
0x60: {  	vm6 =	vlt.u32 v5, $0x40000000;
	v6 =	vshrl.u32 v5, $0x14  }
0x61: {  	v6 =	vand.u32 $0x3FF, v6;
	_ =	sdelay $0x4  }
0x62: {  	[tilespmem:v6+s11+$0x0] =	vst.idx.add.f32.msk vm6, v2  }
0x63: {  	v6 =	vld [tilespmem:s25+$0x20];
	_ =	sdelay $0x4  }
0x64: {  	vm6 =	vlt.u32 v6, $0x40000000;
	v7 =	vshrl.u32 v6, $0x14  }
0x65: {  	v7 =	vand.u32 $0x3FF, v7;
	_ =	sdelay $0x4  }
0x66: {  	[tilespmem:v7+s11+$0x0] =	vst.idx.add.f32.msk vm6, v2  }
0x67: {  	v7 =	vld [tilespmem:s25+$0x30];
	_ =	sdelay $0x4  }
0x68: {  	vm6 =	vlt.u32 v7, $0x40000000;
	v8 =	vshrl.u32 v7, $0x14  }
0x69: {  	v8 =	vand.u32 $0x3FF, v8;
	_ =	sdelay $0x4  }
0x6a: {  	[tilespmem:v8+s11+$0x0] =	vst.idx.add.f32.msk vm6, v2  }
0x6b: {  	v8 =	vld [tilespmem:s25+$0x40];
	_ =	sdelay $0x4  }
0x6c: {  	vm6 =	vlt.u32 v8, $0x40000000;
	v9 =	vshrl.u32 v8, $0x14  }
0x6d: {  	v9 =	vand.u32 $0x3FF, v9;
	_ =	sdelay $0x4  }
0x6e: {  	[tilespmem:v9+s11+$0x0] =	vst.idx.add.f32.msk vm6, v2  }
0x6f: {  	v9 =	vld [tilespmem:s25+$0x50];
	_ =	sdelay $0x4  }
0x70: {  	vm6 =	vlt.u32 v9, $0x40000000;
	v10 =	vshrl.u32 v9, $0x14  }
0x71: {  	v10 =	vand.u32 $0x3FF, v10;
	_ =	sdelay $0x4  }
0x72: {  	[tilespmem:v10+s11+$0x0] =	vst.idx.add.f32.msk vm6, v2  }
0x73: {  	v10 =	vld [tilespmem:s25+$0x60];
	_ =	sdelay $0x3  }
0x74: {  	vm6 =	vlt.s32 v4, $0x0  }
0x75: {  	v4 =	vsel vm6, $0x3F800000, v1;
	vm6 =	vlt.u32 v10, $0x40000000;
	v11 =	vshrl.u32 v10, $0x14  }
0x76: {  	vm7 =	vlt.s32 v5, $0x0;
	(xrf2) =	vadd.scan.msk.f32 $0xffff, v4;
	v4 =	vand.u32 $0x3FF, v11  }
0x77: {  	v5 =	vsel vm7, $0x3F800000, v1  }
0x78: {  	(xrf2) =	vadd.scan.msk.f32 $0xffff, v5  }
0x79: {  	vm7 =	vlt.s32 v6, $0x0  }
0x7a: {  	v5 =	vsel vm7, $0x3F800000, v1;
	vm7 =	vlt.s32 v7, $0x0  }
0x7b: {  	(xrf2) =	vadd.scan.msk.f32 $0xffff, v5;
	[tilespmem:v4+s11+$0x0] =	vst.idx.add.f32.msk vm6, v2;
	v4 =	vsel vm7, $0x3F800000, v1  }
0x7c: {  	vm6 =	vlt.s32 v8, $0x0;
	(xrf2) =	vadd.scan.msk.f32 $0xffff, v4;
	v4 =	vld [tilespmem:s25+$0x70]  }
0x7d: {  	v5 =	vsel vm6, $0x3F800000, v1  }
0x7e: {  	(xrf2) =	vadd.scan.msk.f32 $0xffff, v5  }
0x7f: {  	vm6 =	vlt.s32 v9, $0x0  }
0x80: {  	v6, _, _ =	vpop (xrf2);
	v5 =	vsel vm6, $0x3F800000, v1;
	vm6 =	vlt.s32 v10, $0x0  }
0x81: {  	(v2sf) =	vpush v6, $0xF;
	(xrf2) =	vadd.scan.msk.f32 $0xffff, v5;
	v5 =	vsel vm6, $0x3F800000, v1;
	vm6 =	vlt.s32 v4, $0x0  }
0x82: {  	v6, _, _ =	vpop (xrf2);
	(xrf2) =	vadd.scan.msk.f32 $0xffff, v5;
	v5 =	vsel vm6, $0x3F800000, v1;
	vm6 =	vlt.u32 v4, $0x40000000;
	v4 =	vshrl.u32 v4, $0x14  }
0x83: {  	(xrf2) =	vadd.scan.msk.f32 $0xffff, v5;
	v4 =	vand.u32 $0x3FF, v4  }
0x84: {  	(v2sf) =	vpush v6, $0xF  }
0x85: {  	v5, _, _ =	vpop (xrf2)  }
0x86: {  	(v2sf) =	vpush v5, $0xF  }
0x87: {  	v5, _, _ =	vpop (xrf2)  }
0x88: {  	s14 =	simm.s32 $0x80;
	(v2sf) =	vpush v5, $0xF;
	v5, _, _ =	vpop (xrf2);
	[tilespmem:v4+s11+$0x0] =	vst.idx.add.f32.msk vm6, v2  }
0x89: {  	(v2sf) =	vpush v5, $0xF;
	v5 =	vld [tilespmem:s14+$0x0];
	_ =	sdelay $0x1  }
0x8a: {  	v4, _, _ =	vpop (xrf2)  }
0x8b: {  	(v2sf) =	vpush v4, $0xF;
	v4, _, _ =	vpop (xrf2)  }
0x8c: {  	(v2sf) =	vpush v4, $0xF;
	v4, _, _ =	vpop (xrf2)  }
0x8d: {  	(v2sf) =	vpush v4, $0xF;
	vm6 =	vlt.u32 v5, $0x40000000;
	v4 =	vshrl.u32 v5, $0x14  }
0x8e: {  	vm7 =	vlt.s32 v5, $0x0;
	v4 =	vand.u32 $0x3FF, v4  }
0x8f: {  	v5 =	vsel vm7, $0x3F800000, v1  }
0x90: {  	s16 =	simm.f32 $0.0e+00;
	s15 =	spop (v2sf);
	(xrf2) =	vadd.scan.msk.f32 $0xffff, v5  }
0x91: {  	s15 =	sadd.f32 s15, s16  }
0x92: {  	s26 =	spop (v2sf)  }
0x93: {  	s15 =	sadd.f32 s26, s15;
	[tilespmem:v4+s11+$0x0] =	vst.idx.add.f32.msk vm6, v2  }
0x94: {  	s28 =	spop (v2sf);
	v4 =	vld [tilespmem:s14+$0x10]  }
0x95: {  	s15 =	sadd.f32 s28, s15  }
0x96: {  	s29 =	spop (v2sf)  }
0x97: {  	s15 =	sadd.f32 s29, s15  }
0x98: {  	s30 =	spop (v2sf)  }
0x99: {  	s15 =	sadd.f32 s30, s15;
	vm6 =	vlt.s32 v4, $0x0  }
0x9a: {  	s31 =	spop (v2sf);
	v5 =	vshrl.u32 v4, $0x14;
	v6, _, _ =	vpop (xrf2);
	v7 =	vsel vm6, $0x3F800000, v1;
	vm6 =	vlt.u32 v4, $0x40000000  }
0x9b: {  	v4 =	vand.u32 $0x3FF, v5;
	(v2sf) =	vpush v6, $0xF;
	s16 =	sadd.f32 s31, s15  }
0x9c: {  	s17 =	spop (v2sf);
	(xrf2) =	vadd.scan.msk.f32 $0xffff, v7  }
0x9d: {  	s15 =	simm.s32 $0x400;
	s16 =	sadd.f32 s17, s16;
	s17 =	spop (v2sf)  }
.LBB2_3:
0x9e: {  	p0 =	sne.s32 s15, $0x13800  }
0x9f: {  	s16 =	sadd.f32 s17, s16;
	s17 =	smov.u32 s15;
	s15 =	sadd.s32 $0x200, s15  }
0xa0: {  	[tilespmem:v4+s11+$0x0] =	vst.idx.add.f32.msk vm6, v2  }
0xa1: {  	v4 =	vld [tilespmem:s14+$0x20];
	_ =	sdelay $0x4  }
0xa2: {  	vm6 =	vlt.u32 v4, $0x40000000;
	v5 =	vshrl.u32 v4, $0x14;
	vm7 =	vlt.s32 v4, $0x0;
	v4, _, _ =	vpop (xrf2)  }
0xa3: {  	v5 =	vand.u32 $0x3FF, v5;
	v6 =	vsel vm7, $0x3F800000, v1;
	(v2sf) =	vpush v4, $0xF  }
0xa4: {  	(xrf2) =	vadd.scan.msk.f32 $0xffff, v6;
	_ =	sdelay $0x1  }
0xa5: {  	s18 =	spop (v2sf);
	_ =	sdelay $0x1  }
0xa6: {  	[tilespmem:v5+s11+$0x0] =	vst.idx.add.f32.msk vm6, v2  }
0xa7: {  	v4 =	vld [tilespmem:s14+$0x30];
	_ =	sdelay $0x4  }
0xa8: {  	vm6 =	vlt.u32 v4, $0x40000000;
	v5 =	vshrl.u32 v4, $0x14;
	vm7 =	vlt.s32 v4, $0x0;
	v4, _, _ =	vpop (xrf2)  }
0xa9: {  	v5 =	vand.u32 $0x3FF, v5;
	v6 =	vsel vm7, $0x3F800000, v1;
	(v2sf) =	vpush v4, $0xF  }
0xaa: {  	(xrf2) =	vadd.scan.msk.f32 $0xffff, v6;
	_ =	sdelay $0x1  }
0xab: {  	s19 =	spop (v2sf);
	_ =	sdelay $0x1  }
0xac: {  	[tilespmem:v5+s11+$0x0] =	vst.idx.add.f32.msk vm6, v2  }
0xad: {  	v4 =	vld [tilespmem:s14+$0x40];
	_ =	sdelay $0x4  }
0xae: {  	vm6 =	vlt.u32 v4, $0x40000000;
	v5 =	vshrl.u32 v4, $0x14;
	vm7 =	vlt.s32 v4, $0x0;
	v4, _, _ =	vpop (xrf2)  }
0xaf: {  	v5 =	vand.u32 $0x3FF, v5;
	v6 =	vsel vm7, $0x3F800000, v1;
	(v2sf) =	vpush v4, $0xF  }
0xb0: {  	(xrf2) =	vadd.scan.msk.f32 $0xffff, v6;
	_ =	sdelay $0x1  }
0xb1: {  	s20 =	spop (v2sf);
	_ =	sdelay $0x1  }
0xb2: {  	[tilespmem:v5+s11+$0x0] =	vst.idx.add.f32.msk vm6, v2  }
0xb3: {  	v4 =	vld [tilespmem:s14+$0x50];
	_ =	sdelay $0x4  }
0xb4: {  	vm6 =	vlt.u32 v4, $0x40000000;
	v5 =	vshrl.u32 v4, $0x14;
	vm7 =	vlt.s32 v4, $0x0;
	v4, _, _ =	vpop (xrf2)  }
0xb5: {  	v5 =	vand.u32 $0x3FF, v5;
	v6 =	vsel vm7, $0x3F800000, v1;
	(v2sf) =	vpush v4, $0xF  }
0xb6: {  	(xrf2) =	vadd.scan.msk.f32 $0xffff, v6;
	_ =	sdelay $0x1  }
0xb7: {  	s21 =	spop (v2sf);
	_ =	sdelay $0x1  }
0xb8: {  	[tilespmem:v5+s11+$0x0] =	vst.idx.add.f32.msk vm6, v2  }
0xb9: {  	v4 =	vld [tilespmem:s14+$0x60];
	_ =	sdelay $0x4  }
0xba: {  	vm6 =	vlt.u32 v4, $0x40000000;
	v5 =	vshrl.u32 v4, $0x14;
	vm7 =	vlt.s32 v4, $0x0;
	v4, _, _ =	vpop (xrf2)  }
0xbb: {  	v5 =	vand.u32 $0x3FF, v5;
	v6 =	vsel vm7, $0x3F800000, v1;
	(v2sf) =	vpush v4, $0xF  }
0xbc: {  	(xrf2) =	vadd.scan.msk.f32 $0xffff, v6;
	_ =	sdelay $0x1  }
0xbd: {  	s22 =	spop (v2sf);
	_ =	sdelay $0x1  }
0xbe: {  	[tilespmem:v5+s11+$0x0] =	vst.idx.add.f32.msk vm6, v2  }
0xbf: {  	v4 =	vld [tilespmem:s14+$0x70];
	_ =	sdelay $0x4  }
0xc0: {  	vm6 =	vlt.u32 v4, $0x40000000;
	v5 =	vshrl.u32 v4, $0x14;
	vm7 =	vlt.s32 v4, $0x0;
	v4, _, _ =	vpop (xrf2)  }
0xc1: {  	v5 =	vand.u32 $0x3FF, v5;
	v6 =	vsel vm7, $0x3F800000, v1;
	(v2sf) =	vpush v4, $0xF  }
0xc2: {  	(xrf2) =	vadd.scan.msk.f32 $0xffff, v6;
	_ =	sdelay $0x1  }
0xc3: {  	s23 =	spop (v2sf);
	_ =	sdelay $0x1  }
0xc4: {  	s14 =	sshra.s32 s17, $0x2;
	[tilespmem:v5+s11+$0x0] =	vst.idx.add.f32.msk vm6, v2  }
0xc5: {  	v4 =	vld [tilespmem:s14+$0x0];
	_ =	sdelay $0x4  }
0xc6: {  	vm6 =	vlt.u32 v4, $0x40000000;
	v5 =	vshrl.u32 v4, $0x14;
	vm7 =	vlt.s32 v4, $0x0;
	v4, _, _ =	vpop (xrf2)  }
0xc7: {  	v5 =	vand.u32 $0x3FF, v5;
	v6 =	vsel vm7, $0x3F800000, v1;
	(v2sf) =	vpush v4, $0xF  }
0xc8: {  	(xrf2) =	vadd.scan.msk.f32 $0xffff, v6  }
0xc9: {  	s16 =	sadd.f32 s18, s16  }
0xca: {  	s17 =	spop (v2sf)  }
0xcb: {  	s16 =	sadd.f32 s19, s16  }
0xcc: {  	[tilespmem:v5+s11+$0x0] =	vst.idx.add.f32.msk vm6, v2  }
0xcd: {  	s16 =	sadd.f32 s20, s16;
	v4 =	vld [tilespmem:s14+$0x10];
	_ =	sdelay $0x1  }
0xce: {  	s16 =	sadd.f32 s21, s16;
	_ =	sdelay $0x1  }
0xcf: {  	s16 =	sadd.f32 s22, s16  }
.Ltmp1:
0xd0: {  	vm6 =	vlt.u32 v4, $0x40000000;
	v5 =	vshrl.u32 v4, $0x14;
	vm7 =	vlt.s32 v4, $0x0;
	v6, _, _ =	vpop (xrf2);
	(pc) =	sbr.rel @p0 .LBB2_3-.Ltmp1, $4  }
0xd1: {  	s16 =	sadd.f32 s23, s16;
	v4 =	vand.u32 $0x3FF, v5;
	v5 =	vsel vm7, $0x3F800000, v1;
	(v2sf) =	vpush v6, $0xF  }
0xd2: {  	(xrf2) =	vadd.scan.msk.f32 $0xffff, v5  }
0xd3: {  	s16 =	sadd.f32 s17, s16  }
0xd4: {  	s17 =	spop (v2sf)  }
0xd5: {  	_ =	sdelay $0x4  }
0xd6: {  	[tilespmem:v4+s11+$0x0] =	vst.idx.add.f32.msk vm6, v2  }
0xd7: {  	v4 =	vld [tilespmem:s14+$0x20];
	_ =	sdelay $0x4  }
0xd8: {  	vm6 =	vlt.u32 v4, $0x40000000;
	v5 =	vshrl.u32 v4, $0x14  }
0xd9: {  	v5 =	vand.u32 $0x3FF, v5;
	_ =	sdelay $0x4  }
0xda: {  	[tilespmem:v5+s11+$0x0] =	vst.idx.add.f32.msk vm6, v2  }
0xdb: {  	v5 =	vld [tilespmem:s14+$0x30];
	_ =	sdelay $0x4  }
0xdc: {  	vm6 =	vlt.u32 v5, $0x40000000;
	v6 =	vshrl.u32 v5, $0x14  }
0xdd: {  	v6 =	vand.u32 $0x3FF, v6;
	_ =	sdelay $0x4  }
0xde: {  	[tilespmem:v6+s11+$0x0] =	vst.idx.add.f32.msk vm6, v2  }
0xdf: {  	v6 =	vld [tilespmem:s14+$0x40];
	_ =	sdelay $0x4  }
0xe0: {  	vm6 =	vlt.u32 v6, $0x40000000;
	v7 =	vshrl.u32 v6, $0x14  }
0xe1: {  	v7 =	vand.u32 $0x3FF, v7;
	_ =	sdelay $0x4  }
0xe2: {  	[tilespmem:v7+s11+$0x0] =	vst.idx.add.f32.msk vm6, v2  }
0xe3: {  	v7 =	vld [tilespmem:s14+$0x50];
	_ =	sdelay $0x4  }
0xe4: {  	vm6 =	vlt.u32 v7, $0x40000000;
	v8 =	vshrl.u32 v7, $0x14  }
0xe5: {  	v8 =	vand.u32 $0x3FF, v8;
	_ =	sdelay $0x4  }
0xe6: {  	[tilespmem:v8+s11+$0x0] =	vst.idx.add.f32.msk vm6, v2  }
0xe7: {  	v8 =	vld [tilespmem:s14+$0x60];
	_ =	sdelay $0x4  }
0xe8: {  	vm6 =	vlt.u32 v8, $0x40000000;
	v9 =	vshrl.u32 v8, $0x14  }
0xe9: {  	v9 =	vand.u32 $0x3FF, v9  }
0xea: {  	vm7 =	vlt.s32 v4, $0x0  }
0xeb: {  	v4 =	vsel vm7, $0x3F800000, v1  }
0xec: {  	(xrf2) =	vadd.scan.msk.f32 $0xffff, v4;
	vm7 =	vlt.s32 v5, $0x0  }
0xed: {  	v4 =	vsel vm7, $0x3F800000, v1  }
0xee: {  	(xrf2) =	vadd.scan.msk.f32 $0xffff, v4;
	vm7 =	vlt.s32 v6, $0x0;
	[tilespmem:v9+s11+$0x0] =	vst.idx.add.f32.msk vm6, v2  }
0xef: {  	v4 =	vsel vm7, $0x3F800000, v1;
	v5 =	vld [tilespmem:s14+$0x70]  }
0xf0: {  	(xrf2) =	vadd.scan.msk.f32 $0xffff, v4;
	vm6 =	vlt.s32 v7, $0x0  }
0xf1: {  	v4 =	vsel vm6, $0x3F800000, v1  }
0xf2: {  	vm6 =	vlt.s32 v8, $0x0;
	(xrf2) =	vadd.scan.msk.f32 $0xffff, v4  }
0xf3: {  	v4 =	vsel vm6, $0x3F800000, v1  }
0xf4: {  	v6, _, _ =	vpop (xrf2);
	(xrf2) =	vadd.scan.msk.f32 $0xffff, v4;
	vm6 =	vlt.s32 v5, $0x0  }
0xf5: {  	(v2sf) =	vpush v6, $0xF;
	v4 =	vsel vm6, $0x3F800000, v1  }
0xf6: {  	v6, _, _ =	vpop (xrf2);
	(xrf2) =	vadd.scan.msk.f32 $0xffff, v4  }
0xf7: {  	(v2sf) =	vpush v6, $0xF;
	vm6 =	vlt.u32 v5, $0x40000000;
	v5 =	vshrl.u32 v5, $0x14  }
0xf8: {  	v4, _, _ =	vpop (xrf2)  }
0xf9: {  	(v2sf) =	vpush v4, $0xF  }
0xfa: {  	v4 =	vand.u32 $0x3FF, v5;
	v5, _, _ =	vpop (xrf2)  }
0xfb: {  	(v2sf) =	vpush v5, $0xF  }
0xfc: {  	v5, _, _ =	vpop (xrf2)  }
0xfd: {  	(v2sf) =	vpush v5, $0xF  }
0xfe: {  	v5, _, _ =	vpop (xrf2)  }
0xff: {  	s15 =	simm.s32 $0xA0F0;
	(v2sf) =	vpush v5, $0xF;
	[tilespmem:v4+s11+$0x0] =	vst.idx.add.f32.msk vm6, v2  }
0x100: {  	v4 =	vld [tilespmem:s15+$0x0];
	v5, _, _ =	vpop (xrf2)  }
0x101: {  	s16 =	sadd.f32 s17, s16;
	(v2sf) =	vpush v5, $0xF  }
0x102: {  	s15 =	spop (v2sf)  }
0x103: {  	s17 =	simm.s32 $0xA0E0;
	s14 =	sadd.f32 s15, s16  }
0x104: {  	v6 =	vld [tilespmem:s17+$0x0];
	s18 =	spop (v2sf)  }
0x105: {  	s14 =	sadd.f32 s18, s14;
	(xrf2) =	vadd.scan.msk.f32 $0xffff, v4  }
0x106: {  	s19 =	spop (v2sf);
	v5 =	vperm.xlane v4, v3  }
0x107: {  	s14 =	sadd.f32 s19, s14  }
0x108: {  	(xrf2) =	vadd.scan.msk.f32 $0xffff, v5;
	s20 =	spop (v2sf)  }
0x109: {  	(xrf2) =	vadd.scan.msk.f32 $0xffff, v6;
	s14 =	sadd.f32 s20, s14  }
0x10a: {  	s21 =	spop (v2sf)  }
0x10b: {  	s14 =	sadd.f32 s21, s14  }
0x10c: {  	s22 =	spop (v2sf)  }
0x10d: {  	s14 =	sadd.f32 s22, s14  }
0x10e: {  	s23 =	spop (v2sf)  }
0x10f: {  	v5, _, _ =	vpop (xrf2);
	s14 =	sadd.f32 s23, s14  }
0x110: {  	(v2sf) =	vpush v5, $0xF;
	s24 =	spop (v2sf)  }
0x111: {  	s25 =	simm.s32 $0xA0D0;
	s14 =	sadd.f32 s24, s14  }
0x112: {  	v7 =	vld [tilespmem:s25+$0x0];
	v5, _, _ =	vpop (xrf2)  }
0x113: {  	v8 =	vperm.xlane v6, v3;
	v9, _, _ =	vpop (xrf2);
	s14 =	sadd.f32 $-9.600000000e+01, s14  }
0x114: {  	v5 =	vperm.xlane v5, v3;
	(v2sf) =	vpush v9, $0xF  }
0x115: {  	s15 =	simm.f32 $0.0e+00;
	(xrf2) =	vadd.scan.msk.f32 $0xffff, v8;
	p0 =	sgt.f32 s14, $0.0e+00;
	s16 =	smul.f32 $3.000000000e+00, s14  }
0x116: {  	v5 =	vadd.f32 s15, v5;
	s26 =	ssub.f32 $2.000000000e+04, s14  }
0x117: {  	v8 =	vperm.xlane v7, v3;
	s16 =	simm.s32 @!p0 $0x453B8000  }
0x118: {  	(xrf2) =	vadd.scan.msk.f32 $0xffff, v7;
	v9 =	vsub.f32 v5, v4;
	s16 =	smin.f32 s16, s26  }
0x119: {  	s28 =	simm.s32 $0xA0C0;
	(xrf2) =	vadd.scan.msk.f32 $0xffff, v8;
	v4 =	vmov s16  }
0x11a: {  	s18 =	simm.s32 $0x3F0;
	vm6 =	vge.f32 v5, v4;
	vm7 =	vlt.f32 v9, v4;
	v5 =	vld [tilespmem:s28+$0x0]  }
0x11b: {  	v8 =	vor.u32 s18, v0;
	vm6 =	vmand vm6, vm7  }
0x11c: {  	v8 =	vcvt.s32.f32 v8;
	v9 =	vnsel vm6, $0x0, v9;
	_ =	sdelay $0x1  }
0x11d: {  	v8 =	vnsel vm6, $0x0, v8;
	(xrf2) =	vadd.scan.msk.f32 $0xffff, v9  }
0x11e: {  	s29 =	spop (v2sf);
	(xrf2) =	vadd.scan.msk.f32 $0xffff, v8;
	v9, _, _ =	vpop (xrf2);
	v8 =	vperm.xlane v5, v3  }
0x11f: {  	s17 =	sadd.f32 s29, s15;
	v9 =	vperm.xlane v9, v3;
	_ =	sdelay $0x1  }
0x120: {  	(xrf2) =	vadd.scan.msk.f32 $0xffff, v5;
	v10, _, _ =	vpop (xrf2);
	v9 =	vadd.f32 s17, v9  }
0x121: {  	(xrf2) =	vadd.scan.msk.f32 $0xffff, v8;
	s30 =	spop (v2sf);
	v8, _, _ =	vpop (xrf2)  }
0x122: {  	s19 =	sadd.f32 s30, s17;
	v11 =	vsub.f32 v9, v6;
	v8 =	vperm.xlane v8, v3  }
0x123: {  	(v2sf) =	vpush v10, $0xF  }
0x124: {  	vm6 =	vge.f32 v9, v4;
	vm7 =	vlt.f32 v11, v4;
	v8 =	vadd.f32 s19, v8  }
0x125: {  	vm6 =	vmand vm6, vm7  }
0x126: {  	s20 =	simm.s32 $0x3E0;
	v12 =	vsub.f32 v8, v7;
	v7 =	vnsel vm6, $0x0, v11  }
0x127: {  	v6 =	vor.u32 s20, v0;
	v10, _, _ =	vpop (xrf2)  }
0x128: {  	s21 =	simm.s32 $0xA0B0;
	v9 =	vcvt.s32.f32 v6;
	(v2sf) =	vpush v10, $0xF;
	(xrf2) =	vadd.scan.msk.f32 $0xffff, v7  }
0x129: {  	v6 =	vld [tilespmem:s21+$0x0];
	v7, _, _ =	vpop (xrf2)  }
0x12a: {  	v9 =	vnsel vm6, $0x0, v9;
	(v2sf) =	vpush v7, $0xF  }
0x12b: {  	(xrf2) =	vadd.scan.msk.f32 $0xffff, v9  }
0x12c: {  	s31 =	simm.s32 $0x3D0;
	v7, _, _ =	vpop (xrf2)  }
0x12d: {  	v10 =	vor.u32 s31, v0;
	(v2sf) =	vpush v7, $0xF  }
0x12e: {  	vm6 =	vge.f32 v8, v4;
	v8 =	vcvt.s32.f32 v10;
	vm7 =	vlt.f32 v12, v4;
	(xrf2) =	vadd.scan.msk.f32 $0xffff, v6  }
0x12f: {  	s22 =	simm.s32 $0x3A0;
	v10 =	vperm.xlane v6, v3;
	vm6 =	vmand vm6, vm7  }
0x130: {  	s18 =	simm.s32 $0x3B0;
	s17 =	simm.f32 $0.0e+00;
	s20 =	simm.s32 $0x3C0;
	v9, _, _ =	vpop (xrf2);
	v7 =	vnsel vm6, $0x0, v8;
	v8 =	vnsel vm6, $0x0, v12  }
.LBB2_5:
0x131: {  	p0 =	sne.s32 s22, $0x0;
	(xrf2) =	vadd.scan.msk.f32 $0xffff, v10;
	s23 =	smov.u32 s22;
	s22 =	sadd.s32 $0xFFFFFFF0, s22  }
0x132: {  	v10, _, _ =	vpop (xrf2)  }
0x133: {  	s24 =	spop (v2sf)  }
0x134: {  	s21 =	sadd.s32 $0xFFFFFFF0, s21;
	v9 =	vperm.xlane v9, v3;
	s19 =	sadd.f32 s24, s19;
	(xrf2) =	vadd.scan.msk.f32 $0xffff, v8;
	(v2sf) =	vpush v10, $0xF  }
0x135: {  	v8 =	vld [tilespmem:s21+$0x0];
	v10, _, _ =	vpop (xrf2)  }
0x136: {  	v9 =	vadd.f32 s19, v9;
	(v2sf) =	vpush v10, $0xF  }
0x137: {  	(xrf2) =	vadd.scan.msk.f32 $0xffff, v7;
	s24 =	spop (v2sf)  }
.Ltmp2:
0x138: {  	v7, _, _ =	vpop (xrf2);
	v11 =	vsub.f32 v9, v5;
	s15 =	sadd.f32 s24, s15;
	v5 =	vmov v6;
	(pc) =	sbr.rel @p0 .LBB2_5-.Ltmp2, $4  }
0x139: {  	v13 =	vor.u32 s20, v0;
	s20 =	smov.u32 s18;
	s18 =	smov.u32 s23;
	vm6 =	vge.f32 v9, v4;
	s24 =	spop (v2sf)  }
0x13a: {  	v12 =	vcvt.s32.f32 v13;
	v10 =	vperm.xlane v8, v3;
	(xrf2) =	vadd.scan.msk.f32 $0xffff, v8;
	vm7 =	vlt.f32 v11, v4;
	s17 =	sadd.f32 s24, s17;
	v6 =	vmovc v8  }
0x13b: {  	v9, _, _ =	vpop (xrf2);
	vm6 =	vmand vm6, vm7  }
0x13c: {  	(v2sf) =	vpush v7, $0xF;
	v7 =	vnsel vm6, $0x0, v12;
	v8 =	vnsel vm6, $0x0, v11  }
0x13d: {  	[tilespmem:$0x9D00] =	vst v1  }
0x13e: {  	[tilespmem:$0x9D10] =	vst v1  }
0x13f: {  	[tilespmem:$0x9D20] =	vst v1  }
0x140: {  	[tilespmem:$0x9D30] =	vst v1  }
0x141: {  	[tilespmem:$0x9D40] =	vst v1  }
0x142: {  	[tilespmem:$0x9D50] =	vst v1  }
0x143: {  	[tilespmem:$0x9D60] =	vst v1  }
0x144: {  	[tilespmem:$0x9D70] =	vst v1  }
0x145: {  	[tilespmem:$0x9D80] =	vst v1  }
0x146: {  	(xrf2) =	vadd.scan.msk.f32 $0xffff, v10;
	[tilespmem:$0x9D90] =	vst v1  }
0x147: {  	[tilespmem:$0x9DA0] =	vst v1  }
0x148: {  	[tilespmem:$0x9DB0] =	vst v1  }
0x149: {  	[tilespmem:$0x9DC0] =	vst v1  }
0x14a: {  	[tilespmem:$0x9DD0] =	vst v1  }
0x14b: {  	[tilespmem:$0x9DE0] =	vst v1  }
0x14c: {  	[tilespmem:$0x9DF0] =	vst v1  }
0x14d: {  	s21 =	spop (v2sf);
	[tilespmem:$0x9E00] =	vst v1;
	v62, _, _ =	vpop (xrf2)  }
0x14e: {  	v9 =	vperm.xlane v9, v3;
	[tilespmem:$0x9E10] =	vst v1;
	s22 =	sadd.f32 s21, s19;
	v11, _, _ =	vpop (xrf2);
	s29 =	spop (v2sf)  }
0x14f: {  	[tilespmem:$0x9E20] =	vst v1;
	v12, _, _ =	vpop (xrf2);
	s30 =	spop (v2sf)  }
0x150: {  	[tilespmem:$0x9E30] =	vst v1;
	v9 =	vadd.f32 s22, v9;
	v13, _, _ =	vpop (xrf2);
	s23 =	spop (v2sf)  }
0x151: {  	[tilespmem:$0x9E40] =	vst v1;
	v13 =	vperm.xlane v13, v3;
	s22 =	sadd.f32 s23, s22  }
0x152: {  	[tilespmem:$0x9E50] =	vst v1;
	v5 =	vsub.f32 v9, v5  }
0x153: {  	v14 =	vor.u32 s20, v0;
	[tilespmem:$0x9E60] =	vst v1;
	v13 =	vadd.f32 s22, v13  }
0x154: {  	[tilespmem:$0x9E70] =	vst v1;
	v63 =	vcvt.s32.f32 v14;
	vm6 =	vge.f32 v9, v4;
	vm7 =	vlt.f32 v5, v4  }
0x155: {  	[tilespmem:$0x9E80] =	vst v1;
	(xrf2) =	vadd.scan.msk.f32 $0xffff, v8;
	vm6 =	vmand vm6, vm7;
	v6 =	vsub.f32 v13, v6  }
0x156: {  	[tilespmem:$0x9E90] =	vst v1;
	v8 =	vor.u32 s18, v0;
	(xrf2) =	vadd.scan.msk.f32 $0xffff, v7;
	v7 =	vnsel vm6, $0x0, v63  }
0x157: {  	[tilespmem:$0x9EA0] =	vst v1;
	v5 =	vnsel vm6, $0x0, v5;
	vm6 =	vge.f32 v13, v4;
	vm7 =	vlt.f32 v6, v4  }
0x158: {  	[tilespmem:$0x9EB0] =	vst v1;
	(xrf2) =	vadd.scan.msk.f32 $0xffff, v5;
	v5 =	vcvt.s32.f32 v8;
	vm6 =	vmand vm6, vm7  }
0x159: {  	[tilespmem:$0x9EC0] =	vst v1;
	(xrf2) =	vadd.scan.msk.f32 $0xffff, v7;
	v6 =	vnsel vm6, $0x0, v6  }
0x15a: {  	[tilespmem:$0x9ED0] =	vst v1;
	v5 =	vnsel vm6, $0x0, v5;
	(xrf2) =	vadd.scan.msk.f32 $0xffff, v6  }
0x15b: {  	[tilespmem:$0x9EE0] =	vst v1;
	(xrf2) =	vadd.scan.msk.f32 $0xffff, v5  }
0x15c: {  	[tilespmem:$0x9EF0] =	vst v1  }
0x15d: {  	[tilespmem:$0x9F00] =	vst v1  }
0x15e: {  	[tilespmem:$0x9F10] =	vst v1;
	(v2sf) =	vpush v62, $0xF  }
0x15f: {  	[tilespmem:$0x9F20] =	vst v1;
	(v2sf) =	vpush v11, $0xF  }
0x160: {  	[tilespmem:$0x9F30] =	vst v1;
	(v2sf) =	vpush v12, $0xF;
	v5, _, _ =	vpop (xrf2)  }
0x161: {  	[tilespmem:$0x9F40] =	vst v1;
	v6, _, _ =	vpop (xrf2);
	(v2sf) =	vpush v5, $0xF  }
0x162: {  	[tilespmem:$0x9F50] =	vst v1;
	(v2sf) =	vpush v6, $0xF;
	v5, _, _ =	vpop (xrf2)  }
0x163: {  	[tilespmem:$0x9F60] =	vst v1;
	(v2sf) =	vpush v5, $0xF;
	v5, _, _ =	vpop (xrf2)  }
0x164: {  	[tilespmem:$0x9F70] =	vst v1;
	(v2sf) =	vpush v5, $0xF;
	v5, _, _ =	vpop (xrf2)  }
0x165: {  	[tilespmem:$0x9F80] =	vst v1;
	(v2sf) =	vpush v5, $0xF;
	v5, _, _ =	vpop (xrf2)  }
0x166: {  	[tilespmem:$0x9F90] =	vst v1;
	(v2sf) =	vpush v5, $0xF  }
0x167: {  	[tilespmem:$0x9FA0] =	vst v1  }
0x168: {  	[tilespmem:$0x9FB0] =	vst v1  }
0x169: {  	[tilespmem:$0x9FC0] =	vst v1  }
0x16a: {  	[tilespmem:$0x9FD0] =	vst v1  }
0x16b: {  	[tilespmem:$0x9FE0] =	vst v1  }
0x16c: {  	[tilespmem:$0x9FF0] =	vst v1  }
0x16d: {  	[tilespmem:$0xA000] =	vst v1;
	s31 =	spop (v2sf)  }
0x16e: {  	[tilespmem:$0xA010] =	vst v1;
	s17 =	sadd.f32 s30, s17;
	s22 =	spop (v2sf)  }
0x16f: {  	[tilespmem:$0xA020] =	vst v1;
	s23 =	spop (v2sf)  }
0x170: {  	[tilespmem:$0xA030] =	vst v1;
	s17 =	sadd.f32 s22, s17;
	s21 =	spop (v2sf)  }
0x171: {  	[tilespmem:$0xA040] =	vst v1;
	s24 =	spop (v2sf)  }
0x172: {  	[tilespmem:$0xA050] =	vst v1;
	s17 =	sadd.f32 s24, s17;
	s25 =	spop (v2sf)  }
0x173: {  	[tilespmem:$0xA060] =	vst v1;
	s15 =	sadd.f32 s29, s15;
	s26 =	spop (v2sf)  }
0x174: {  	[tilespmem:$0xA070] =	vst v1;
	s17 =	sadd.f32 s26, s17;
	s28 =	spop (v2sf)  }
0x175: {  	[tilespmem:$0xA080] =	vst v1;
	s15 =	sadd.f32 s31, s15;
	s29 =	spop (v2sf)  }
0x176: {  	[tilespmem:$0xA090] =	vst v1;
	s17 =	sadd.f32 s29, s17  }
0x177: {  	[tilespmem:$0xA0A0] =	vst v1  }
0x178: {  	[tilespmem:$0xA0B0] =	vst v1;
	s15 =	sadd.f32 s21, s15;
	s17 =	scvt.f32.s32 s17  }
0x179: {  	[tilespmem:$0xA0C0] =	vst v1  }
0x17a: {  	[tilespmem:$0xA0D0] =	vst v1;
	s30 =	sadd.f32 s25, s15;
	s15 =	sshll.u32 s17, $0x14  }
0x17b: {  	[tilespmem:$0xA0E0] =	vst v1;
	s31 =	sadd.s32 $0x100000, s15  }
0x17c: {  	[tilespmem:$0xA0F0] =	vst v1;
	s18 =	simm.s32 $0x0;
	s17 =	sadd.f32 s28, s30;
	v5 =	vmov s15;
	v6 =	vmov s31  }
.LBB2_7:
0x17d: {  	s19 =	sshra.s32 s18, $0x2  }
0x17e: {  	v7 =	vld [tilespmem:s19+$0x0];
	_ =	sdelay $0x4  }
0x17f: {  	vm6 =	vge.s32 v7, v5;
	vm7 =	vlt.s32 v7, v6  }
0x180: {  	v7 =	vshrl.u32 v7, $0xA;
	vm6 =	vmand vm6, vm7  }
0x181: {  	v7 =	vand.u32 $0x3FF, v7;
	_ =	sdelay $0x4  }
0x182: {  	[tilespmem:v7+s11+$0x0] =	vst.idx.add.f32.msk vm6, v2  }
0x183: {  	v7 =	vld [tilespmem:s19+$0x10];
	_ =	sdelay $0x4  }
0x184: {  	vm6 =	vge.s32 v7, v5;
	vm7 =	vlt.s32 v7, v6  }
0x185: {  	v7 =	vshrl.u32 v7, $0xA;
	vm6 =	vmand vm6, vm7  }
0x186: {  	v7 =	vand.u32 $0x3FF, v7;
	_ =	sdelay $0x4  }
0x187: {  	[tilespmem:v7+s11+$0x0] =	vst.idx.add.f32.msk vm6, v2  }
0x188: {  	v7 =	vld [tilespmem:s19+$0x20];
	_ =	sdelay $0x4  }
0x189: {  	vm6 =	vge.s32 v7, v5;
	vm7 =	vlt.s32 v7, v6  }
0x18a: {  	v7 =	vshrl.u32 v7, $0xA;
	vm6 =	vmand vm6, vm7  }
0x18b: {  	v7 =	vand.u32 $0x3FF, v7;
	_ =	sdelay $0x4  }
0x18c: {  	[tilespmem:v7+s11+$0x0] =	vst.idx.add.f32.msk vm6, v2  }
0x18d: {  	v7 =	vld [tilespmem:s19+$0x30];
	_ =	sdelay $0x4  }
0x18e: {  	vm6 =	vge.s32 v7, v5;
	vm7 =	vlt.s32 v7, v6  }
0x18f: {  	v7 =	vshrl.u32 v7, $0xA;
	vm6 =	vmand vm6, vm7  }
0x190: {  	v7 =	vand.u32 $0x3FF, v7;
	_ =	sdelay $0x4  }
0x191: {  	[tilespmem:v7+s11+$0x0] =	vst.idx.add.f32.msk vm6, v2  }
0x192: {  	v7 =	vld [tilespmem:s19+$0x40];
	_ =	sdelay $0x4  }
0x193: {  	vm6 =	vge.s32 v7, v5;
	vm7 =	vlt.s32 v7, v6  }
0x194: {  	v7 =	vshrl.u32 v7, $0xA;
	vm6 =	vmand vm6, vm7  }
0x195: {  	v7 =	vand.u32 $0x3FF, v7;
	_ =	sdelay $0x4  }
0x196: {  	[tilespmem:v7+s11+$0x0] =	vst.idx.add.f32.msk vm6, v2  }
0x197: {  	v7 =	vld [tilespmem:s19+$0x50];
	_ =	sdelay $0x4  }
0x198: {  	vm6 =	vge.s32 v7, v5;
	vm7 =	vlt.s32 v7, v6  }
0x199: {  	v7 =	vshrl.u32 v7, $0xA;
	vm6 =	vmand vm6, vm7  }
0x19a: {  	v7 =	vand.u32 $0x3FF, v7;
	_ =	sdelay $0x4  }
0x19b: {  	[tilespmem:v7+s11+$0x0] =	vst.idx.add.f32.msk vm6, v2  }
0x19c: {  	v7 =	vld [tilespmem:s19+$0x60];
	_ =	sdelay $0x4  }
0x19d: {  	vm6 =	vge.s32 v7, v5;
	vm7 =	vlt.s32 v7, v6  }
0x19e: {  	v7 =	vshrl.u32 v7, $0xA;
	vm6 =	vmand vm6, vm7  }
0x19f: {  	v7 =	vand.u32 $0x3FF, v7;
	_ =	sdelay $0x4  }
0x1a0: {  	[tilespmem:v7+s11+$0x0] =	vst.idx.add.f32.msk vm6, v2  }
0x1a1: {  	v7 =	vld [tilespmem:s19+$0x70];
	_ =	sdelay $0x4  }
0x1a2: {  	vm6 =	vge.s32 v7, v5;
	vm7 =	vlt.s32 v7, v6  }
0x1a3: {  	v7 =	vshrl.u32 v7, $0xA;
	vm6 =	vmand vm6, vm7  }
0x1a4: {  	p0 =	seq.s32 s18, $0x13800;
	v7 =	vand.u32 $0x3FF, v7  }
.Ltmp3:
0x1a5: {  	_ = 	snop;
	(pc) =	sbr.rel @!p0 .LBB2_7-.Ltmp3, $2  }
0x1a6: {  	_ =	sdelay $0x2  }
0x1a7: {  	s18 =	sadd.s32 $0x200, s18;
	[tilespmem:v7+s11+$0x0] =	vst.idx.add.f32.msk vm6, v2  }
0x1a8: {  	s19 =	simm.s32 $0xA0F0  }
0x1a9: {  	v6 =	vld [tilespmem:s19+$0x0];
	_ =	sdelay $0x4  }
0x1aa: {  	(xrf2) =	vadd.scan.msk.f32 $0xffff, v6;
	_ =	sdelay $0x1  }
0x1ab: {  	s25 =	simm.s32 $0xA0E0;
	v8 =	vperm.xlane v6, v3  }
0x1ac: {  	v7 =	vld [tilespmem:s25+$0x0]  }
0x1ad: {  	(xrf2) =	vadd.scan.msk.f32 $0xffff, v8;
	_ =	sdelay $0x3  }
0x1ae: {  	(xrf2) =	vadd.scan.msk.f32 $0xffff, v7;
	_ =	sdelay $0x1  }
0x1af: {  	v8, _, _ =	vpop (xrf2)  }
0x1b0: {  	(v2sf) =	vpush v8, $0xF;
	_ =	sdelay $0x2  }
0x1b1: {  	v10 =	vperm.xlane v7, v3;
	v8, _, _ =	vpop (xrf2)  }
0x1b2: {  	s26 =	simm.s32 $0xA0D0;
	v8 =	vperm.xlane v8, v3  }
0x1b3: {  	s16 =	ssub.f32 s16, s17;
	s17 =	simm.f32 $0.0e+00;
	v9 =	vld [tilespmem:s26+$0x0];
	(xrf2) =	vadd.scan.msk.f32 $0xffff, v10  }
0x1b4: {  	v8 =	vadd.f32 s17, v8  }
0x1b5: {  	v11, _, _ =	vpop (xrf2)  }
0x1b6: {  	(v2sf) =	vpush v11, $0xF;
	v11 =	vsub.f32 v8, v6  }
0x1b7: {  	v5 =	vmov s16  }
0x1b8: {  	v10 =	vperm.xlane v9, v3;
	(xrf2) =	vadd.scan.msk.f32 $0xffff, v9;
	vm6 =	vge.f32 v8, v5;
	vm7 =	vlt.f32 v11, v5  }
0x1b9: {  	s18 =	simm.s32 $0x3F0;
	vm6 =	vmand vm6, vm7  }
0x1ba: {  	(xrf2) =	vadd.scan.msk.f32 $0xffff, v10;
	v8 =	vor.u32 s18, v0;
	v10 =	vnsel vm6, $0x0, v11  }
0x1bb: {  	s28 =	simm.s32 $0xA0C0;
	v8 =	vcvt.s32.f32 v8  }
0x1bc: {  	v6 =	vld [tilespmem:s28+$0x0];
	(xrf2) =	vadd.scan.msk.f32 $0xffff, v10  }
0x1bd: {  	v8 =	vnsel vm6, $0x0, v8;
	v10, _, _ =	vpop (xrf2);
	s29 =	spop (v2sf)  }
0x1be: {  	(xrf2) =	vadd.scan.msk.f32 $0xffff, v8;
	v10 =	vperm.xlane v10, v3;
	s18 =	sadd.f32 s29, s17;
	_ =	sdelay $0x1  }
0x1bf: {  	v10 =	vadd.f32 s18, v10  }
0x1c0: {  	v8 =	vperm.xlane v6, v3;
	(xrf2) =	vadd.scan.msk.f32 $0xffff, v6  }
0x1c1: {  	v11, _, _ =	vpop (xrf2);
	v12 =	vsub.f32 v10, v7  }
0x1c2: {  	(v2sf) =	vpush v11, $0xF  }
0x1c3: {  	vm6 =	vge.f32 v10, v5;
	vm7 =	vlt.f32 v12, v5  }
0x1c4: {  	s21 =	simm.s32 $0x3E0;
	(xrf2) =	vadd.scan.msk.f32 $0xffff, v8;
	v8, _, _ =	vpop (xrf2);
	vm6 =	vmand vm6, vm7  }
0x1c5: {  	s30 =	spop (v2sf);
	v7 =	vor.u32 s21, v0;
	v11, _, _ =	vpop (xrf2);
	v12 =	vnsel vm6, $0x0, v12  }
0x1c6: {  	s22 =	simm.s32 $0xA0B0;
	v8 =	vperm.xlane v8, v3;
	s20 =	sadd.f32 s30, s18;
	v10 =	vcvt.s32.f32 v7;
	(v2sf) =	vpush v11, $0xF;
	(xrf2) =	vadd.scan.msk.f32 $0xffff, v12  }
0x1c7: {  	v7 =	vld [tilespmem:s22+$0x0];
	v62, _, _ =	vpop (xrf2)  }
0x1c8: {  	v8 =	vadd.f32 s20, v8;
	(v2sf) =	vpush v62, $0xF;
	v10 =	vnsel vm6, $0x0, v10  }
0x1c9: {  	(xrf2) =	vadd.scan.msk.f32 $0xffff, v10  }
0x1ca: {  	s31 =	simm.s32 $0x3D0;
	v9 =	vsub.f32 v8, v9;
	v63, _, _ =	vpop (xrf2)  }
0x1cb: {  	v11 =	vor.u32 s31, v0;
	(v2sf) =	vpush v63, $0xF  }
0x1cc: {  	vm6 =	vge.f32 v8, v5;
	v8 =	vcvt.s32.f32 v11;
	vm7 =	vlt.f32 v9, v5;
	(xrf2) =	vadd.scan.msk.f32 $0xffff, v7  }
0x1cd: {  	s23 =	simm.s32 $0x3A0;
	v11 =	vperm.xlane v7, v3;
	vm6 =	vmand vm6, vm7  }
0x1ce: {  	s19 =	simm.s32 $0x3B0;
	s18 =	simm.f32 $0.0e+00;
	s21 =	simm.s32 $0x3C0;
	v10, _, _ =	vpop (xrf2);
	v8 =	vnsel vm6, $0x0, v8;
	v9 =	vnsel vm6, $0x0, v9  }
.LBB2_9:
0x1cf: {  	p0 =	sne.s32 s23, $0x0;
	(xrf2) =	vadd.scan.msk.f32 $0xffff, v11;
	s24 =	smov.u32 s23;
	s23 =	sadd.s32 $0xFFFFFFF0, s23  }
0x1d0: {  	v11, _, _ =	vpop (xrf2)  }
0x1d1: {  	s25 =	spop (v2sf)  }
0x1d2: {  	s22 =	sadd.s32 $0xFFFFFFF0, s22;
	v10 =	vperm.xlane v10, v3;
	s20 =	sadd.f32 s25, s20;
	(xrf2) =	vadd.scan.msk.f32 $0xffff, v9;
	(v2sf) =	vpush v11, $0xF  }
0x1d3: {  	v9 =	vld [tilespmem:s22+$0x0];
	v11, _, _ =	vpop (xrf2)  }
0x1d4: {  	v10 =	vadd.f32 s20, v10;
	(v2sf) =	vpush v11, $0xF  }
0x1d5: {  	(xrf2) =	vadd.scan.msk.f32 $0xffff, v8;
	s25 =	spop (v2sf)  }
.Ltmp4:
0x1d6: {  	v8, _, _ =	vpop (xrf2);
	v12 =	vsub.f32 v10, v6;
	s17 =	sadd.f32 s25, s17;
	v6 =	vmov v7;
	(pc) =	sbr.rel @p0 .LBB2_9-.Ltmp4, $4  }
0x1d7: {  	v14 =	vor.u32 s21, v0;
	s21 =	smov.u32 s19;
	s19 =	smov.u32 s24;
	vm6 =	vge.f32 v10, v5;
	s25 =	spop (v2sf)  }
0x1d8: {  	v13 =	vcvt.s32.f32 v14;
	v11 =	vperm.xlane v9, v3;
	(xrf2) =	vadd.scan.msk.f32 $0xffff, v9;
	vm7 =	vlt.f32 v12, v5;
	s18 =	sadd.f32 s25, s18;
	v7 =	vmovc v9  }
0x1d9: {  	v10, _, _ =	vpop (xrf2);
	vm6 =	vmand vm6, vm7  }
0x1da: {  	(v2sf) =	vpush v8, $0xF;
	v8 =	vnsel vm6, $0x0, v13;
	v9 =	vnsel vm6, $0x0, v12  }
0x1db: {  	[tilespmem:$0x9D00] =	vst v1  }
0x1dc: {  	[tilespmem:$0x9D10] =	vst v1  }
0x1dd: {  	[tilespmem:$0x9D20] =	vst v1  }
0x1de: {  	[tilespmem:$0x9D30] =	vst v1  }
0x1df: {  	[tilespmem:$0x9D40] =	vst v1  }
0x1e0: {  	[tilespmem:$0x9D50] =	vst v1  }
0x1e1: {  	[tilespmem:$0x9D60] =	vst v1  }
0x1e2: {  	[tilespmem:$0x9D70] =	vst v1  }
0x1e3: {  	(xrf2) =	vadd.scan.msk.f32 $0xffff, v11;
	[tilespmem:$0x9D80] =	vst v1  }
0x1e4: {  	[tilespmem:$0x9D90] =	vst v1  }
0x1e5: {  	[tilespmem:$0x9DA0] =	vst v1  }
0x1e6: {  	[tilespmem:$0x9DB0] =	vst v1  }
0x1e7: {  	[tilespmem:$0x9DC0] =	vst v1  }
0x1e8: {  	[tilespmem:$0x9DD0] =	vst v1  }
0x1e9: {  	[tilespmem:$0x9DE0] =	vst v1  }
0x1ea: {  	s22 =	spop (v2sf);
	[tilespmem:$0x9DF0] =	vst v1;
	v62, _, _ =	vpop (xrf2)  }
0x1eb: {  	v10 =	vperm.xlane v10, v3;
	[tilespmem:$0x9E00] =	vst v1;
	s23 =	sadd.f32 s22, s20;
	v12, _, _ =	vpop (xrf2);
	s20 =	spop (v2sf)  }
0x1ec: {  	[tilespmem:$0x9E10] =	vst v1;
	v13, _, _ =	vpop (xrf2);
	s31 =	spop (v2sf)  }
0x1ed: {  	[tilespmem:$0x9E20] =	vst v1;
	v10 =	vadd.f32 s23, v10;
	v14, _, _ =	vpop (xrf2);
	s24 =	spop (v2sf)  }
0x1ee: {  	[tilespmem:$0x9E30] =	vst v1;
	v14 =	vperm.xlane v14, v3;
	s23 =	sadd.f32 s24, s23  }
0x1ef: {  	[tilespmem:$0x9E40] =	vst v1;
	v6 =	vsub.f32 v10, v6  }
0x1f0: {  	v15 =	vor.u32 s21, v0;
	[tilespmem:$0x9E50] =	vst v1;
	v14 =	vadd.f32 s23, v14  }
0x1f1: {  	[tilespmem:$0x9E60] =	vst v1;
	v63 =	vcvt.s32.f32 v15;
	vm6 =	vge.f32 v10, v5;
	vm7 =	vlt.f32 v6, v5  }
0x1f2: {  	[tilespmem:$0x9E70] =	vst v1;
	(xrf2) =	vadd.scan.msk.f32 $0xffff, v9;
	vm6 =	vmand vm6, vm7;
	v7 =	vsub.f32 v14, v7  }
0x1f3: {  	[tilespmem:$0x9E80] =	vst v1;
	(xrf2) =	vadd.scan.msk.f32 $0xffff, v8;
	v8 =	vnsel vm6, $0x0, v63;
	v6 =	vnsel vm6, $0x0, v6  }
0x1f4: {  	[tilespmem:$0x9E90] =	vst v1;
	vm7 =	vge.f32 v14, v5;
	vm6 =	vlt.f32 v7, v5;
	v5 =	vor.u32 s19, v0  }
0x1f5: {  	[tilespmem:$0x9EA0] =	vst v1;
	(xrf2) =	vadd.scan.msk.f32 $0xffff, v6;
	v5 =	vcvt.s32.f32 v5;
	vm6 =	vmand vm7, vm6  }
0x1f6: {  	[tilespmem:$0x9EB0] =	vst v1;
	(xrf2) =	vadd.scan.msk.f32 $0xffff, v8;
	v6 =	vnsel vm6, $0x0, v7  }
0x1f7: {  	[tilespmem:$0x9EC0] =	vst v1;
	v5 =	vnsel vm6, $0x0, v5;
	(xrf2) =	vadd.scan.msk.f32 $0xffff, v6  }
0x1f8: {  	[tilespmem:$0x9ED0] =	vst v1;
	(xrf2) =	vadd.scan.msk.f32 $0xffff, v5  }
0x1f9: {  	[tilespmem:$0x9EE0] =	vst v1  }
0x1fa: {  	[tilespmem:$0x9EF0] =	vst v1  }
0x1fb: {  	[tilespmem:$0x9F00] =	vst v1;
	(v2sf) =	vpush v62, $0xF  }
0x1fc: {  	[tilespmem:$0x9F10] =	vst v1;
	(v2sf) =	vpush v12, $0xF  }
0x1fd: {  	[tilespmem:$0x9F20] =	vst v1;
	(v2sf) =	vpush v13, $0xF;
	v5, _, _ =	vpop (xrf2)  }
0x1fe: {  	[tilespmem:$0x9F30] =	vst v1;
	v6, _, _ =	vpop (xrf2);
	(v2sf) =	vpush v5, $0xF  }
0x1ff: {  	[tilespmem:$0x9F40] =	vst v1;
	(v2sf) =	vpush v6, $0xF;
	v5, _, _ =	vpop (xrf2)  }
0x200: {  	[tilespmem:$0x9F50] =	vst v1;
	(v2sf) =	vpush v5, $0xF;
	v5, _, _ =	vpop (xrf2)  }
0x201: {  	[tilespmem:$0x9F60] =	vst v1;
	(v2sf) =	vpush v5, $0xF;
	v5, _, _ =	vpop (xrf2)  }
0x202: {  	[tilespmem:$0x9F70] =	vst v1;
	(v2sf) =	vpush v5, $0xF;
	v5, _, _ =	vpop (xrf2)  }
0x203: {  	[tilespmem:$0x9F80] =	vst v1;
	(v2sf) =	vpush v5, $0xF  }
0x204: {  	[tilespmem:$0x9F90] =	vst v1  }
0x205: {  	[tilespmem:$0x9FA0] =	vst v1  }
0x206: {  	[tilespmem:$0x9FB0] =	vst v1  }
0x207: {  	[tilespmem:$0x9FC0] =	vst v1  }
0x208: {  	[tilespmem:$0x9FD0] =	vst v1  }
0x209: {  	[tilespmem:$0x9FE0] =	vst v1  }
0x20a: {  	[tilespmem:$0x9FF0] =	vst v1;
	s19 =	spop (v2sf)  }
0x20b: {  	[tilespmem:$0xA000] =	vst v1;
	s18 =	sadd.f32 s31, s18;
	s24 =	spop (v2sf)  }
0x20c: {  	[tilespmem:$0xA010] =	vst v1;
	s25 =	spop (v2sf)  }
0x20d: {  	[tilespmem:$0xA020] =	vst v1;
	s18 =	sadd.f32 s24, s18;
	s22 =	spop (v2sf)  }
0x20e: {  	[tilespmem:$0xA030] =	vst v1;
	s26 =	spop (v2sf)  }
0x20f: {  	[tilespmem:$0xA040] =	vst v1;
	s18 =	sadd.f32 s26, s18;
	s28 =	spop (v2sf)  }
0x210: {  	[tilespmem:$0xA050] =	vst v1;
	s29 =	spop (v2sf)  }
0x211: {  	[tilespmem:$0xA060] =	vst v1;
	s18 =	sadd.f32 s29, s18;
	s30 =	spop (v2sf)  }
0x212: {  	[tilespmem:$0xA070] =	vst v1;
	s17 =	sadd.f32 s20, s17;
	s31 =	spop (v2sf)  }
0x213: {  	[tilespmem:$0xA080] =	vst v1;
	s18 =	sadd.f32 s31, s18  }
0x214: {  	[tilespmem:$0xA090] =	vst v1;
	s17 =	sadd.f32 s19, s17  }
0x215: {  	[tilespmem:$0xA0A0] =	vst v1;
	s18 =	scvt.f32.s32 s18  }
0x216: {  	[tilespmem:$0xA0B0] =	vst v1;
	s17 =	sadd.f32 s22, s17  }
0x217: {  	[tilespmem:$0xA0C0] =	vst v1;
	s18 =	sshll.u32 s18, $0xA  }
0x218: {  	[tilespmem:$0xA0D0] =	vst v1;
	s17 =	sadd.f32 s28, s17;
	s15 =	sadd.s32 s15, s18  }
0x219: {  	[tilespmem:$0xA0E0] =	vst v1;
	s18 =	sadd.s32 $0x400, s15  }
0x21a: {  	[tilespmem:$0xA0F0] =	vst v1;
	s17 =	sadd.f32 s30, s17;
	v5 =	vmov s15;
	v6 =	vmov s18;
	s18 =	simm.s32 $0x0  }
.LBB2_11:
0x21b: {  	s19 =	sshra.s32 s18, $0x2  }
0x21c: {  	v7 =	vld [tilespmem:s19+$0x0];
	_ =	sdelay $0x4  }
0x21d: {  	vm6 =	vge.s32 v7, v5;
	vm7 =	vlt.s32 v7, v6  }
0x21e: {  	vm6 =	vmand vm6, vm7  }
0x21f: {  	v7 =	vand.u32 $0x3FF, v7;
	_ =	sdelay $0x4  }
0x220: {  	[tilespmem:v7+s11+$0x0] =	vst.idx.add.f32.msk vm6, v2  }
0x221: {  	v7 =	vld [tilespmem:s19+$0x10];
	_ =	sdelay $0x4  }
0x222: {  	vm6 =	vge.s32 v7, v5;
	vm7 =	vlt.s32 v7, v6  }
0x223: {  	vm6 =	vmand vm6, vm7  }
0x224: {  	v7 =	vand.u32 $0x3FF, v7;
	_ =	sdelay $0x4  }
0x225: {  	[tilespmem:v7+s11+$0x0] =	vst.idx.add.f32.msk vm6, v2  }
0x226: {  	v7 =	vld [tilespmem:s19+$0x20];
	_ =	sdelay $0x4  }
0x227: {  	vm6 =	vge.s32 v7, v5;
	vm7 =	vlt.s32 v7, v6  }
0x228: {  	vm6 =	vmand vm6, vm7  }
0x229: {  	v7 =	vand.u32 $0x3FF, v7;
	_ =	sdelay $0x4  }
0x22a: {  	[tilespmem:v7+s11+$0x0] =	vst.idx.add.f32.msk vm6, v2  }
0x22b: {  	v7 =	vld [tilespmem:s19+$0x30];
	_ =	sdelay $0x4  }
0x22c: {  	vm6 =	vge.s32 v7, v5;
	vm7 =	vlt.s32 v7, v6  }
0x22d: {  	vm6 =	vmand vm6, vm7  }
0x22e: {  	v7 =	vand.u32 $0x3FF, v7;
	_ =	sdelay $0x4  }
0x22f: {  	[tilespmem:v7+s11+$0x0] =	vst.idx.add.f32.msk vm6, v2  }
0x230: {  	v7 =	vld [tilespmem:s19+$0x40];
	_ =	sdelay $0x4  }
0x231: {  	vm6 =	vge.s32 v7, v5;
	vm7 =	vlt.s32 v7, v6  }
0x232: {  	vm6 =	vmand vm6, vm7  }
0x233: {  	v7 =	vand.u32 $0x3FF, v7;
	_ =	sdelay $0x4  }
0x234: {  	[tilespmem:v7+s11+$0x0] =	vst.idx.add.f32.msk vm6, v2  }
0x235: {  	v7 =	vld [tilespmem:s19+$0x50];
	_ =	sdelay $0x4  }
0x236: {  	vm6 =	vge.s32 v7, v5;
	vm7 =	vlt.s32 v7, v6  }
0x237: {  	vm6 =	vmand vm6, vm7  }
0x238: {  	v7 =	vand.u32 $0x3FF, v7;
	_ =	sdelay $0x4  }
0x239: {  	[tilespmem:v7+s11+$0x0] =	vst.idx.add.f32.msk vm6, v2  }
0x23a: {  	v7 =	vld [tilespmem:s19+$0x60];
	_ =	sdelay $0x4  }
0x23b: {  	vm6 =	vge.s32 v7, v5;
	vm7 =	vlt.s32 v7, v6  }
0x23c: {  	vm6 =	vmand vm6, vm7  }
0x23d: {  	v7 =	vand.u32 $0x3FF, v7;
	_ =	sdelay $0x4  }
0x23e: {  	[tilespmem:v7+s11+$0x0] =	vst.idx.add.f32.msk vm6, v2  }
0x23f: {  	v7 =	vld [tilespmem:s19+$0x70];
	_ =	sdelay $0x4  }
0x240: {  	vm6 =	vge.s32 v7, v5;
	vm7 =	vlt.s32 v7, v6  }
0x241: {  	vm6 =	vmand vm6, vm7  }
0x242: {  	p0 =	seq.s32 s18, $0x13800;
	v7 =	vand.u32 $0x3FF, v7  }
.Ltmp5:
0x243: {  	_ = 	snop;
	(pc) =	sbr.rel @!p0 .LBB2_11-.Ltmp5, $2  }
0x244: {  	_ =	sdelay $0x2  }
0x245: {  	s18 =	sadd.s32 $0x200, s18;
	[tilespmem:v7+s11+$0x0] =	vst.idx.add.f32.msk vm6, v2  }
0x246: {  	s18 =	simm.s32 $0xA0F0  }
0x247: {  	v6 =	vld [tilespmem:s18+$0x0];
	_ =	sdelay $0x4  }
0x248: {  	(xrf2) =	vadd.scan.msk.f32 $0xffff, v6;
	_ =	sdelay $0x5  }
0x249: {  	s21 =	simm.s32 $0xA0E0;
	v8 =	vperm.xlane v6, v3  }
0x24a: {  	v7 =	vld [tilespmem:s21+$0x0];
	_ =	sdelay $0x2  }
0x24b: {  	(xrf2) =	vadd.scan.msk.f32 $0xffff, v8;
	v8, _, _ =	vpop (xrf2)  }
0x24c: {  	(v2sf) =	vpush v8, $0xF  }
0x24d: {  	(xrf2) =	vadd.scan.msk.f32 $0xffff, v7;
	_ =	sdelay $0x1  }
0x24e: {  	v8 =	vperm.xlane v7, v3;
	_ =	sdelay $0x1  }
0x24f: {  	(xrf2) =	vadd.scan.msk.f32 $0xffff, v8  }
0x250: {  	s22 =	simm.s32 $0xA0D0  }
0x251: {  	v9 =	vld [tilespmem:s22+$0x0];
	_ =	sdelay $0x2  }
0x252: {  	v8, _, _ =	vpop (xrf2)  }
0x253: {  	v10, _, _ =	vpop (xrf2)  }
0x254: {  	s16 =	ssub.f32 s16, s17;
	(xrf2) =	vadd.scan.msk.f32 $0xffff, v9;
	(v2sf) =	vpush v10, $0xF  }
0x255: {  	v8 =	vperm.xlane v8, v3  }
0x256: {  	v5 =	vmov s16;
	s16 =	simm.f32 $0.0e+00;
	v10 =	vperm.xlane v9, v3  }
0x257: {  	v11 =	vadd.f32 s16, v8;
	v12, _, _ =	vpop (xrf2);
	s19 =	spop (v2sf)  }
0x258: {  	(xrf2) =	vadd.scan.msk.f32 $0xffff, v10;
	v10 =	vperm.xlane v12, v3;
	s24 =	sadd.f32 s19, s16  }
0x259: {  	s20 =	simm.s32 $0x3F0;
	s23 =	simm.s32 $0xA0C0;
	v6 =	vsub.f32 v11, v6  }
0x25a: {  	v13 =	vor.u32 s20, v0;
	v8 =	vld [tilespmem:s23+$0x0];
	v10 =	vadd.f32 s24, v10  }
0x25b: {  	vm6 =	vge.f32 v11, v5;
	v11 =	vcvt.s32.f32 v13;
	vm7 =	vlt.f32 v6, v5  }
0x25c: {  	s25 =	simm.s32 $0xA0B0;
	s26 =	simm.s32 $0x3E0;
	vm6 =	vmand vm6, vm7;
	v7 =	vsub.f32 v10, v7  }
0x25d: {  	v59 =	vor.u32 s26, v0;
	v6 =	vld [tilespmem:s25+$0x0];
	v11 =	vnsel vm6, $0x0, v11  }
0x25e: {  	v57, _, _ =	vpop (xrf2);
	vm6 =	vge.f32 v10, v5;
	vm7 =	vlt.f32 v7, v5;
	v7 =	vcvt.s32.f32 v59  }
0x25f: {  	(xrf2) =	vadd.scan.msk.f32 $0xffff, v8;
	v58 =	vperm.xlane v8, v3;
	(v2sf) =	vpush v57, $0xF;
	vm6 =	vmand vm6, vm7  }
0x260: {  	(xrf2) =	vadd.scan.msk.f32 $0xffff, v11;
	v7 =	vnsel vm6, $0x0, v7  }
0x261: {  	(xrf2) =	vadd.scan.msk.f32 $0xffff, v58  }
0x262: {  	(xrf2) =	vadd.scan.msk.f32 $0xffff, v6  }
0x263: {  	s28 =	spop (v2sf);
	(xrf2) =	vadd.scan.msk.f32 $0xffff, v7;
	v7, _, _ =	vpop (xrf2)  }
0x264: {  	s17 =	sadd.f32 s28, s24;
	v7 =	vperm.xlane v7, v3;
	_ =	sdelay $0x1  }
0x265: {  	v10 =	vadd.f32 s17, v7;
	_ =	sdelay $0x1  }
0x266: {  	v9 =	vsub.f32 v10, v9;
	_ =	sdelay $0x1  }
0x267: {  	s29 =	simm.s32 $0xA0A0;
	v11, _, _ =	vpop (xrf2)  }
0x268: {  	v60 =	vperm.xlane v6, v3;
	(v2sf) =	vpush v11, $0xF;
	v11, _, _ =	vpop (xrf2);
	v7 =	vld [tilespmem:s29+$0x0]  }
0x269: {  	(v2sf) =	vpush v11, $0xF;
	vm7 =	vlt.f32 v9, v5;
	v9, _, _ =	vpop (xrf2)  }
0x26a: {  	(xrf2) =	vadd.scan.msk.f32 $0xffff, v60;
	v62 =	vperm.xlane v9, v3;
	v9, _, _ =	vpop (xrf2)  }
0x26b: {  	s30 =	simm.s32 $0x3D0;
	s31 =	spop (v2sf);
	(v2sf) =	vpush v9, $0xF;
	v63, _, _ =	vpop (xrf2)  }
0x26c: {  	v61 =	vor.u32 s30, v0;
	(v2sf) =	vpush v63, $0xF  }
0x26d: {  	s22 =	simm.s32 $0xA090;
	vm6 =	vge.f32 v10, v5;
	v10 =	vcvt.s32.f32 v61;
	(xrf2) =	vadd.scan.msk.f32 $0xffff, v7  }
0x26e: {  	vm6 =	vmand vm6, vm7;
	v9 =	vld [tilespmem:s22+$0x0]  }
0x26f: {  	s20 =	sadd.f32 s31, s17;
	v10 =	vnsel vm6, $0x0, v10  }
0x270: {  	(xrf2) =	vadd.scan.msk.f32 $0xffff, v10  }
0x271: {  	s21 =	simm.s32 $0x3C0;
	s18 =	simm.s32 $0x3A0;
	v11 =	vperm.xlane v7, v3;
	v10 =	vadd.f32 s20, v62  }
0x272: {  	s23 =	simm.s32 $0x380;
	s19 =	simm.s32 $0x3B0;
	s17 =	simm.s32 $0x390  }
.LBB2_13:
0x273: {  	p0 =	sne.s32 s23, $0x0;
	(xrf2) =	vadd.scan.msk.f32 $0xffff, v11;
	v11 =	vsub.f32 v10, v8;
	v8 =	vmovc v6;
	v6 =	vmov v7;
	v7 =	vmov v9;
	s24 =	smov.u32 s23;
	s23 =	sadd.s32 $0xFFFFFFF0, s23  }
0x274: {  	vm6 =	vge.f32 v10, v5;
	v10 =	vor.u32 s21, v0;
	s21 =	smov.u32 s19;
	s19 =	smov.u32 s18;
	s18 =	smov.u32 s17;
	v9, _, _ =	vpop (xrf2)  }
0x275: {  	v10 =	vcvt.s32.f32 v10;
	s17 =	smov.u32 s24;
	v12 =	vperm.xlane v9, v3;
	vm7 =	vlt.f32 v11, v5  }
0x276: {  	s22 =	sadd.s32 $0xFFFFFFF0, s22;
	(xrf2) =	vadd.scan.msk.f32 $0xffff, v7;
	vm6 =	vmand vm6, vm7  }
.Ltmp6:
0x277: {  	v9 =	vld [tilespmem:s22+$0x0];
	v13, _, _ =	vpop (xrf2);
	v10 =	vnsel vm6, $0x0, v10;
	s24 =	spop (v2sf);
	(pc) =	sbr.rel @p0 .LBB2_13-.Ltmp6, $4  }
0x278: {  	s20 =	sadd.f32 s24, s20;
	s24 =	spop (v2sf)  }
0x279: {  	(xrf2) =	vadd.scan.msk.f32 $0xffff, v10;
	s16 =	sadd.f32 s24, s16  }
0x27a: {  	v11 =	vperm.xlane v7, v3;
	(v2sf) =	vpush v13, $0xF;
	v10 =	vadd.f32 s20, v12;
	v12, _, _ =	vpop (xrf2)  }
0x27b: {  	(v2sf) =	vpush v12, $0xF  }
0x27c: {  	_ =	sdelay $0x2  }
0x27d: {  	v12, _, _ =	vpop (xrf2)  }
0x27e: {  	v8 =	vsub.f32 v10, v8;
	v13, _, _ =	vpop (xrf2)  }
0x27f: {  	v14 =	vor.u32 s21, v0;
	(v2sf) =	vpush v13, $0xF  }
0x280: {  	vm6 =	vge.f32 v10, v5;
	v54 =	vcvt.s32.f32 v14;
	vm7 =	vlt.f32 v8, v5  }
0x281: {  	(xrf2) =	vadd.scan.msk.f32 $0xffff, v11;
	vm6 =	vmand vm6, vm7  }
0x282: {  	v55 =	vperm.xlane v9, v3;
	(xrf2) =	vadd.scan.msk.f32 $0xffff, v9;
	v8 =	vnsel vm6, $0x0, v54  }
0x283: {  	(xrf2) =	vadd.scan.msk.f32 $0xffff, v8  }
0x284: {  	(xrf2) =	vadd.scan.msk.f32 $0xffff, v55;
	_ =	sdelay $0x3  }
0x285: {  	s29 =	spop (v2sf)  }
0x286: {  	s20 =	sadd.f32 s29, s20;
	v57 =	vperm.xlane v12, v3  }
0x287: {  	s30 =	spop (v2sf);
	v56, _, _ =	vpop (xrf2)  }
0x288: {  	v10 =	vadd.f32 s20, v57;
	v11, _, _ =	vpop (xrf2);
	s22 =	spop (v2sf)  }
0x289: {  	v11 =	vperm.xlane v11, v3;
	v58, _, _ =	vpop (xrf2);
	s20 =	sadd.f32 s22, s20  }
0x28a: {  	v6 =	vsub.f32 v10, v6;
	s31 =	spop (v2sf);
	v59, _, _ =	vpop (xrf2)  }
0x28b: {  	v15 =	vor.u32 s19, v0;
	vm6 =	vge.f32 v10, v5;
	v60, _, _ =	vpop (xrf2);
	v11 =	vadd.f32 s20, v11;
	s23 =	spop (v2sf)  }
0x28c: {  	vm7 =	vlt.f32 v6, v5;
	v6 =	vcvt.s32.f32 v15;
	v14 =	vperm.xlane v60, v3;
	s23 =	sadd.f32 s23, s20  }
0x28d: {  	vm6 =	vmand vm6, vm7;
	v7 =	vsub.f32 v11, v7  }
0x28e: {  	v62 =	vor.u32 s18, v0;
	v6 =	vnsel vm6, $0x0, v6;
	v61 =	vadd.f32 s23, v14  }
0x28f: {  	vm6 =	vge.f32 v11, v5;
	vm7 =	vlt.f32 v7, v5;
	v7 =	vcvt.s32.f32 v62  }
0x290: {  	vm6 =	vmand vm6, vm7;
	v63 =	vsub.f32 v61, v9  }
0x291: {  	(xrf2) =	vadd.scan.msk.f32 $0xffff, v6;
	v6 =	vor.u32 s17, v0;
	v7 =	vnsel vm6, $0x0, v7  }
0x292: {  	vm7 =	vge.f32 v61, v5;
	vm6 =	vlt.f32 v63, v5;
	v5 =	vcvt.s32.f32 v6  }
0x293: {  	(xrf2) =	vadd.scan.msk.f32 $0xffff, v7;
	vm6 =	vmand vm7, vm6  }
0x294: {  	v5 =	vnsel vm6, $0x0, v5  }
0x295: {  	(xrf2) =	vadd.scan.msk.f32 $0xffff, v5;
	_ =	sdelay $0x2  }
0x296: {  	(v2sf) =	vpush v56, $0xF  }
0x297: {  	(v2sf) =	vpush v58, $0xF  }
0x298: {  	(v2sf) =	vpush v59, $0xF  }
0x299: {  	v5, _, _ =	vpop (xrf2)  }
0x29a: {  	(v2sf) =	vpush v5, $0xF  }
0x29b: {  	v5, _, _ =	vpop (xrf2)  }
0x29c: {  	(v2sf) =	vpush v5, $0xF  }
0x29d: {  	v5, _, _ =	vpop (xrf2)  }
0x29e: {  	(v2sf) =	vpush v5, $0xF;
	_ =	sdelay $0x3  }
0x29f: {  	s16 =	sadd.f32 s30, s16;
	_ =	sdelay $0x1  }
0x2a0: {  	s16 =	sadd.f32 s31, s16  }
0x2a1: {  	s24 =	spop (v2sf)  }
0x2a2: {  	s16 =	sadd.f32 s24, s16;
	s25 =	spop (v2sf)  }
0x2a3: {  	s26 =	spop (v2sf)  }
0x2a4: {  	s16 =	sadd.f32 s26, s16  }
0x2a5: {  	s28 =	spop (v2sf)  }
0x2a6: {  	s16 =	sadd.f32 s28, s16  }
0x2a7: {  	s29 =	spop (v2sf)  }
0x2a8: {  	s16 =	sadd.f32 s29, s16  }
0x2a9: {  	s30 =	spop (v2sf)  }
0x2aa: {  	s16 =	sadd.f32 s30, s16;
	_ =	sdelay $0x1  }
0x2ab: {  	s16 =	scvt.f32.s32 s16;
	_ =	sdelay $0x1  }
0x2ac: {  	s18 =	simm.f32 $0.0e+00;
	s19 =	simm.f32 $0.0e+00;
	s31 =	sadd.s32 s16, s15  }
0x2ad: {  	s17 =	simm.f32 $0.0e+00;
	s16 =	simm.f32 $0.0e+00;
	s15 =	simm.s32 $0x0;
	v5 =	vmov s31  }
.LBB2_15:
0x2ae: {  	s20 =	sshra.s32 s15, $0x2  }
0x2af: {  	v6 =	vld [tilespmem:s20+$0x0];
	_ =	sdelay $0x1  }
0x2b0: {  	v7 =	vld [tilespmem:s20+$0x4E80];
	_ =	sdelay $0x1  }
0x2b1: {  	v8 =	vld [tilespmem:s20+$0x10]  }
0x2b2: {  	vm6 =	vgt.s32 v6, v5  }
0x2b3: {  	v10 =	vld [tilespmem:s20+$0x4E90];
	v9 =	vsel vm6, $0x3F800000, v1  }
0x2b4: {  	vm7 =	veq.s32 v6, v5;
	v6 =	vnsel vm6, $0x0, v7;
	(xrf2) =	vadd.scan.msk.f32 $0xffff, v9  }
0x2b5: {  	v53 =	vld [tilespmem:s20+$0x20];
	(xrf2) =	vadd.scan.msk.f32 $0xffff, v6;
	v6 =	vsel vm7, $0x3F800000, v1  }
0x2b6: {  	vm6 =	vgt.s32 v8, v5;
	(xrf2) =	vadd.scan.msk.f32 $0xffff, v6;
	v6 =	vnsel vm7, $0x0, v7  }
0x2b7: {  	v7 =	vld [tilespmem:s20+$0x4EA0];
	(xrf2) =	vadd.scan.msk.f32 $0xffff, v6;
	v6 =	vsel vm6, $0x3F800000, v1  }
0x2b8: {  	vm7 =	veq.s32 v8, v5;
	(xrf2) =	vadd.scan.msk.f32 $0xffff, v6;
	v6 =	vnsel vm6, $0x0, v10  }
0x2b9: {  	v54 =	vld [tilespmem:s20+$0x30];
	(xrf2) =	vadd.scan.msk.f32 $0xffff, v6;
	v6 =	vsel vm7, $0x3F800000, v1  }
0x2ba: {  	vm6 =	vgt.s32 v53, v5;
	(xrf2) =	vadd.scan.msk.f32 $0xffff, v6;
	v6 =	vnsel vm7, $0x0, v10  }
0x2bb: {  	v55 =	vld [tilespmem:s20+$0x4EB0];
	(xrf2) =	vadd.scan.msk.f32 $0xffff, v6;
	v6 =	vsel vm6, $0x3F800000, v1  }
0x2bc: {  	vm7 =	veq.s32 v53, v5;
	(xrf2) =	vadd.scan.msk.f32 $0xffff, v6;
	v6 =	vnsel vm6, $0x0, v7  }
0x2bd: {  	v56 =	vld [tilespmem:s20+$0x40];
	(xrf2) =	vadd.scan.msk.f32 $0xffff, v6;
	v6 =	vsel vm7, $0x3F800000, v1  }
0x2be: {  	vm6 =	vgt.s32 v54, v5;
	v11, _, _ =	vpop (xrf2);
	(xrf2) =	vadd.scan.msk.f32 $0xffff, v6;
	v6 =	vnsel vm7, $0x0, v7  }
0x2bf: {  	v57 =	vld [tilespmem:s20+$0x4EC0];
	(v2sf) =	vpush v11, $0xF;
	v7, _, _ =	vpop (xrf2);
	(xrf2) =	vadd.scan.msk.f32 $0xffff, v6;
	v6 =	vsel vm6, $0x3F800000, v1  }
0x2c0: {  	vm7 =	veq.s32 v54, v5;
	(v2sf) =	vpush v7, $0xF;
	v7, _, _ =	vpop (xrf2);
	(xrf2) =	vadd.scan.msk.f32 $0xffff, v6;
	v6 =	vnsel vm6, $0x0, v55  }
0x2c1: {  	v58 =	vld [tilespmem:s20+$0x50];
	(v2sf) =	vpush v7, $0xF;
	v7, _, _ =	vpop (xrf2);
	(xrf2) =	vadd.scan.msk.f32 $0xffff, v6;
	v6 =	vsel vm7, $0x3F800000, v1  }
0x2c2: {  	vm6 =	vgt.s32 v56, v5;
	(v2sf) =	vpush v7, $0xF;
	v7, _, _ =	vpop (xrf2);
	(xrf2) =	vadd.scan.msk.f32 $0xffff, v6;
	v6 =	vnsel vm7, $0x0, v55  }
0x2c3: {  	v59 =	vld [tilespmem:s20+$0x4ED0];
	(v2sf) =	vpush v7, $0xF;
	v7, _, _ =	vpop (xrf2);
	(xrf2) =	vadd.scan.msk.f32 $0xffff, v6;
	v6 =	vsel vm6, $0x3F800000, v1  }
0x2c4: {  	vm7 =	veq.s32 v56, v5;
	(v2sf) =	vpush v7, $0xF;
	v7, _, _ =	vpop (xrf2);
	(xrf2) =	vadd.scan.msk.f32 $0xffff, v6;
	v6 =	vnsel vm6, $0x0, v57  }
0x2c5: {  	v60 =	vld [tilespmem:s20+$0x60];
	(v2sf) =	vpush v7, $0xF;
	v7, _, _ =	vpop (xrf2);
	(xrf2) =	vadd.scan.msk.f32 $0xffff, v6;
	v6 =	vsel vm7, $0x3F800000, v1  }
0x2c6: {  	vm6 =	vgt.s32 v58, v5;
	(v2sf) =	vpush v7, $0xF;
	v7, _, _ =	vpop (xrf2);
	(xrf2) =	vadd.scan.msk.f32 $0xffff, v6;
	v6 =	vnsel vm7, $0x0, v57  }
0x2c7: {  	v61 =	vld [tilespmem:s20+$0x4EE0];
	(v2sf) =	vpush v7, $0xF;
	v7, _, _ =	vpop (xrf2);
	(xrf2) =	vadd.scan.msk.f32 $0xffff, v6;
	v6 =	vsel vm6, $0x3F800000, v1  }
0x2c8: {  	vm7 =	veq.s32 v58, v5;
	(v2sf) =	vpush v7, $0xF;
	v7, _, _ =	vpop (xrf2);
	(xrf2) =	vadd.scan.msk.f32 $0xffff, v6;
	v6 =	vnsel vm6, $0x0, v59  }
0x2c9: {  	v62 =	vld [tilespmem:s20+$0x70];
	(v2sf) =	vpush v7, $0xF;
	v7, _, _ =	vpop (xrf2);
	(xrf2) =	vadd.scan.msk.f32 $0xffff, v6;
	v6 =	vsel vm7, $0x3F800000, v1  }
0x2ca: {  	vm6 =	vgt.s32 v60, v5;
	(v2sf) =	vpush v7, $0xF;
	v7, _, _ =	vpop (xrf2);
	(xrf2) =	vadd.scan.msk.f32 $0xffff, v6;
	v6 =	vnsel vm7, $0x0, v59  }
0x2cb: {  	v63 =	vld [tilespmem:s20+$0x4EF0];
	(v2sf) =	vpush v7, $0xF;
	v7, _, _ =	vpop (xrf2);
	(xrf2) =	vadd.scan.msk.f32 $0xffff, v6;
	v6 =	vsel vm6, $0x3F800000, v1  }
0x2cc: {  	vm7 =	veq.s32 v60, v5;
	(v2sf) =	vpush v7, $0xF;
	v7, _, _ =	vpop (xrf2);
	(xrf2) =	vadd.scan.msk.f32 $0xffff, v6;
	v6 =	vnsel vm6, $0x0, v61  }
0x2cd: {  	(v2sf) =	vpush v7, $0xF;
	v7, _, _ =	vpop (xrf2);
	(xrf2) =	vadd.scan.msk.f32 $0xffff, v6;
	v6 =	vsel vm7, $0x3F800000, v1  }
0x2ce: {  	vm6 =	vgt.s32 v62, v5;
	(v2sf) =	vpush v7, $0xF;
	v7, _, _ =	vpop (xrf2);
	(xrf2) =	vadd.scan.msk.f32 $0xffff, v6;
	v6 =	vnsel vm7, $0x0, v61  }
0x2cf: {  	s30 =	spop (v2sf);
	(v2sf) =	vpush v7, $0xF;
	v7, _, _ =	vpop (xrf2);
	(xrf2) =	vadd.scan.msk.f32 $0xffff, v6;
	v6 =	vsel vm6, $0x3F800000, v1  }
0x2d0: {  	vm7 =	veq.s32 v62, v5;
	s31 =	spop (v2sf);
	(v2sf) =	vpush v7, $0xF;
	v7, _, _ =	vpop (xrf2);
	(xrf2) =	vadd.scan.msk.f32 $0xffff, v6;
	v6 =	vnsel vm6, $0x0, v63  }
0x2d1: {  	s19 =	sadd.f32 s30, s19;
	s21 =	spop (v2sf);
	(v2sf) =	vpush v7, $0xF;
	v7, _, _ =	vpop (xrf2);
	(xrf2) =	vadd.scan.msk.f32 $0xffff, v6;
	v6 =	vsel vm7, $0x3F800000, v1  }
0x2d2: {  	s18 =	sadd.f32 s31, s18;
	s22 =	spop (v2sf);
	(v2sf) =	vpush v7, $0xF;
	v7, _, _ =	vpop (xrf2);
	(xrf2) =	vadd.scan.msk.f32 $0xffff, v6;
	v6 =	vnsel vm7, $0x0, v63  }
0x2d3: {  	s17 =	sadd.f32 s21, s17;
	s21 =	spop (v2sf)  }
0x2d4: {  	s16 =	sadd.f32 s22, s16;
	s23 =	spop (v2sf);
	(v2sf) =	vpush v7, $0xF;
	v7, _, _ =	vpop (xrf2)  }
0x2d5: {  	s19 =	sadd.f32 s21, s19;
	(xrf2) =	vadd.scan.msk.f32 $0xffff, v6;
	s24 =	spop (v2sf);
	(v2sf) =	vpush v7, $0xF;
	v6, _, _ =	vpop (xrf2)  }
0x2d6: {  	s18 =	sadd.f32 s23, s18;
	s25 =	spop (v2sf);
	v7, _, _ =	vpop (xrf2);
	(v2sf) =	vpush v6, $0xF  }
0x2d7: {  	s17 =	sadd.f32 s24, s17;
	s26 =	spop (v2sf);
	v6, _, _ =	vpop (xrf2);
	(v2sf) =	vpush v7, $0xF  }
0x2d8: {  	s16 =	sadd.f32 s25, s16;
	s28 =	spop (v2sf);
	v7, _, _ =	vpop (xrf2);
	(v2sf) =	vpush v6, $0xF  }
0x2d9: {  	s19 =	sadd.f32 s26, s19;
	s29 =	spop (v2sf);
	v6, _, _ =	vpop (xrf2);
	(v2sf) =	vpush v7, $0xF  }
0x2da: {  	s18 =	sadd.f32 s28, s18;
	s30 =	spop (v2sf);
	v7, _, _ =	vpop (xrf2);
	(v2sf) =	vpush v6, $0xF  }
0x2db: {  	s17 =	sadd.f32 s29, s17;
	s31 =	spop (v2sf);
	v6, _, _ =	vpop (xrf2);
	(v2sf) =	vpush v7, $0xF  }
0x2dc: {  	s16 =	sadd.f32 s30, s16;
	s21 =	spop (v2sf);
	(v2sf) =	vpush v6, $0xF  }
0x2dd: {  	s19 =	sadd.f32 s31, s19;
	v7, _, _ =	vpop (xrf2);
	s22 =	spop (v2sf)  }
0x2de: {  	s18 =	sadd.f32 s21, s18;
	v6, _, _ =	vpop (xrf2);
	(v2sf) =	vpush v7, $0xF;
	s23 =	spop (v2sf)  }
0x2df: {  	s17 =	sadd.f32 s22, s17;
	(v2sf) =	vpush v6, $0xF;
	v6, _, _ =	vpop (xrf2);
	s24 =	spop (v2sf)  }
0x2e0: {  	s16 =	sadd.f32 s23, s16;
	(v2sf) =	vpush v6, $0xF;
	s25 =	spop (v2sf)  }
0x2e1: {  	s19 =	sadd.f32 s24, s19;
	s26 =	spop (v2sf)  }
0x2e2: {  	s18 =	sadd.f32 s25, s18;
	s28 =	spop (v2sf)  }
0x2e3: {  	s17 =	sadd.f32 s26, s17;
	s29 =	spop (v2sf)  }
0x2e4: {  	s16 =	sadd.f32 s28, s16;
	s30 =	spop (v2sf)  }
0x2e5: {  	s19 =	sadd.f32 s29, s19;
	s31 =	spop (v2sf)  }
0x2e6: {  	s18 =	sadd.f32 s30, s18;
	s22 =	spop (v2sf)  }
0x2e7: {  	s17 =	sadd.f32 s31, s17;
	s23 =	spop (v2sf)  }
0x2e8: {  	s16 =	sadd.f32 s22, s16;
	s24 =	spop (v2sf)  }
0x2e9: {  	s19 =	sadd.f32 s23, s19;
	s25 =	spop (v2sf)  }
0x2ea: {  	s18 =	sadd.f32 s24, s18;
	s26 =	spop (v2sf)  }
0x2eb: {  	p0 =	sne.s32 s15, $0x13800;
	s17 =	sadd.f32 s25, s17;
	s28 =	spop (v2sf)  }
.Ltmp7:
0x2ec: {  	s16 =	sadd.f32 s26, s16;
	(pc) =	sbr.rel @p0 .LBB2_15-.Ltmp7, $4  }
0x2ed: {  	s29 =	spop (v2sf);
	s19 =	sadd.f32 s28, s19  }
0x2ee: {  	s30 =	spop (v2sf);
	s18 =	sadd.f32 s29, s18  }
0x2ef: {  	s17 =	sadd.f32 s30, s17;
	s31 =	spop (v2sf)  }
0x2f0: {  	s15 =	sadd.s32 $0x200, s15;
	s16 =	sadd.f32 s31, s16  }
0x2f1: {  	v5 =	vmov s18;
	v6 =	vmov s14  }
0x2f2: {  	v5 =	vnsel vm0, $0x0, v5;
	v6 =	vnsel vm1, $0x0, v6  }
0x2f3: {  	v61 =	vmov s19;
	v5 =	vadd.f32 v5, v6  }
0x2f4: {  	v6 =	vnsel vm2, $0x0, v61  }
0x2f5: {  	v62 =	vmov s17;
	v5 =	vadd.f32 v5, v6  }
0x2f6: {  	v6 =	vnsel vm3, $0x0, v62  }
0x2f7: {  	v63 =	vmov s16;
	v5 =	vadd.f32 v5, v6  }
0x2f8: {  	v6 =	vnsel vm4, $0x0, v63  }
0x2f9: {  	v5 =	vadd.f32 v5, v6  }
0x2fa: {  	v4 =	vnsel vm5, $0x0, v4  }
0x2fb: {  	s13 =	sadd.s32 $0x1, s13;
	v4 =	vadd.f32 v5, v4  }
0x2fc: {  	p0 =	sne.s32 s13, s6  }
.Ltmp8:
0x2fd: {  	[tilespmem:$0xA100] =	vst v4;
	(pc) =	sbr.rel @p0 .LBB2_2-.Ltmp8, $4  }
0x2fe: {  	[hbm4b:s4+s2] =	stream.linear.scatter [tilespmem:s12], [sflag:$0x1], $0x80, $0x38;
	[tilespmem:$0xA180] =	vst v63  }
0x2ff: {  	_ =	swait.ge [sflag:s9], $0x80  }
0x300: {  	[sflag:s9] =	ssyncset.done $0x0  }
0x301: {  	[sflag:s9] =	ssyncadd.s32 $0xFFFFFF80  }
.LBB2_17:
0x302: {  	_ =	sfence.sel $0x180000  }
0x303: {  	[bflag:$0x0] =	sbarrier.arrive $0xFFFF  }
0x304: {  	p0 =	sne.s32 s1, $0x0;
	_ =	strace $0x90000047  }
0x305: {  	s0 =	sadd.s32 @!p0 $0x100000, s0;
	[bflag:$0x2] =	sbarrier.arrive $0xFFFF  }
0x306: {  	[sflag:s0] =	ssyncadd.tile.s32 @!p0 $0x1;
	_ =	shalt  }
.Lfunc_end2:
_tile_overlayer_lowered:
.L_overlay_start_2:
0x307: {  	(tag) =	ssettag $0x2  }
0x308: {  	s0 =	rddreg [dreg:$0x0];
	s2 =	stileid.u32  }
0x309: {  	s1 =	rddreg [dreg:$0x1];
	p0 =	sne.s32 s2, $0x0  }
0x30a: {  	s3 =	rddreg [dreg:$0x2];
	[bflag:$0x3] =	sbarrier.arrive $0xFFFF;
	s2 =	simm.s32 @!p0 $0x1C01  }
0x30b: {  	[timem:s3], [sflag:s2] =	dma.local @!p0 [hbm:s0], s1  }
0x30c: {  	s0 =	simm.s32 @!p0 $0x1  }
0x30d: {  	_ =	swait.ge @!p0 [sflag:s0], s1  }
0x30e: {  	s1 =	ssub.s32 @!p0 $0x0, s1;
	[sflag:s0] =	ssyncset.done @!p0 $0x0  }
0x30f: {  	[sflag:s0] =	ssyncadd.s32 @!p0 s1  }
0x310: {  	[bflag:$0x3] =	sbarrier.arrive $0xFFFF  }
0x311: {  	_ =	shalt  }

</sc_bundles>
